<compile_context>
chip_gen: v7x
topology: tpu7x:2x2x1
jax: 0.10.2.dev20260603
libtpu: 0.0.44.dev20260713+nightly
codegen_flags: <defaults>
</compile_context>

<pallas_src>
import functools

import jax
import jax.numpy as jnp
from jax import lax
from jax.experimental import pallas as pl
from jax.experimental.pallas import tpu as pltpu
from jax.experimental.pallas import tpu_sc as plsc

NC = 2
NS = 16
NW = NC * NS
L = 16

CHUNK = 128
IDX_GRP = 8

N = 10000
E = 160000
D = 256
DH = D // 2

N_PAD = 10240
ROWS_PER_TILE = N_PAD // NS
E_PAD = 163840
NCHUNK_T = E_PAD // (NS * CHUNK)
NCHUNK_W = E_PAD // (NW * CHUNK)
PAD_DST = 10016

NGRP_T = NCHUNK_T // IDX_GRP
NGRP_W = NCHUNK_W // IDX_GRP
WB = ROWS_PER_TILE // CHUNK

_MESH = dict(core_axis_name="c", subcore_axis_name="s")


def _sc_aggregate(xa, xb, src, dst, iota_rows):

  @functools.partial(
      pl.kernel,
      out_type=(
          jax.ShapeDtypeStruct((N_PAD, DH), jnp.float32),
          jax.ShapeDtypeStruct((N_PAD, DH), jnp.float32),
          jax.ShapeDtypeStruct((N_PAD, DH), jnp.float32),
          jax.ShapeDtypeStruct((N_PAD, DH), jnp.float32),
      ),
      mesh=plsc.VectorSubcoreMesh(**_MESH),
      scratch_types=[
          pltpu.VMEM((IDX_GRP, CHUNK), jnp.int32),
          pltpu.VMEM((IDX_GRP, CHUNK), jnp.int32),
          pltpu.VMEM((WB, CHUNK), jnp.int32),
          pltpu.VMEM((CHUNK, DH), jnp.float32),
          pltpu.VMEM((CHUNK, DH), jnp.float32),
          pltpu.SemaphoreType.DMA,
          pltpu.SemaphoreType.DMA,
          pltpu.SemaphoreType.DMA,
          pltpu.SemaphoreType.DMA,
          pltpu.VMEM_SHARED((N_PAD, DH), jnp.float32),
      ],
  )
  def agg_kernel(xa_hbm, xb_hbm, src_hbm, dst_hbm, iota_hbm,
                 suma_hbm, sumb_hbm, cnt0_hbm, cnt1_hbm,
                 src_v, dst_v, riox_v, rows_v, rows_w, sem0, sem1,
                 ssem0, ssem1, acc):
    c = lax.axis_index("c")
    s = lax.axis_index("s")
    row0 = s * ROWS_PER_TILE

    @pl.loop(0, CHUNK)
    def _zero_rows(i):
      for k in range(DH // L):
        rows_v[i, k * L:(k + 1) * L] = jnp.zeros((L,), jnp.float32)

    pltpu.sync_copy(iota_hbm.at[s], riox_v)

    for q in range(WB):
      pltpu.sync_copy(rows_v, acc.at[riox_v.at[q]])

    plsc.subcore_barrier()

    bufs = (rows_v, rows_w)
    gsems = (sem0, sem1)
    ssems = (ssem0, ssem1)

    def _pipeline(x_hbm):
      gd = pltpu.async_copy(x_hbm.at[src_v.at[0]], bufs[0], gsems[0])
      sd = [None, None]
      for j in range(IDX_GRP):
        b = j % 2
        gd.wait()
        sd[b] = pltpu.async_copy(bufs[b], acc.at[dst_v.at[j]],
                                 ssems[b], add=True)
        if j + 1 < IDX_GRP:
          nb = (j + 1) % 2
          if sd[nb] is not None:
            sd[nb].wait()
          gd = pltpu.async_copy(x_hbm.at[src_v.at[j + 1]], bufs[nb],
                                gsems[nb])
      sd[0].wait()
      sd[1].wait()

    @pl.loop(0, NGRP_T)
    def _grp(h):
      pltpu.sync_copy(src_hbm.at[s, h], src_v)
      pltpu.sync_copy(dst_hbm.at[s, h], dst_v)

      @pl.when(c == 0)
      def _():
        _pipeline(xa_hbm)

      @pl.when(c == 1)
      def _():
        _pipeline(xb_hbm)

    plsc.subcore_barrier()

    for q in range(WB):
      r = pl.multiple_of(row0 + q * CHUNK, CHUNK)
      pltpu.sync_copy(acc.at[riox_v.at[q]], rows_v)

      @pl.when(c == 0)
      def _():
        pltpu.sync_copy(rows_v, suma_hbm.at[pl.ds(r, CHUNK)])

      @pl.when(c == 1)
      def _():
        pltpu.sync_copy(rows_v, sumb_hbm.at[pl.ds(r, CHUNK)])

    @pl.loop(0, CHUNK)
    def _zero_rows2(i):
      for k in range(DH // L):
        rows_v[i, k * L:(k + 1) * L] = jnp.zeros((L,), jnp.float32)

    plsc.subcore_barrier()

    for q in range(WB):
      pltpu.sync_copy(rows_v, acc.at[riox_v.at[q]])

    @pl.loop(0, CHUNK)
    def _fill_ones(i):
      for k in range(DH // L):
        rows_v[i, k * L:(k + 1) * L] = jnp.ones((L,), jnp.float32)

    plsc.subcore_barrier()

    @pl.loop(0, NGRP_T // NC)
    def _grp_cnt(hh):
      pltpu.sync_copy(dst_hbm.at[s, c * (NGRP_T // NC) + hh], dst_v)
      sd = []
      for j in range(IDX_GRP):
        sd.append(pltpu.async_copy(rows_v, acc.at[dst_v.at[j]],
                                   ssems[j % 2], add=True))
      for d in sd:
        d.wait()

    plsc.subcore_barrier()

    for q in range(WB):
      r = pl.multiple_of(row0 + q * CHUNK, CHUNK)
      pltpu.sync_copy(acc.at[riox_v.at[q]], rows_w)

      @pl.when(c == 0)
      def _():
        pltpu.sync_copy(rows_w, cnt0_hbm.at[pl.ds(r, CHUNK)])

      @pl.when(c == 1)
      def _():
        pltpu.sync_copy(rows_w, cnt1_hbm.at[pl.ds(r, CHUNK)])

  return agg_kernel(xa, xb, src, dst, iota_rows)


BLK = 256


def _tc_body(x_ref, sa_ref, sb_ref, c0_ref, c1_ref, wagg_ref, w_ref, b_ref,
             out_ref):
  cnt = c0_ref[:, 0:1] + c1_ref[:, 0:1]
  inv = 1.0 / jnp.maximum(cnt, 1.0)
  mean = jnp.concatenate([sa_ref[...], sb_ref[...]], axis=1) * inv
  agg = jnp.dot(mean, wagg_ref[...], preferred_element_type=jnp.float32)
  h = (jnp.dot(x_ref[...], w_ref[0:D, :], preferred_element_type=jnp.float32)
       + jnp.dot(agg, w_ref[D:2 * D, :], preferred_element_type=jnp.float32))
  nrm = jnp.sqrt(jnp.sum(h * h, axis=1, keepdims=True))
  out_ref[...] = h / jnp.maximum(nrm, 1.0) + b_ref[...]


def _tc_dense(x_pad, suma, sumb, cnt0, cnt1, W_agg, W, b2d):
  grid = N_PAD // BLK
  return pl.pallas_call(
      _tc_body,
      grid=(grid,),
      in_specs=[
          pl.BlockSpec((BLK, D), lambda i: (i, 0)),
          pl.BlockSpec((BLK, DH), lambda i: (i, 0)),
          pl.BlockSpec((BLK, DH), lambda i: (i, 0)),
          pl.BlockSpec((BLK, DH), lambda i: (i, 0)),
          pl.BlockSpec((BLK, DH), lambda i: (i, 0)),
          pl.BlockSpec((D, D), lambda i: (0, 0)),
          pl.BlockSpec((2 * D, D), lambda i: (0, 0)),
          pl.BlockSpec((1, D), lambda i: (0, 0)),
      ],
      out_specs=pl.BlockSpec((BLK, D), lambda i: (i, 0)),
      out_shape=jax.ShapeDtypeStruct((N_PAD, D), jnp.float32),
      compiler_params=pltpu.CompilerParams(
          dimension_semantics=("arbitrary",)),
  )(x_pad, suma, sumb, cnt0, cnt1, W_agg, W, b2d)


def kernel(x, edge_index, W_agg, W, b):
  src = edge_index[0]
  dst = edge_index[1]
  pad_e = E_PAD - E
  src_p = jnp.concatenate([src, jnp.zeros((pad_e,), jnp.int32)])
  dst_p = jnp.concatenate([dst, jnp.full((pad_e,), PAD_DST, jnp.int32)])
  src_t = src_p.reshape(NS, NGRP_T, IDX_GRP, CHUNK)
  dst_t = dst_p.reshape(NS, NGRP_T, IDX_GRP, CHUNK)

  xa = x[:, :DH]
  xb = x[:, DH:]
  iota_rows = jnp.arange(N_PAD, dtype=jnp.int32).reshape(NS, WB, CHUNK)

  suma, sumb, cnt0, cnt1 = _sc_aggregate(xa, xb, src_t, dst_t, iota_rows)

  x_pad = jnp.pad(x, ((0, N_PAD - N), (0, 0)))
  out = _tc_dense(x_pad, suma, sumb, cnt0, cnt1, W_agg, W, b.reshape(1, D))
  return out[:N]

# --- scband reference (transcript-rebuilt; emitter-appended) ---
"""Pipeline reference for scband-sageconv-57999238365740 (READ-ONLY COPY).

The authoritative reference and input builder live on the scoring server;
editing this copy changes nothing except your own understanding.
"""

import jax, jax.numpy as jnp
import numpy as np

N = 10000
E = 160000
D = 256          # aggregator in_channels (== x feature dim)
D_AGG = 256      # aggregator out_channels
D_OUT = 256      # SAGEConv out_channels; concat in_channels = D + D_AGG = 512


def setup_inputs(seed: int = 0) -> dict:
    key = jax.random.key(seed)
    k1, k2, k3, k4, k5 = jax.random.split(key, 5)
    x = jax.random.normal(k1, (N, D), dtype=jnp.float32)
    edge_index = jax.random.randint(k2, (2, E), 0, N, dtype=jnp.int32)
    # learned parameters (uniform init like torch_geometric's uniform())
    in_ch = D + D_AGG
    bound = 1.0 / np.sqrt(in_ch)
    W_agg = jax.random.uniform(k3, (D, D_AGG), dtype=jnp.float32, minval=-bound, maxval=bound)
    W = jax.random.uniform(k4, (in_ch, D_OUT), dtype=jnp.float32, minval=-bound, maxval=bound)
    b = jax.random.uniform(k5, (D_OUT,), dtype=jnp.float32, minval=-bound, maxval=bound)
    return {"x": x, "edge_index": edge_index, "W_agg": W_agg, "W": W, "b": b}


def reference(x, edge_index, W_agg, W, b):
    src = edge_index[0]
    dst = edge_index[1]
    # Mean aggregator: scatter-mean of neighbor features onto dst nodes, then linear
    msg = jnp.take(x, src, axis=0)                                   # gather [E, D]
    summed = jax.ops.segment_sum(msg, dst, num_segments=N)           # scatter-add [N, D]
    cnt = jax.ops.segment_sum(jnp.ones((E,), jnp.float32), dst, num_segments=N)
    mean = summed / jnp.clip(cnt, 1.0, None)[:, None]
    agg = mean @ W_agg                                               # [N, D_AGG]
    # SAGEConv forward
    out = jnp.concatenate([x, agg], axis=-1)                         # [N, D + D_AGG]
    out = out @ W                                                    # [N, D_OUT]
    nrm = jnp.linalg.norm(out, ord=2, axis=-1)
    out = out / jnp.clip(nrm, 1.0, None)[:, None]
    out = out + b
    return out

if __name__ == "__main__":
    import jax
    _d = setup_inputs()
    print(jax.jit(kernel)(*tuple(_d.values())))

</pallas_src>

<mosaic_0001>
#map = affine_map<(d0, d1) -> (0, 0)>
#map1 = affine_map<(d0, d1) -> (0, 0, 0, 0)>
#map2 = affine_map<(d0, d1) -> (0, 0, 0)>
module attributes {stable_mosaic.version = 14 : i64} {
  func.func @agg_kernel(%arg0: i32, %arg1: i32, %arg2: memref<10000x128xf32, #tpu.memory_space<hbm>>, %arg3: memref<10000x128xf32, #tpu.memory_space<hbm>>, %arg4: memref<16x10x8x128xi32, #tpu.memory_space<hbm>>, %arg5: memref<16x10x8x128xi32, #tpu.memory_space<hbm>>, %arg6: memref<16x5x128xi32, #tpu.memory_space<hbm>>, %arg7: memref<10240x128xf32, #tpu.memory_space<hbm>>, %arg8: memref<10240x128xf32, #tpu.memory_space<hbm>>, %arg9: memref<10240x128xf32, #tpu.memory_space<hbm>>, %arg10: memref<10240x128xf32, #tpu.memory_space<hbm>>, %arg11: memref<8x128xi32, #tpu.memory_space<vmem>>, %arg12: memref<8x128xi32, #tpu.memory_space<vmem>>, %arg13: memref<5x128xi32, #tpu.memory_space<vmem>>, %arg14: memref<128x128xf32, #tpu.memory_space<vmem>>, %arg15: memref<128x128xf32, #tpu.memory_space<vmem>>, %arg16: memref<!tpu.dma_semaphore, #tpu.memory_space<semaphore_mem>>, %arg17: memref<!tpu.dma_semaphore, #tpu.memory_space<semaphore_mem>>, %arg18: memref<!tpu.dma_semaphore, #tpu.memory_space<semaphore_mem>>, %arg19: memref<!tpu.dma_semaphore, #tpu.memory_space<semaphore_mem>>, %arg20: memref<10240x128xf32, #tpu.memory_space<vmem_shared>>) attributes {dimension_semantics = [#tpu.dimension_semantics<core_parallel>, #tpu.dimension_semantics<subcore_parallel>], iteration_bounds = array<i64: 2, 16>, scalar_prefetch = 0 : i64, scratch_operands = 10 : i64, tpu.core_type = #tpu.core_type<sc_vector_subcore>, window_params = [{transform_indices = #map}, {transform_indices = #map}, {transform_indices = #map1}, {transform_indices = #map1}, {transform_indices = #map2}, {transform_indices = #map}, {transform_indices = #map}, {transform_indices = #map}, {transform_indices = #map}]} {
    %mul3A = arith.constant 640 : i32
    %mul3A_0 = arith.muli %arg1, %mul3A : i32
    %scan3A = arith.constant 0 : i32
    %scan3A_1 = arith.constant 128 : i32
    %scan3A_2 = arith.addi %scan3A, %scan3A_1 : i32
    %scan3A_3 = arith.constant 1 : i32
    scf.for %scan3A_173 = %scan3A to %scan3A_2 step %scan3A_3  : i32 {
      %mul3A_174 = arith.constant 1 : i32
      %mul3A_175 = arith.muli %scan3A_173, %mul3A_174 : i32
      %add3A_176 = arith.constant 0 : i32
      %add3A_177 = arith.addi %add3A_176, %mul3A_175 : i32
      %broadcast_in_dim3A = arith.constant 0.000000e+00 : f32
      %broadcast_in_dim3A_178 = vector.broadcast %broadcast_in_dim3A : f32 to vector<16xf32>
      %swap3A = arith.index_cast %add3A_177 : i32 to index
      %swap3A_179 = arith.constant 0 : index
      %swap3A_180 = tpu.vector_load %arg14[%swap3A, %swap3A_179] {strides = array<i32>} : memref<128x128xf32, #tpu.memory_space<vmem>>, vector<1x16xf32>,
      %swap3A_181 = vector.shape_cast %swap3A_180 : vector<1x16xf32> to vector<16xf32>
      %swap3A_182 = vector.shape_cast %broadcast_in_dim3A_178 : vector<16xf32> to vector<1x16xf32>
      tpu.vector_store %arg14[%swap3A, %swap3A_179], %swap3A_182 {strides = array<i32>} : memref<128x128xf32, #tpu.memory_space<vmem>>, vector<1x16xf32>,
      %broadcast_in_dim3A_183 = arith.constant 0.000000e+00 : f32
      %broadcast_in_dim3A_184 = vector.broadcast %broadcast_in_dim3A_183 : f32 to vector<16xf32>
      %swap3A_185 = arith.index_cast %add3A_177 : i32 to index
      %swap3A_186 = arith.constant 16 : index
      %swap3A_187 = tpu.vector_load %arg14[%swap3A_185, %swap3A_186] {strides = array<i32>} : memref<128x128xf32, #tpu.memory_space<vmem>>, vector<1x16xf32>,
      %swap3A_188 = vector.shape_cast %swap3A_187 : vector<1x16xf32> to vector<16xf32>
      %swap3A_189 = vector.shape_cast %broadcast_in_dim3A_184 : vector<16xf32> to vector<1x16xf32>
      tpu.vector_store %arg14[%swap3A_185, %swap3A_186], %swap3A_189 {strides = array<i32>} : memref<128x128xf32, #tpu.memory_space<vmem>>, vector<1x16xf32>,
      %broadcast_in_dim3A_190 = arith.constant 0.000000e+00 : f32
      %broadcast_in_dim3A_191 = vector.broadcast %broadcast_in_dim3A_190 : f32 to vector<16xf32>
      %swap3A_192 = arith.index_cast %add3A_177 : i32 to index
      %swap3A_193 = arith.constant 32 : index
      %swap3A_194 = tpu.vector_load %arg14[%swap3A_192, %swap3A_193] {strides = array<i32>} : memref<128x128xf32, #tpu.memory_space<vmem>>, vector<1x16xf32>,
      %swap3A_195 = vector.shape_cast %swap3A_194 : vector<1x16xf32> to vector<16xf32>
      %swap3A_196 = vector.shape_cast %broadcast_in_dim3A_191 : vector<16xf32> to vector<1x16xf32>
      tpu.vector_store %arg14[%swap3A_192, %swap3A_193], %swap3A_196 {strides = array<i32>} : memref<128x128xf32, #tpu.memory_space<vmem>>, vector<1x16xf32>,
      %broadcast_in_dim3A_197 = arith.constant 0.000000e+00 : f32
      %broadcast_in_dim3A_198 = vector.broadcast %broadcast_in_dim3A_197 : f32 to vector<16xf32>
      %swap3A_199 = arith.index_cast %add3A_177 : i32 to index
      %swap3A_200 = arith.constant 48 : index
      %swap3A_201 = tpu.vector_load %arg14[%swap3A_199, %swap3A_200] {strides = array<i32>} : memref<128x128xf32, #tpu.memory_space<vmem>>, vector<1x16xf32>,
      %swap3A_202 = vector.shape_cast %swap3A_201 : vector<1x16xf32> to vector<16xf32>
      %swap3A_203 = vector.shape_cast %broadcast_in_dim3A_198 : vector<16xf32> to vector<1x16xf32>
      tpu.vector_store %arg14[%swap3A_199, %swap3A_200], %swap3A_203 {strides = array<i32>} : memref<128x128xf32, #tpu.memory_space<vmem>>, vector<1x16xf32>,
      %broadcast_in_dim3A_204 = arith.constant 0.000000e+00 : f32
      %broadcast_in_dim3A_205 = vector.broadcast %broadcast_in_dim3A_204 : f32 to vector<16xf32>
      %swap3A_206 = arith.index_cast %add3A_177 : i32 to index
      %swap3A_207 = arith.constant 64 : index
      %swap3A_208 = tpu.vector_load %arg14[%swap3A_206, %swap3A_207] {strides = array<i32>} : memref<128x128xf32, #tpu.memory_space<vmem>>, vector<1x16xf32>,
      %swap3A_209 = vector.shape_cast %swap3A_208 : vector<1x16xf32> to vector<16xf32>
      %swap3A_210 = vector.shape_cast %broadcast_in_dim3A_205 : vector<16xf32> to vector<1x16xf32>
      tpu.vector_store %arg14[%swap3A_206, %swap3A_207], %swap3A_210 {strides = array<i32>} : memref<128x128xf32, #tpu.memory_space<vmem>>, vector<1x16xf32>,
      %broadcast_in_dim3A_211 = arith.constant 0.000000e+00 : f32
      %broadcast_in_dim3A_212 = vector.broadcast %broadcast_in_dim3A_211 : f32 to vector<16xf32>
      %swap3A_213 = arith.index_cast %add3A_177 : i32 to index
      %swap3A_214 = arith.constant 80 : index
      %swap3A_215 = tpu.vector_load %arg14[%swap3A_213, %swap3A_214] {strides = array<i32>} : memref<128x128xf32, #tpu.memory_space<vmem>>, vector<1x16xf32>,
      %swap3A_216 = vector.shape_cast %swap3A_215 : vector<1x16xf32> to vector<16xf32>
      %swap3A_217 = vector.shape_cast %broadcast_in_dim3A_212 : vector<16xf32> to vector<1x16xf32>
      tpu.vector_store %arg14[%swap3A_213, %swap3A_214], %swap3A_217 {strides = array<i32>} : memref<128x128xf32, #tpu.memory_space<vmem>>, vector<1x16xf32>,
      %broadcast_in_dim3A_218 = arith.constant 0.000000e+00 : f32
      %broadcast_in_dim3A_219 = vector.broadcast %broadcast_in_dim3A_218 : f32 to vector<16xf32>
      %swap3A_220 = arith.index_cast %add3A_177 : i32 to index
      %swap3A_221 = arith.constant 96 : index
      %swap3A_222 = tpu.vector_load %arg14[%swap3A_220, %swap3A_221] {strides = array<i32>} : memref<128x128xf32, #tpu.memory_space<vmem>>, vector<1x16xf32>,
      %swap3A_223 = vector.shape_cast %swap3A_222 : vector<1x16xf32> to vector<16xf32>
      %swap3A_224 = vector.shape_cast %broadcast_in_dim3A_219 : vector<16xf32> to vector<1x16xf32>
      tpu.vector_store %arg14[%swap3A_220, %swap3A_221], %swap3A_224 {strides = array<i32>} : memref<128x128xf32, #tpu.memory_space<vmem>>, vector<1x16xf32>,
      %broadcast_in_dim3A_225 = arith.constant 0.000000e+00 : f32
      %broadcast_in_dim3A_226 = vector.broadcast %broadcast_in_dim3A_225 : f32 to vector<16xf32>
      %swap3A_227 = arith.index_cast %add3A_177 : i32 to index
      %swap3A_228 = arith.constant 112 : index
      %swap3A_229 = tpu.vector_load %arg14[%swap3A_227, %swap3A_228] {strides = array<i32>} : memref<128x128xf32, #tpu.memory_space<vmem>>, vector<1x16xf32>,
      %swap3A_230 = vector.shape_cast %swap3A_229 : vector<1x16xf32> to vector<16xf32>
      %swap3A_231 = vector.shape_cast %broadcast_in_dim3A_226 : vector<16xf32> to vector<1x16xf32>
      tpu.vector_store %arg14[%swap3A_227, %swap3A_228], %swap3A_231 {strides = array<i32>} : memref<128x128xf32, #tpu.memory_space<vmem>>, vector<1x16xf32>,
    }
    %scan3A_4 = arith.constant 128 : i32
    "tpu.region"() ({
      %run_scoped3A_173 = tpu.sem_alloc : memref<!tpu.dma_semaphore, #tpu.memory_space<semaphore_mem>>
      %dma_start3A = arith.constant 0 : i32
      %dma_start3A_174 = arith.constant 0 : i32
      %dma_start3A_175 = tpu.memref_slice %arg6[%arg1, %dma_start3A, %dma_start3A_174] : memref<16x5x128xi32, #tpu.memory_space<hbm>> -> memref<1x5x128xi32, #tpu.memory_space<hbm>>
      %dma_start3A_176 = tpu.memref_squeeze %dma_start3A_175 : memref<1x5x128xi32, #tpu.memory_space<hbm>> -> memref<5x128xi32, #tpu.memory_space<hbm>>
      %dma_start3A_177 = arith.constant 0 : i32
      %dma_start3A_178 = arith.constant 0 : i32
      %dma_start3A_179 = tpu.memref_slice %arg6[%arg1, %dma_start3A_177, %dma_start3A_178] : memref<16x5x128xi32, #tpu.memory_space<hbm>> -> memref<1x5x128xi32, #tpu.memory_space<hbm>>
      %dma_start3A_180 = tpu.memref_squeeze %dma_start3A_179 : memref<1x5x128xi32, #tpu.memory_space<hbm>> -> memref<5x128xi32, #tpu.memory_space<hbm>>
      tpu.enqueue_dma source(%dma_start3A_180 : memref<5x128xi32, #tpu.memory_space<hbm>>) target(%arg13 : memref<5x128xi32, #tpu.memory_space<vmem>>) target_semaphore(%run_scoped3A_173 : memref<!tpu.dma_semaphore, #tpu.memory_space<semaphore_mem>>)
      %dma_wait3A = arith.constant 0 : i32
      %dma_wait3A_181 = arith.constant 0 : i32
      %dma_wait3A_182 = tpu.memref_slice %arg6[%arg1, %dma_wait3A, %dma_wait3A_181] : memref<16x5x128xi32, #tpu.memory_space<hbm>> -> memref<1x5x128xi32, #tpu.memory_space<hbm>>
      %dma_wait3A_183 = tpu.memref_squeeze %dma_wait3A_182 : memref<1x5x128xi32, #tpu.memory_space<hbm>> -> memref<5x128xi32, #tpu.memory_space<hbm>>
      %dma_wait3A_184 = arith.constant 0 : i32
      %dma_wait3A_185 = arith.constant 0 : i32
      %dma_wait3A_186 = tpu.memref_slice %arg6[%arg1, %dma_wait3A_184, %dma_wait3A_185] : memref<16x5x128xi32, #tpu.memory_space<hbm>> -> memref<1x5x128xi32, #tpu.memory_space<hbm>>
      %dma_wait3A_187 = tpu.memref_squeeze %dma_wait3A_186 : memref<1x5x128xi32, #tpu.memory_space<hbm>> -> memref<5x128xi32, #tpu.memory_space<hbm>>
      tpu.wait_dma2 semaphore(%run_scoped3A_173 : memref<!tpu.dma_semaphore, #tpu.memory_space<semaphore_mem>>) src(%dma_wait3A_187 : memref<5x128xi32, #tpu.memory_space<hbm>>) dst(%arg13 : memref<5x128xi32, #tpu.memory_space<vmem>>)
      tpu.yield
    }) : () -> ()
    %run_scoped3A = arith.constant 0 : i32
    "tpu.region"() ({
      %run_scoped3A_173 = tpu.sem_alloc : memref<!tpu.dma_semaphore, #tpu.memory_space<semaphore_mem>>
      %dma_start3A = arith.constant 0 : i32
      %dma_start3A_174 = tpu.memref_slice %arg13[%run_scoped3A, %dma_start3A] : memref<5x128xi32, #tpu.memory_space<vmem>> -> memref<1x128xi32, #tpu.memory_space<vmem>>
      %dma_start3A_175 = tpu.memref_squeeze %dma_start3A_174 : memref<1x128xi32, #tpu.memory_space<vmem>> -> memref<128xi32, #tpu.memory_space<vmem>>
      %dma_start3A_176 = arith.constant 0 : i32
      %dma_start3A_177 = arith.constant 0 : i32
      %dma_start3A_178 = tpu.memref_slice %arg20[%dma_start3A_176, %dma_start3A_177] : memref<10240x128xf32, #tpu.memory_space<vmem_shared>> -> memref<10240x128xf32, #tpu.memory_space<vmem_shared>>
      tpu.enqueue_indirect_dma source(%arg14 : memref<128x128xf32, #tpu.memory_space<vmem>>) target(%dma_start3A_178 : memref<10240x128xf32, #tpu.memory_space<vmem_shared>>) offsets(%dma_start3A_175 : memref<128xi32, #tpu.memory_space<vmem>>) semaphore(%run_scoped3A_173 : memref<!tpu.dma_semaphore, #tpu.memory_space<semaphore_mem>>)
      %dma_wait3A = arith.constant 0 : i32
      %dma_wait3A_179 = tpu.memref_slice %arg13[%run_scoped3A, %dma_wait3A] : memref<5x128xi32, #tpu.memory_space<vmem>> -> memref<1x128xi32, #tpu.memory_space<vmem>>
      %dma_wait3A_180 = tpu.memref_squeeze %dma_wait3A_179 : memref<1x128xi32, #tpu.memory_space<vmem>> -> memref<128xi32, #tpu.memory_space<vmem>>
      %dma_wait3A_181 = arith.constant 0 : i32
      %dma_wait3A_182 = arith.constant 0 : i32
      %dma_wait3A_183 = tpu.memref_slice %arg20[%dma_wait3A_181, %dma_wait3A_182] : memref<10240x128xf32, #tpu.memory_space<vmem_shared>> -> memref<10240x128xf32, #tpu.memory_space<vmem_shared>>
      tpu.wait_indirect_dma semaphore(%run_scoped3A_173 : memref<!tpu.dma_semaphore, #tpu.memory_space<semaphore_mem>>) src(%arg14 : memref<128x128xf32, #tpu.memory_space<vmem>>) dst(%dma_wait3A_183 : memref<10240x128xf32, #tpu.memory_space<vmem_shared>>)
      tpu.yield
    }) : () -> ()
    %run_scoped3A_5 = arith.constant 1 : i32
    "tpu.region"() ({
      %run_scoped3A_173 = tpu.sem_alloc : memref<!tpu.dma_semaphore, #tpu.memory_space<semaphore_mem>>
      %dma_start3A = arith.constant 0 : i32
      %dma_start3A_174 = tpu.memref_slice %arg13[%run_scoped3A_5, %dma_start3A] : memref<5x128xi32, #tpu.memory_space<vmem>> -> memref<1x128xi32, #tpu.memory_space<vmem>>
      %dma_start3A_175 = tpu.memref_squeeze %dma_start3A_174 : memref<1x128xi32, #tpu.memory_space<vmem>> -> memref<128xi32, #tpu.memory_space<vmem>>
      %dma_start3A_176 = arith.constant 0 : i32
      %dma_start3A_177 = arith.constant 0 : i32
      %dma_start3A_178 = tpu.memref_slice %arg20[%dma_start3A_176, %dma_start3A_177] : memref<10240x128xf32, #tpu.memory_space<vmem_shared>> -> memref<10240x128xf32, #tpu.memory_space<vmem_shared>>
      tpu.enqueue_indirect_dma source(%arg14 : memref<128x128xf32, #tpu.memory_space<vmem>>) target(%dma_start3A_178 : memref<10240x128xf32, #tpu.memory_space<vmem_shared>>) offsets(%dma_start3A_175 : memref<128xi32, #tpu.memory_space<vmem>>) semaphore(%run_scoped3A_173 : memref<!tpu.dma_semaphore, #tpu.memory_space<semaphore_mem>>)
      %dma_wait3A = arith.constant 0 : i32
      %dma_wait3A_179 = tpu.memref_slice %arg13[%run_scoped3A_5, %dma_wait3A] : memref<5x128xi32, #tpu.memory_space<vmem>> -> memref<1x128xi32, #tpu.memory_space<vmem>>
      %dma_wait3A_180 = tpu.memref_squeeze %dma_wait3A_179 : memref<1x128xi32, #tpu.memory_space<vmem>> -> memref<128xi32, #tpu.memory_space<vmem>>
      %dma_wait3A_181 = arith.constant 0 : i32
      %dma_wait3A_182 = arith.constant 0 : i32
      %dma_wait3A_183 = tpu.memref_slice %arg20[%dma_wait3A_181, %dma_wait3A_182] : memref<10240x128xf32, #tpu.memory_space<vmem_shared>> -> memref<10240x128xf32, #tpu.memory_space<vmem_shared>>
      tpu.wait_indirect_dma semaphore(%run_scoped3A_173 : memref<!tpu.dma_semaphore, #tpu.memory_space<semaphore_mem>>) src(%arg14 : memref<128x128xf32, #tpu.memory_space<vmem>>) dst(%dma_wait3A_183 : memref<10240x128xf32, #tpu.memory_space<vmem_shared>>)
      tpu.yield
    }) : () -> ()
    %run_scoped3A_6 = arith.constant 2 : i32
    "tpu.region"() ({
      %run_scoped3A_173 = tpu.sem_alloc : memref<!tpu.dma_semaphore, #tpu.memory_space<semaphore_mem>>
      %dma_start3A = arith.constant 0 : i32
      %dma_start3A_174 = tpu.memref_slice %arg13[%run_scoped3A_6, %dma_start3A] : memref<5x128xi32, #tpu.memory_space<vmem>> -> memref<1x128xi32, #tpu.memory_space<vmem>>
      %dma_start3A_175 = tpu.memref_squeeze %dma_start3A_174 : memref<1x128xi32, #tpu.memory_space<vmem>> -> memref<128xi32, #tpu.memory_space<vmem>>
      %dma_start3A_176 = arith.constant 0 : i32
      %dma_start3A_177 = arith.constant 0 : i32
      %dma_start3A_178 = tpu.memref_slice %arg20[%dma_start3A_176, %dma_start3A_177] : memref<10240x128xf32, #tpu.memory_space<vmem_shared>> -> memref<10240x128xf32, #tpu.memory_space<vmem_shared>>
      tpu.enqueue_indirect_dma source(%arg14 : memref<128x128xf32, #tpu.memory_space<vmem>>) target(%dma_start3A_178 : memref<10240x128xf32, #tpu.memory_space<vmem_shared>>) offsets(%dma_start3A_175 : memref<128xi32, #tpu.memory_space<vmem>>) semaphore(%run_scoped3A_173 : memref<!tpu.dma_semaphore, #tpu.memory_space<semaphore_mem>>)
      %dma_wait3A = arith.constant 0 : i32
      %dma_wait3A_179 = tpu.memref_slice %arg13[%run_scoped3A_6, %dma_wait3A] : memref<5x128xi32, #tpu.memory_space<vmem>> -> memref<1x128xi32, #tpu.memory_space<vmem>>
      %dma_wait3A_180 = tpu.memref_squeeze %dma_wait3A_179 : memref<1x128xi32, #tpu.memory_space<vmem>> -> memref<128xi32, #tpu.memory_space<vmem>>
      %dma_wait3A_181 = arith.constant 0 : i32
      %dma_wait3A_182 = arith.constant 0 : i32
      %dma_wait3A_183 = tpu.memref_slice %arg20[%dma_wait3A_181, %dma_wait3A_182] : memref<10240x128xf32, #tpu.memory_space<vmem_shared>> -> memref<10240x128xf32, #tpu.memory_space<vmem_shared>>
      tpu.wait_indirect_dma semaphore(%run_scoped3A_173 : memref<!tpu.dma_semaphore, #tpu.memory_space<semaphore_mem>>) src(%arg14 : memref<128x128xf32, #tpu.memory_space<vmem>>) dst(%dma_wait3A_183 : memref<10240x128xf32, #tpu.memory_space<vmem_shared>>)
      tpu.yield
    }) : () -> ()
    %run_scoped3A_7 = arith.constant 3 : i32
    "tpu.region"() ({
      %run_scoped3A_173 = tpu.sem_alloc : memref<!tpu.dma_semaphore, #tpu.memory_space<semaphore_mem>>
      %dma_start3A = arith.constant 0 : i32
      %dma_start3A_174 = tpu.memref_slice %arg13[%run_scoped3A_7, %dma_start3A] : memref<5x128xi32, #tpu.memory_space<vmem>> -> memref<1x128xi32, #tpu.memory_space<vmem>>
      %dma_start3A_175 = tpu.memref_squeeze %dma_start3A_174 : memref<1x128xi32, #tpu.memory_space<vmem>> -> memref<128xi32, #tpu.memory_space<vmem>>
      %dma_start3A_176 = arith.constant 0 : i32
      %dma_start3A_177 = arith.constant 0 : i32
      %dma_start3A_178 = tpu.memref_slice %arg20[%dma_start3A_176, %dma_start3A_177] : memref<10240x128xf32, #tpu.memory_space<vmem_shared>> -> memref<10240x128xf32, #tpu.memory_space<vmem_shared>>
      tpu.enqueue_indirect_dma source(%arg14 : memref<128x128xf32, #tpu.memory_space<vmem>>) target(%dma_start3A_178 : memref<10240x128xf32, #tpu.memory_space<vmem_shared>>) offsets(%dma_start3A_175 : memref<128xi32, #tpu.memory_space<vmem>>) semaphore(%run_scoped3A_173 : memref<!tpu.dma_semaphore, #tpu.memory_space<semaphore_mem>>)
      %dma_wait3A = arith.constant 0 : i32
      %dma_wait3A_179 = tpu.memref_slice %arg13[%run_scoped3A_7, %dma_wait3A] : memref<5x128xi32, #tpu.memory_space<vmem>> -> memref<1x128xi32, #tpu.memory_space<vmem>>
      %dma_wait3A_180 = tpu.memref_squeeze %dma_wait3A_179 : memref<1x128xi32, #tpu.memory_space<vmem>> -> memref<128xi32, #tpu.memory_space<vmem>>
      %dma_wait3A_181 = arith.constant 0 : i32
      %dma_wait3A_182 = arith.constant 0 : i32
      %dma_wait3A_183 = tpu.memref_slice %arg20[%dma_wait3A_181, %dma_wait3A_182] : memref<10240x128xf32, #tpu.memory_space<vmem_shared>> -> memref<10240x128xf32, #tpu.memory_space<vmem_shared>>
      tpu.wait_indirect_dma semaphore(%run_scoped3A_173 : memref<!tpu.dma_semaphore, #tpu.memory_space<semaphore_mem>>) src(%arg14 : memref<128x128xf32, #tpu.memory_space<vmem>>) dst(%dma_wait3A_183 : memref<10240x128xf32, #tpu.memory_space<vmem_shared>>)
      tpu.yield
    }) : () -> ()
    %run_scoped3A_8 = arith.constant 4 : i32
    "tpu.region"() ({
      %run_scoped3A_173 = tpu.sem_alloc : memref<!tpu.dma_semaphore, #tpu.memory_space<semaphore_mem>>
      %dma_start3A = arith.constant 0 : i32
      %dma_start3A_174 = tpu.memref_slice %arg13[%run_scoped3A_8, %dma_start3A] : memref<5x128xi32, #tpu.memory_space<vmem>> -> memref<1x128xi32, #tpu.memory_space<vmem>>
      %dma_start3A_175 = tpu.memref_squeeze %dma_start3A_174 : memref<1x128xi32, #tpu.memory_space<vmem>> -> memref<128xi32, #tpu.memory_space<vmem>>
      %dma_start3A_176 = arith.constant 0 : i32
      %dma_start3A_177 = arith.constant 0 : i32
      %dma_start3A_178 = tpu.memref_slice %arg20[%dma_start3A_176, %dma_start3A_177] : memref<10240x128xf32, #tpu.memory_space<vmem_shared>> -> memref<10240x128xf32, #tpu.memory_space<vmem_shared>>
      tpu.enqueue_indirect_dma source(%arg14 : memref<128x128xf32, #tpu.memory_space<vmem>>) target(%dma_start3A_178 : memref<10240x128xf32, #tpu.memory_space<vmem_shared>>) offsets(%dma_start3A_175 : memref<128xi32, #tpu.memory_space<vmem>>) semaphore(%run_scoped3A_173 : memref<!tpu.dma_semaphore, #tpu.memory_space<semaphore_mem>>)
      %dma_wait3A = arith.constant 0 : i32
      %dma_wait3A_179 = tpu.memref_slice %arg13[%run_scoped3A_8, %dma_wait3A] : memref<5x128xi32, #tpu.memory_space<vmem>> -> memref<1x128xi32, #tpu.memory_space<vmem>>
      %dma_wait3A_180 = tpu.memref_squeeze %dma_wait3A_179 : memref<1x128xi32, #tpu.memory_space<vmem>> -> memref<128xi32, #tpu.memory_space<vmem>>
      %dma_wait3A_181 = arith.constant 0 : i32
      %dma_wait3A_182 = arith.constant 0 : i32
      %dma_wait3A_183 = tpu.memref_slice %arg20[%dma_wait3A_181, %dma_wait3A_182] : memref<10240x128xf32, #tpu.memory_space<vmem_shared>> -> memref<10240x128xf32, #tpu.memory_space<vmem_shared>>
      tpu.wait_indirect_dma semaphore(%run_scoped3A_173 : memref<!tpu.dma_semaphore, #tpu.memory_space<semaphore_mem>>) src(%arg14 : memref<128x128xf32, #tpu.memory_space<vmem>>) dst(%dma_wait3A_183 : memref<10240x128xf32, #tpu.memory_space<vmem_shared>>)
      tpu.yield
    }) : () -> ()
    %barrier3A = arith.constant 0 : index
    tpu.barrier barrier_id(%barrier3A)
    %scan3A_9 = arith.constant 0 : i32
    %scan3A_10 = arith.constant 10 : i32
    %scan3A_11 = arith.addi %scan3A_9, %scan3A_10 : i32
    %scan3A_12 = arith.constant 1 : i32
    scf.for %scan3A_173 = %scan3A_9 to %scan3A_11 step %scan3A_12  : i32 {
      %mul3A_174 = arith.constant 1 : i32
      %mul3A_175 = arith.muli %scan3A_173, %mul3A_174 : i32
      %add3A_176 = arith.constant 0 : i32
      %add3A_177 = arith.addi %add3A_176, %mul3A_175 : i32
      "tpu.region"() ({
        %run_scoped3A_188 = tpu.sem_alloc : memref<!tpu.dma_semaphore, #tpu.memory_space<semaphore_mem>>
        %dma_start3A = arith.constant 0 : i32
        %dma_start3A_189 = arith.constant 0 : i32
        %dma_start3A_190 = tpu.memref_slice %arg4[%arg1, %add3A_177, %dma_start3A, %dma_start3A_189] : memref<16x10x8x128xi32, #tpu.memory_space<hbm>> -> memref<1x1x8x128xi32, #tpu.memory_space<hbm>>
        %dma_start3A_191 = tpu.memref_squeeze %dma_start3A_190 : memref<1x1x8x128xi32, #tpu.memory_space<hbm>> -> memref<8x128xi32, #tpu.memory_space<hbm>>
        %dma_start3A_192 = arith.constant 0 : i32
        %dma_start3A_193 = arith.constant 0 : i32
        %dma_start3A_194 = tpu.memref_slice %arg4[%arg1, %add3A_177, %dma_start3A_192, %dma_start3A_193] : memref<16x10x8x128xi32, #tpu.memory_space<hbm>> -> memref<1x1x8x128xi32, #tpu.memory_space<hbm>>
        %dma_start3A_195 = tpu.memref_squeeze %dma_start3A_194 : memref<1x1x8x128xi32, #tpu.memory_space<hbm>> -> memref<8x128xi32, #tpu.memory_space<hbm>>
        tpu.enqueue_dma source(%dma_start3A_195 : memref<8x128xi32, #tpu.memory_space<hbm>>) target(%arg11 : memref<8x128xi32, #tpu.memory_space<vmem>>) target_semaphore(%run_scoped3A_188 : memref<!tpu.dma_semaphore, #tpu.memory_space<semaphore_mem>>)
        %dma_wait3A = arith.constant 0 : i32
        %dma_wait3A_196 = arith.constant 0 : i32
        %dma_wait3A_197 = tpu.memref_slice %arg4[%arg1, %add3A_177, %dma_wait3A, %dma_wait3A_196] : memref<16x10x8x128xi32, #tpu.memory_space<hbm>> -> memref<1x1x8x128xi32, #tpu.memory_space<hbm>>
        %dma_wait3A_198 = tpu.memref_squeeze %dma_wait3A_197 : memref<1x1x8x128xi32, #tpu.memory_space<hbm>> -> memref<8x128xi32, #tpu.memory_space<hbm>>
        %dma_wait3A_199 = arith.constant 0 : i32
        %dma_wait3A_200 = arith.constant 0 : i32
        %dma_wait3A_201 = tpu.memref_slice %arg4[%arg1, %add3A_177, %dma_wait3A_199, %dma_wait3A_200] : memref<16x10x8x128xi32, #tpu.memory_space<hbm>> -> memref<1x1x8x128xi32, #tpu.memory_space<hbm>>
        %dma_wait3A_202 = tpu.memref_squeeze %dma_wait3A_201 : memref<1x1x8x128xi32, #tpu.memory_space<hbm>> -> memref<8x128xi32, #tpu.memory_space<hbm>>
        tpu.wait_dma2 semaphore(%run_scoped3A_188 : memref<!tpu.dma_semaphore, #tpu.memory_space<semaphore_mem>>) src(%dma_wait3A_202 : memref<8x128xi32, #tpu.memory_space<hbm>>) dst(%arg11 : memref<8x128xi32, #tpu.memory_space<vmem>>)
        tpu.yield
      }) : () -> ()
      "tpu.region"() ({
        %run_scoped3A_188 = tpu.sem_alloc : memref<!tpu.dma_semaphore, #tpu.memory_space<semaphore_mem>>
        %dma_start3A = arith.constant 0 : i32
        %dma_start3A_189 = arith.constant 0 : i32
        %dma_start3A_190 = tpu.memref_slice %arg5[%arg1, %add3A_177, %dma_start3A, %dma_start3A_189] : memref<16x10x8x128xi32, #tpu.memory_space<hbm>> -> memref<1x1x8x128xi32, #tpu.memory_space<hbm>>
        %dma_start3A_191 = tpu.memref_squeeze %dma_start3A_190 : memref<1x1x8x128xi32, #tpu.memory_space<hbm>> -> memref<8x128xi32, #tpu.memory_space<hbm>>
        %dma_start3A_192 = arith.constant 0 : i32
        %dma_start3A_193 = arith.constant 0 : i32
        %dma_start3A_194 = tpu.memref_slice %arg5[%arg1, %add3A_177, %dma_start3A_192, %dma_start3A_193] : memref<16x10x8x128xi32, #tpu.memory_space<hbm>> -> memref<1x1x8x128xi32, #tpu.memory_space<hbm>>
        %dma_start3A_195 = tpu.memref_squeeze %dma_start3A_194 : memref<1x1x8x128xi32, #tpu.memory_space<hbm>> -> memref<8x128xi32, #tpu.memory_space<hbm>>
        tpu.enqueue_dma source(%dma_start3A_195 : memref<8x128xi32, #tpu.memory_space<hbm>>) target(%arg12 : memref<8x128xi32, #tpu.memory_space<vmem>>) target_semaphore(%run_scoped3A_188 : memref<!tpu.dma_semaphore, #tpu.memory_space<semaphore_mem>>)
        %dma_wait3A = arith.constant 0 : i32
        %dma_wait3A_196 = arith.constant 0 : i32
        %dma_wait3A_197 = tpu.memref_slice %arg5[%arg1, %add3A_177, %dma_wait3A, %dma_wait3A_196] : memref<16x10x8x128xi32, #tpu.memory_space<hbm>> -> memref<1x1x8x128xi32, #tpu.memory_space<hbm>>
        %dma_wait3A_198 = tpu.memref_squeeze %dma_wait3A_197 : memref<1x1x8x128xi32, #tpu.memory_space<hbm>> -> memref<8x128xi32, #tpu.memory_space<hbm>>
        %dma_wait3A_199 = arith.constant 0 : i32
        %dma_wait3A_200 = arith.constant 0 : i32
        %dma_wait3A_201 = tpu.memref_slice %arg5[%arg1, %add3A_177, %dma_wait3A_199, %dma_wait3A_200] : memref<16x10x8x128xi32, #tpu.memory_space<hbm>> -> memref<1x1x8x128xi32, #tpu.memory_space<hbm>>
        %dma_wait3A_202 = tpu.memref_squeeze %dma_wait3A_201 : memref<1x1x8x128xi32, #tpu.memory_space<hbm>> -> memref<8x128xi32, #tpu.memory_space<hbm>>
        tpu.wait_dma2 semaphore(%run_scoped3A_188 : memref<!tpu.dma_semaphore, #tpu.memory_space<semaphore_mem>>) src(%dma_wait3A_202 : memref<8x128xi32, #tpu.memory_space<hbm>>) dst(%arg12 : memref<8x128xi32, #tpu.memory_space<vmem>>)
        tpu.yield
      }) : () -> ()
      %eq3A_178 = arith.constant 0 : i32
      %eq3A_179 = arith.cmpi eq, %arg0, %eq3A_178 : i32
      %convert_element_type3A_180 = arith.extui %eq3A_179 : i1 to i32
      %cond3A_181 = arith.constant 0 : i32
      %cond3A_182 = arith.cmpi ne, %convert_element_type3A_180, %cond3A_181 : i32
      scf.if %cond3A_182 {
        %dma_start3A = arith.constant 0 : i32
        %dma_start3A_188 = arith.constant 0 : i32
        %dma_start3A_189 = tpu.memref_slice %arg11[%dma_start3A, %dma_start3A_188] : memref<8x128xi32, #tpu.memory_space<vmem>> -> memref<1x128xi32, #tpu.memory_space<vmem>>
        %dma_start3A_190 = tpu.memref_squeeze %dma_start3A_189 : memref<1x128xi32, #tpu.memory_space<vmem>> -> memref<128xi32, #tpu.memory_space<vmem>>
        %dma_start3A_191 = arith.constant 0 : i32
        %dma_start3A_192 = arith.constant 0 : i32
        %dma_start3A_193 = tpu.memref_slice %arg2[%dma_start3A_191, %dma_start3A_192] : memref<10000x128xf32, #tpu.memory_space<hbm>> -> memref<10000x128xf32, #tpu.memory_space<hbm>>
        tpu.enqueue_indirect_dma source(%dma_start3A_193 : memref<10000x128xf32, #tpu.memory_space<hbm>>) target(%arg14 : memref<128x128xf32, #tpu.memory_space<vmem>>) offsets(%dma_start3A_190 : memref<128xi32, #tpu.memory_space<vmem>>) semaphore(%arg16 : memref<!tpu.dma_semaphore, #tpu.memory_space<semaphore_mem>>)
        %dma_wait3A = arith.constant 0 : i32
        %dma_wait3A_194 = arith.constant 0 : i32
        %dma_wait3A_195 = tpu.memref_slice %arg11[%dma_wait3A, %dma_wait3A_194] : memref<8x128xi32, #tpu.memory_space<vmem>> -> memref<1x128xi32, #tpu.memory_space<vmem>>
        %dma_wait3A_196 = tpu.memref_squeeze %dma_wait3A_195 : memref<1x128xi32, #tpu.memory_space<vmem>> -> memref<128xi32, #tpu.memory_space<vmem>>
        %dma_wait3A_197 = arith.constant 0 : i32
        %dma_wait3A_198 = arith.constant 0 : i32
        %dma_wait3A_199 = tpu.memref_slice %arg2[%dma_wait3A_197, %dma_wait3A_198] : memref<10000x128xf32, #tpu.memory_space<hbm>> -> memref<10000x128xf32, #tpu.memory_space<hbm>>
        tpu.wait_indirect_dma semaphore(%arg16 : memref<!tpu.dma_semaphore, #tpu.memory_space<semaphore_mem>>) src(%dma_wait3A_199 : memref<10000x128xf32, #tpu.memory_space<hbm>>) dst(%arg14 : memref<128x128xf32, #tpu.memory_space<vmem>>)
        %dma_start3A_200 = arith.constant 0 : i32
        %dma_start3A_201 = arith.constant 0 : i32
        %dma_start3A_202 = tpu.memref_slice %arg12[%dma_start3A_200, %dma_start3A_201] : memref<8x128xi32, #tpu.memory_space<vmem>> -> memref<1x128xi32, #tpu.memory_space<vmem>>
        %dma_start3A_203 = tpu.memref_squeeze %dma_start3A_202 : memref<1x128xi32, #tpu.memory_space<vmem>> -> memref<128xi32, #tpu.memory_space<vmem>>
        %dma_start3A_204 = arith.constant 0 : i32
        %dma_start3A_205 = arith.constant 0 : i32
        %dma_start3A_206 = tpu.memref_slice %arg20[%dma_start3A_204, %dma_start3A_205] : memref<10240x128xf32, #tpu.memory_space<vmem_shared>> -> memref<10240x128xf32, #tpu.memory_space<vmem_shared>>
        tpu.enqueue_indirect_dma source(%arg14 : memref<128x128xf32, #tpu.memory_space<vmem>>) target(%dma_start3A_206 : memref<10240x128xf32, #tpu.memory_space<vmem_shared>>) offsets(%dma_start3A_203 : memref<128xi32, #tpu.memory_space<vmem>>) semaphore(%arg18 : memref<!tpu.dma_semaphore, #tpu.memory_space<semaphore_mem>>) {add = true}
        %dma_start3A_207 = arith.constant 1 : i32
        %dma_start3A_208 = arith.constant 0 : i32
        %dma_start3A_209 = tpu.memref_slice %arg11[%dma_start3A_207, %dma_start3A_208] : memref<8x128xi32, #tpu.memory_space<vmem>> -> memref<1x128xi32, #tpu.memory_space<vmem>>
        %dma_start3A_210 = tpu.memref_squeeze %dma_start3A_209 : memref<1x128xi32, #tpu.memory_space<vmem>> -> memref<128xi32, #tpu.memory_space<vmem>>
        %dma_start3A_211 = arith.constant 0 : i32
        %dma_start3A_212 = arith.constant 0 : i32
        %dma_start3A_213 = tpu.memref_slice %arg2[%dma_start3A_211, %dma_start3A_212] : memref<10000x128xf32, #tpu.memory_space<hbm>> -> memref<10000x128xf32, #tpu.memory_space<hbm>>
        tpu.enqueue_indirect_dma source(%dma_start3A_213 : memref<10000x128xf32, #tpu.memory_space<hbm>>) target(%arg15 : memref<128x128xf32, #tpu.memory_space<vmem>>) offsets(%dma_start3A_210 : memref<128xi32, #tpu.memory_space<vmem>>) semaphore(%arg17 : memref<!tpu.dma_semaphore, #tpu.memory_space<semaphore_mem>>)
        %dma_wait3A_214 = arith.constant 1 : i32
        %dma_wait3A_215 = arith.constant 0 : i32
        %dma_wait3A_216 = tpu.memref_slice %arg11[%dma_wait3A_214, %dma_wait3A_215] : memref<8x128xi32, #tpu.memory_space<vmem>> -> memref<1x128xi32, #tpu.memory_space<vmem>>
        %dma_wait3A_217 = tpu.memref_squeeze %dma_wait3A_216 : memref<1x128xi32, #tpu.memory_space<vmem>> -> memref<128xi32, #tpu.memory_space<vmem>>
        %dma_wait3A_218 = arith.constant 0 : i32
        %dma_wait3A_219 = arith.constant 0 : i32
        %dma_wait3A_220 = tpu.memref_slice %arg2[%dma_wait3A_218, %dma_wait3A_219] : memref<10000x128xf32, #tpu.memory_space<hbm>> -> memref<10000x128xf32, #tpu.memory_space<hbm>>
        tpu.wait_indirect_dma semaphore(%arg17 : memref<!tpu.dma_semaphore, #tpu.memory_space<semaphore_mem>>) src(%dma_wait3A_220 : memref<10000x128xf32, #tpu.memory_space<hbm>>) dst(%arg15 : memref<128x128xf32, #tpu.memory_space<vmem>>)
        %dma_start3A_221 = arith.constant 1 : i32
        %dma_start3A_222 = arith.constant 0 : i32
        %dma_start3A_223 = tpu.memref_slice %arg12[%dma_start3A_221, %dma_start3A_222] : memref<8x128xi32, #tpu.memory_space<vmem>> -> memref<1x128xi32, #tpu.memory_space<vmem>>
        %dma_start3A_224 = tpu.memref_squeeze %dma_start3A_223 : memref<1x128xi32, #tpu.memory_space<vmem>> -> memref<128xi32, #tpu.memory_space<vmem>>
        %dma_start3A_225 = arith.constant 0 : i32
        %dma_start3A_226 = arith.constant 0 : i32
        %dma_start3A_227 = tpu.memref_slice %arg20[%dma_start3A_225, %dma_start3A_226] : memref<10240x128xf32, #tpu.memory_space<vmem_shared>> -> memref<10240x128xf32, #tpu.memory_space<vmem_shared>>
        tpu.enqueue_indirect_dma source(%arg15 : memref<128x128xf32, #tpu.memory_space<vmem>>) target(%dma_start3A_227 : memref<10240x128xf32, #tpu.memory_space<vmem_shared>>) offsets(%dma_start3A_224 : memref<128xi32, #tpu.memory_space<vmem>>) semaphore(%arg19 : memref<!tpu.dma_semaphore, #tpu.memory_space<semaphore_mem>>) {add = true}
        %dma_wait3A_228 = arith.constant 0 : i32
        %dma_wait3A_229 = arith.constant 0 : i32
        %dma_wait3A_230 = tpu.memref_slice %arg12[%dma_wait3A_228, %dma_wait3A_229] : memref<8x128xi32, #tpu.memory_space<vmem>> -> memref<1x128xi32, #tpu.memory_space<vmem>>
        %dma_wait3A_231 = tpu.memref_squeeze %dma_wait3A_230 : memref<1x128xi32, #tpu.memory_space<vmem>> -> memref<128xi32, #tpu.memory_space<vmem>>
        %dma_wait3A_232 = arith.constant 0 : i32
        %dma_wait3A_233 = arith.constant 0 : i32
        %dma_wait3A_234 = tpu.memref_slice %arg20[%dma_wait3A_232, %dma_wait3A_233] : memref<10240x128xf32, #tpu.memory_space<vmem_shared>> -> memref<10240x128xf32, #tpu.memory_space<vmem_shared>>
        tpu.wait_indirect_dma semaphore(%arg18 : memref<!tpu.dma_semaphore, #tpu.memory_space<semaphore_mem>>) src(%arg14 : memref<128x128xf32, #tpu.memory_space<vmem>>) dst(%dma_wait3A_234 : memref<10240x128xf32, #tpu.memory_space<vmem_shared>>)
        %dma_start3A_235 = arith.constant 2 : i32
        %dma_start3A_236 = arith.constant 0 : i32
        %dma_start3A_237 = tpu.memref_slice %arg11[%dma_start3A_235, %dma_start3A_236] : memref<8x128xi32, #tpu.memory_space<vmem>> -> memref<1x128xi32, #tpu.memory_space<vmem>>
        %dma_start3A_238 = tpu.memref_squeeze %dma_start3A_237 : memref<1x128xi32, #tpu.memory_space<vmem>> -> memref<128xi32, #tpu.memory_space<vmem>>
        %dma_start3A_239 = arith.constant 0 : i32
        %dma_start3A_240 = arith.constant 0 : i32
        %dma_start3A_241 = tpu.memref_slice %arg2[%dma_start3A_239, %dma_start3A_240] : memref<10000x128xf32, #tpu.memory_space<hbm>> -> memref<10000x128xf32, #tpu.memory_space<hbm>>
        tpu.enqueue_indirect_dma source(%dma_start3A_241 : memref<10000x128xf32, #tpu.memory_space<hbm>>) target(%arg14 : memref<128x128xf32, #tpu.memory_space<vmem>>) offsets(%dma_start3A_238 : memref<128xi32, #tpu.memory_space<vmem>>) semaphore(%arg16 : memref<!tpu.dma_semaphore, #tpu.memory_space<semaphore_mem>>)
        %dma_wait3A_242 = arith.constant 2 : i32
        %dma_wait3A_243 = arith.constant 0 : i32
        %dma_wait3A_244 = tpu.memref_slice %arg11[%dma_wait3A_242, %dma_wait3A_243] : memref<8x128xi32, #tpu.memory_space<vmem>> -> memref<1x128xi32, #tpu.memory_space<vmem>>
        %dma_wait3A_245 = tpu.memref_squeeze %dma_wait3A_244 : memref<1x128xi32, #tpu.memory_space<vmem>> -> memref<128xi32, #tpu.memory_space<vmem>>
        %dma_wait3A_246 = arith.constant 0 : i32
        %dma_wait3A_247 = arith.constant 0 : i32
        %dma_wait3A_248 = tpu.memref_slice %arg2[%dma_wait3A_246, %dma_wait3A_247] : memref<10000x128xf32, #tpu.memory_space<hbm>> -> memref<10000x128xf32, #tpu.memory_space<hbm>>
        tpu.wait_indirect_dma semaphore(%arg16 : memref<!tpu.dma_semaphore, #tpu.memory_space<semaphore_mem>>) src(%dma_wait3A_248 : memref<10000x128xf32, #tpu.memory_space<hbm>>) dst(%arg14 : memref<128x128xf32, #tpu.memory_space<vmem>>)
        %dma_start3A_249 = arith.constant 2 : i32
        %dma_start3A_250 = arith.constant 0 : i32
        %dma_start3A_251 = tpu.memref_slice %arg12[%dma_start3A_249, %dma_start3A_250] : memref<8x128xi32, #tpu.memory_space<vmem>> -> memref<1x128xi32, #tpu.memory_space<vmem>>
        %dma_start3A_252 = tpu.memref_squeeze %dma_start3A_251 : memref<1x128xi32, #tpu.memory_space<vmem>> -> memref<128xi32, #tpu.memory_space<vmem>>
        %dma_start3A_253 = arith.constant 0 : i32
        %dma_start3A_254 = arith.constant 0 : i32
        %dma_start3A_255 = tpu.memref_slice %arg20[%dma_start3A_253, %dma_start3A_254] : memref<10240x128xf32, #tpu.memory_space<vmem_shared>> -> memref<10240x128xf32, #tpu.memory_space<vmem_shared>>
        tpu.enqueue_indirect_dma source(%arg14 : memref<128x128xf32, #tpu.memory_space<vmem>>) target(%dma_start3A_255 : memref<10240x128xf32, #tpu.memory_space<vmem_shared>>) offsets(%dma_start3A_252 : memref<128xi32, #tpu.memory_space<vmem>>) semaphore(%arg18 : memref<!tpu.dma_semaphore, #tpu.memory_space<semaphore_mem>>) {add = true}
        %dma_wait3A_256 = arith.constant 1 : i32
        %dma_wait3A_257 = arith.constant 0 : i32
        %dma_wait3A_258 = tpu.memref_slice %arg12[%dma_wait3A_256, %dma_wait3A_257] : memref<8x128xi32, #tpu.memory_space<vmem>> -> memref<1x128xi32, #tpu.memory_space<vmem>>
        %dma_wait3A_259 = tpu.memref_squeeze %dma_wait3A_258 : memref<1x128xi32, #tpu.memory_space<vmem>> -> memref<128xi32, #tpu.memory_space<vmem>>
        %dma_wait3A_260 = arith.constant 0 : i32
        %dma_wait3A_261 = arith.constant 0 : i32
        %dma_wait3A_262 = tpu.memref_slice %arg20[%dma_wait3A_260, %dma_wait3A_261] : memref<10240x128xf32, #tpu.memory_space<vmem_shared>> -> memref<10240x128xf32, #tpu.memory_space<vmem_shared>>
        tpu.wait_indirect_dma semaphore(%arg19 : memref<!tpu.dma_semaphore, #tpu.memory_space<semaphore_mem>>) src(%arg15 : memref<128x128xf32, #tpu.memory_space<vmem>>) dst(%dma_wait3A_262 : memref<10240x128xf32, #tpu.memory_space<vmem_shared>>)
        %dma_start3A_263 = arith.constant 3 : i32
        %dma_start3A_264 = arith.constant 0 : i32
        %dma_start3A_265 = tpu.memref_slice %arg11[%dma_start3A_263, %dma_start3A_264] : memref<8x128xi32, #tpu.memory_space<vmem>> -> memref<1x128xi32, #tpu.memory_space<vmem>>
        %dma_start3A_266 = tpu.memref_squeeze %dma_start3A_265 : memref<1x128xi32, #tpu.memory_space<vmem>> -> memref<128xi32, #tpu.memory_space<vmem>>
        %dma_start3A_267 = arith.constant 0 : i32
        %dma_start3A_268 = arith.constant 0 : i32
        %dma_start3A_269 = tpu.memref_slice %arg2[%dma_start3A_267, %dma_start3A_268] : memref<10000x128xf32, #tpu.memory_space<hbm>> -> memref<10000x128xf32, #tpu.memory_space<hbm>>
        tpu.enqueue_indirect_dma source(%dma_start3A_269 : memref<10000x128xf32, #tpu.memory_space<hbm>>) target(%arg15 : memref<128x128xf32, #tpu.memory_space<vmem>>) offsets(%dma_start3A_266 : memref<128xi32, #tpu.memory_space<vmem>>) semaphore(%arg17 : memref<!tpu.dma_semaphore, #tpu.memory_space<semaphore_mem>>)
        %dma_wait3A_270 = arith.constant 3 : i32
        %dma_wait3A_271 = arith.constant 0 : i32
        %dma_wait3A_272 = tpu.memref_slice %arg11[%dma_wait3A_270, %dma_wait3A_271] : memref<8x128xi32, #tpu.memory_space<vmem>> -> memref<1x128xi32, #tpu.memory_space<vmem>>
        %dma_wait3A_273 = tpu.memref_squeeze %dma_wait3A_272 : memref<1x128xi32, #tpu.memory_space<vmem>> -> memref<128xi32, #tpu.memory_space<vmem>>
        %dma_wait3A_274 = arith.constant 0 : i32
        %dma_wait3A_275 = arith.constant 0 : i32
        %dma_wait3A_276 = tpu.memref_slice %arg2[%dma_wait3A_274, %dma_wait3A_275] : memref<10000x128xf32, #tpu.memory_space<hbm>> -> memref<10000x128xf32, #tpu.memory_space<hbm>>
        tpu.wait_indirect_dma semaphore(%arg17 : memref<!tpu.dma_semaphore, #tpu.memory_space<semaphore_mem>>) src(%dma_wait3A_276 : memref<10000x128xf32, #tpu.memory_space<hbm>>) dst(%arg15 : memref<128x128xf32, #tpu.memory_space<vmem>>)
        %dma_start3A_277 = arith.constant 3 : i32
        %dma_start3A_278 = arith.constant 0 : i32
        %dma_start3A_279 = tpu.memref_slice %arg12[%dma_start3A_277, %dma_start3A_278] : memref<8x128xi32, #tpu.memory_space<vmem>> -> memref<1x128xi32, #tpu.memory_space<vmem>>
        %dma_start3A_280 = tpu.memref_squeeze %dma_start3A_279 : memref<1x128xi32, #tpu.memory_space<vmem>> -> memref<128xi32, #tpu.memory_space<vmem>>
        %dma_start3A_281 = arith.constant 0 : i32
        %dma_start3A_282 = arith.constant 0 : i32
        %dma_start3A_283 = tpu.memref_slice %arg20[%dma_start3A_281, %dma_start3A_282] : memref<10240x128xf32, #tpu.memory_space<vmem_shared>> -> memref<10240x128xf32, #tpu.memory_space<vmem_shared>>
        tpu.enqueue_indirect_dma source(%arg15 : memref<128x128xf32, #tpu.memory_space<vmem>>) target(%dma_start3A_283 : memref<10240x128xf32, #tpu.memory_space<vmem_shared>>) offsets(%dma_start3A_280 : memref<128xi32, #tpu.memory_space<vmem>>) semaphore(%arg19 : memref<!tpu.dma_semaphore, #tpu.memory_space<semaphore_mem>>) {add = true}
        %dma_wait3A_284 = arith.constant 2 : i32
        %dma_wait3A_285 = arith.constant 0 : i32
        %dma_wait3A_286 = tpu.memref_slice %arg12[%dma_wait3A_284, %dma_wait3A_285] : memref<8x128xi32, #tpu.memory_space<vmem>> -> memref<1x128xi32, #tpu.memory_space<vmem>>
        %dma_wait3A_287 = tpu.memref_squeeze %dma_wait3A_286 : memref<1x128xi32, #tpu.memory_space<vmem>> -> memref<128xi32, #tpu.memory_space<vmem>>
        %dma_wait3A_288 = arith.constant 0 : i32
        %dma_wait3A_289 = arith.constant 0 : i32
        %dma_wait3A_290 = tpu.memref_slice %arg20[%dma_wait3A_288, %dma_wait3A_289] : memref<10240x128xf32, #tpu.memory_space<vmem_shared>> -> memref<10240x128xf32, #tpu.memory_space<vmem_shared>>
        tpu.wait_indirect_dma semaphore(%arg18 : memref<!tpu.dma_semaphore, #tpu.memory_space<semaphore_mem>>) src(%arg14 : memref<128x128xf32, #tpu.memory_space<vmem>>) dst(%dma_wait3A_290 : memref<10240x128xf32, #tpu.memory_space<vmem_shared>>)
        %dma_start3A_291 = arith.constant 4 : i32
        %dma_start3A_292 = arith.constant 0 : i32
        %dma_start3A_293 = tpu.memref_slice %arg11[%dma_start3A_291, %dma_start3A_292] : memref<8x128xi32, #tpu.memory_space<vmem>> -> memref<1x128xi32, #tpu.memory_space<vmem>>
        %dma_start3A_294 = tpu.memref_squeeze %dma_start3A_293 : memref<1x128xi32, #tpu.memory_space<vmem>> -> memref<128xi32, #tpu.memory_space<vmem>>
        %dma_start3A_295 = arith.constant 0 : i32
        %dma_start3A_296 = arith.constant 0 : i32
        %dma_start3A_297 = tpu.memref_slice %arg2[%dma_start3A_295, %dma_start3A_296] : memref<10000x128xf32, #tpu.memory_space<hbm>> -> memref<10000x128xf32, #tpu.memory_space<hbm>>
        tpu.enqueue_indirect_dma source(%dma_start3A_297 : memref<10000x128xf32, #tpu.memory_space<hbm>>) target(%arg14 : memref<128x128xf32, #tpu.memory_space<vmem>>) offsets(%dma_start3A_294 : memref<128xi32, #tpu.memory_space<vmem>>) semaphore(%arg16 : memref<!tpu.dma_semaphore, #tpu.memory_space<semaphore_mem>>)
        %dma_wait3A_298 = arith.constant 4 : i32
        %dma_wait3A_299 = arith.constant 0 : i32
        %dma_wait3A_300 = tpu.memref_slice %arg11[%dma_wait3A_298, %dma_wait3A_299] : memref<8x128xi32, #tpu.memory_space<vmem>> -> memref<1x128xi32, #tpu.memory_space<vmem>>
        %dma_wait3A_301 = tpu.memref_squeeze %dma_wait3A_300 : memref<1x128xi32, #tpu.memory_space<vmem>> -> memref<128xi32, #tpu.memory_space<vmem>>
        %dma_wait3A_302 = arith.constant 0 : i32
        %dma_wait3A_303 = arith.constant 0 : i32
        %dma_wait3A_304 = tpu.memref_slice %arg2[%dma_wait3A_302, %dma_wait3A_303] : memref<10000x128xf32, #tpu.memory_space<hbm>> -> memref<10000x128xf32, #tpu.memory_space<hbm>>
        tpu.wait_indirect_dma semaphore(%arg16 : memref<!tpu.dma_semaphore, #tpu.memory_space<semaphore_mem>>) src(%dma_wait3A_304 : memref<10000x128xf32, #tpu.memory_space<hbm>>) dst(%arg14 : memref<128x128xf32, #tpu.memory_space<vmem>>)
        %dma_start3A_305 = arith.constant 4 : i32
        %dma_start3A_306 = arith.constant 0 : i32
        %dma_start3A_307 = tpu.memref_slice %arg12[%dma_start3A_305, %dma_start3A_306] : memref<8x128xi32, #tpu.memory_space<vmem>> -> memref<1x128xi32, #tpu.memory_space<vmem>>
        %dma_start3A_308 = tpu.memref_squeeze %dma_start3A_307 : memref<1x128xi32, #tpu.memory_space<vmem>> -> memref<128xi32, #tpu.memory_space<vmem>>
        %dma_start3A_309 = arith.constant 0 : i32
        %dma_start3A_310 = arith.constant 0 : i32
        %dma_start3A_311 = tpu.memref_slice %arg20[%dma_start3A_309, %dma_start3A_310] : memref<10240x128xf32, #tpu.memory_space<vmem_shared>> -> memref<10240x128xf32, #tpu.memory_space<vmem_shared>>
        tpu.enqueue_indirect_dma source(%arg14 : memref<128x128xf32, #tpu.memory_space<vmem>>) target(%dma_start3A_311 : memref<10240x128xf32, #tpu.memory_space<vmem_shared>>) offsets(%dma_start3A_308 : memref<128xi32, #tpu.memory_space<vmem>>) semaphore(%arg18 : memref<!tpu.dma_semaphore, #tpu.memory_space<semaphore_mem>>) {add = true}
        %dma_wait3A_312 = arith.constant 3 : i32
        %dma_wait3A_313 = arith.constant 0 : i32
        %dma_wait3A_314 = tpu.memref_slice %arg12[%dma_wait3A_312, %dma_wait3A_313] : memref<8x128xi32, #tpu.memory_space<vmem>> -> memref<1x128xi32, #tpu.memory_space<vmem>>
        %dma_wait3A_315 = tpu.memref_squeeze %dma_wait3A_314 : memref<1x128xi32, #tpu.memory_space<vmem>> -> memref<128xi32, #tpu.memory_space<vmem>>
        %dma_wait3A_316 = arith.constant 0 : i32
        %dma_wait3A_317 = arith.constant 0 : i32
        %dma_wait3A_318 = tpu.memref_slice %arg20[%dma_wait3A_316, %dma_wait3A_317] : memref<10240x128xf32, #tpu.memory_space<vmem_shared>> -> memref<10240x128xf32, #tpu.memory_space<vmem_shared>>
        tpu.wait_indirect_dma semaphore(%arg19 : memref<!tpu.dma_semaphore, #tpu.memory_space<semaphore_mem>>) src(%arg15 : memref<128x128xf32, #tpu.memory_space<vmem>>) dst(%dma_wait3A_318 : memref<10240x128xf32, #tpu.memory_space<vmem_shared>>)
        %dma_start3A_319 = arith.constant 5 : i32
        %dma_start3A_320 = arith.constant 0 : i32
        %dma_start3A_321 = tpu.memref_slice %arg11[%dma_start3A_319, %dma_start3A_320] : memref<8x128xi32, #tpu.memory_space<vmem>> -> memref<1x128xi32, #tpu.memory_space<vmem>>
        %dma_start3A_322 = tpu.memref_squeeze %dma_start3A_321 : memref<1x128xi32, #tpu.memory_space<vmem>> -> memref<128xi32, #tpu.memory_space<vmem>>
        %dma_start3A_323 = arith.constant 0 : i32
        %dma_start3A_324 = arith.constant 0 : i32
        %dma_start3A_325 = tpu.memref_slice %arg2[%dma_start3A_323, %dma_start3A_324] : memref<10000x128xf32, #tpu.memory_space<hbm>> -> memref<10000x128xf32, #tpu.memory_space<hbm>>
        tpu.enqueue_indirect_dma source(%dma_start3A_325 : memref<10000x128xf32, #tpu.memory_space<hbm>>) target(%arg15 : memref<128x128xf32, #tpu.memory_space<vmem>>) offsets(%dma_start3A_322 : memref<128xi32, #tpu.memory_space<vmem>>) semaphore(%arg17 : memref<!tpu.dma_semaphore, #tpu.memory_space<semaphore_mem>>)
        %dma_wait3A_326 = arith.constant 5 : i32
        %dma_wait3A_327 = arith.constant 0 : i32
        %dma_wait3A_328 = tpu.memref_slice %arg11[%dma_wait3A_326, %dma_wait3A_327] : memref<8x128xi32, #tpu.memory_space<vmem>> -> memref<1x128xi32, #tpu.memory_space<vmem>>
        %dma_wait3A_329 = tpu.memref_squeeze %dma_wait3A_328 : memref<1x128xi32, #tpu.memory_space<vmem>> -> memref<128xi32, #tpu.memory_space<vmem>>
        %dma_wait3A_330 = arith.constant 0 : i32
        %dma_wait3A_331 = arith.constant 0 : i32
        %dma_wait3A_332 = tpu.memref_slice %arg2[%dma_wait3A_330, %dma_wait3A_331] : memref<10000x128xf32, #tpu.memory_space<hbm>> -> memref<10000x128xf32, #tpu.memory_space<hbm>>
        tpu.wait_indirect_dma semaphore(%arg17 : memref<!tpu.dma_semaphore, #tpu.memory_space<semaphore_mem>>) src(%dma_wait3A_332 : memref<10000x128xf32, #tpu.memory_space<hbm>>) dst(%arg15 : memref<128x128xf32, #tpu.memory_space<vmem>>)
        %dma_start3A_333 = arith.constant 5 : i32
        %dma_start3A_334 = arith.constant 0 : i32
        %dma_start3A_335 = tpu.memref_slice %arg12[%dma_start3A_333, %dma_start3A_334] : memref<8x128xi32, #tpu.memory_space<vmem>> -> memref<1x128xi32, #tpu.memory_space<vmem>>
        %dma_start3A_336 = tpu.memref_squeeze %dma_start3A_335 : memref<1x128xi32, #tpu.memory_space<vmem>> -> memref<128xi32, #tpu.memory_space<vmem>>
        %dma_start3A_337 = arith.constant 0 : i32
        %dma_start3A_338 = arith.constant 0 : i32
        %dma_start3A_339 = tpu.memref_slice %arg20[%dma_start3A_337, %dma_start3A_338] : memref<10240x128xf32, #tpu.memory_space<vmem_shared>> -> memref<10240x128xf32, #tpu.memory_space<vmem_shared>>
        tpu.enqueue_indirect_dma source(%arg15 : memref<128x128xf32, #tpu.memory_space<vmem>>) target(%dma_start3A_339 : memref<10240x128xf32, #tpu.memory_space<vmem_shared>>) offsets(%dma_start3A_336 : memref<128xi32, #tpu.memory_space<vmem>>) semaphore(%arg19 : memref<!tpu.dma_semaphore, #tpu.memory_space<semaphore_mem>>) {add = true}
        %dma_wait3A_340 = arith.constant 4 : i32
        %dma_wait3A_341 = arith.constant 0 : i32
        %dma_wait3A_342 = tpu.memref_slice %arg12[%dma_wait3A_340, %dma_wait3A_341] : memref<8x128xi32, #tpu.memory_space<vmem>> -> memref<1x128xi32, #tpu.memory_space<vmem>>
        %dma_wait3A_343 = tpu.memref_squeeze %dma_wait3A_342 : memref<1x128xi32, #tpu.memory_space<vmem>> -> memref<128xi32, #tpu.memory_space<vmem>>
        %dma_wait3A_344 = arith.constant 0 : i32
        %dma_wait3A_345 = arith.constant 0 : i32
        %dma_wait3A_346 = tpu.memref_slice %arg20[%dma_wait3A_344, %dma_wait3A_345] : memref<10240x128xf32, #tpu.memory_space<vmem_shared>> -> memref<10240x128xf32, #tpu.memory_space<vmem_shared>>
        tpu.wait_indirect_dma semaphore(%arg18 : memref<!tpu.dma_semaphore, #tpu.memory_space<semaphore_mem>>) src(%arg14 : memref<128x128xf32, #tpu.memory_space<vmem>>) dst(%dma_wait3A_346 : memref<10240x128xf32, #tpu.memory_space<vmem_shared>>)
        %dma_start3A_347 = arith.constant 6 : i32
        %dma_start3A_348 = arith.constant 0 : i32
        %dma_start3A_349 = tpu.memref_slice %arg11[%dma_start3A_347, %dma_start3A_348] : memref<8x128xi32, #tpu.memory_space<vmem>> -> memref<1x128xi32, #tpu.memory_space<vmem>>
        %dma_start3A_350 = tpu.memref_squeeze %dma_start3A_349 : memref<1x128xi32, #tpu.memory_space<vmem>> -> memref<128xi32, #tpu.memory_space<vmem>>
        %dma_start3A_351 = arith.constant 0 : i32
        %dma_start3A_352 = arith.constant 0 : i32
        %dma_start3A_353 = tpu.memref_slice %arg2[%dma_start3A_351, %dma_start3A_352] : memref<10000x128xf32, #tpu.memory_space<hbm>> -> memref<10000x128xf32, #tpu.memory_space<hbm>>
        tpu.enqueue_indirect_dma source(%dma_start3A_353 : memref<10000x128xf32, #tpu.memory_space<hbm>>) target(%arg14 : memref<128x128xf32, #tpu.memory_space<vmem>>) offsets(%dma_start3A_350 : memref<128xi32, #tpu.memory_space<vmem>>) semaphore(%arg16 : memref<!tpu.dma_semaphore, #tpu.memory_space<semaphore_mem>>)
        %dma_wait3A_354 = arith.constant 6 : i32
        %dma_wait3A_355 = arith.constant 0 : i32
        %dma_wait3A_356 = tpu.memref_slice %arg11[%dma_wait3A_354, %dma_wait3A_355] : memref<8x128xi32, #tpu.memory_space<vmem>> -> memref<1x128xi32, #tpu.memory_space<vmem>>
        %dma_wait3A_357 = tpu.memref_squeeze %dma_wait3A_356 : memref<1x128xi32, #tpu.memory_space<vmem>> -> memref<128xi32, #tpu.memory_space<vmem>>
        %dma_wait3A_358 = arith.constant 0 : i32
        %dma_wait3A_359 = arith.constant 0 : i32
        %dma_wait3A_360 = tpu.memref_slice %arg2[%dma_wait3A_358, %dma_wait3A_359] : memref<10000x128xf32, #tpu.memory_space<hbm>> -> memref<10000x128xf32, #tpu.memory_space<hbm>>
        tpu.wait_indirect_dma semaphore(%arg16 : memref<!tpu.dma_semaphore, #tpu.memory_space<semaphore_mem>>) src(%dma_wait3A_360 : memref<10000x128xf32, #tpu.memory_space<hbm>>) dst(%arg14 : memref<128x128xf32, #tpu.memory_space<vmem>>)
        %dma_start3A_361 = arith.constant 6 : i32
        %dma_start3A_362 = arith.constant 0 : i32
        %dma_start3A_363 = tpu.memref_slice %arg12[%dma_start3A_361, %dma_start3A_362] : memref<8x128xi32, #tpu.memory_space<vmem>> -> memref<1x128xi32, #tpu.memory_space<vmem>>
        %dma_start3A_364 = tpu.memref_squeeze %dma_start3A_363 : memref<1x128xi32, #tpu.memory_space<vmem>> -> memref<128xi32, #tpu.memory_space<vmem>>
        %dma_start3A_365 = arith.constant 0 : i32
        %dma_start3A_366 = arith.constant 0 : i32
        %dma_start3A_367 = tpu.memref_slice %arg20[%dma_start3A_365, %dma_start3A_366] : memref<10240x128xf32, #tpu.memory_space<vmem_shared>> -> memref<10240x128xf32, #tpu.memory_space<vmem_shared>>
        tpu.enqueue_indirect_dma source(%arg14 : memref<128x128xf32, #tpu.memory_space<vmem>>) target(%dma_start3A_367 : memref<10240x128xf32, #tpu.memory_space<vmem_shared>>) offsets(%dma_start3A_364 : memref<128xi32, #tpu.memory_space<vmem>>) semaphore(%arg18 : memref<!tpu.dma_semaphore, #tpu.memory_space<semaphore_mem>>) {add = true}
        %dma_wait3A_368 = arith.constant 5 : i32
        %dma_wait3A_369 = arith.constant 0 : i32
        %dma_wait3A_370 = tpu.memref_slice %arg12[%dma_wait3A_368, %dma_wait3A_369] : memref<8x128xi32, #tpu.memory_space<vmem>> -> memref<1x128xi32, #tpu.memory_space<vmem>>
        %dma_wait3A_371 = tpu.memref_squeeze %dma_wait3A_370 : memref<1x128xi32, #tpu.memory_space<vmem>> -> memref<128xi32, #tpu.memory_space<vmem>>
        %dma_wait3A_372 = arith.constant 0 : i32
        %dma_wait3A_373 = arith.constant 0 : i32
        %dma_wait3A_374 = tpu.memref_slice %arg20[%dma_wait3A_372, %dma_wait3A_373] : memref<10240x128xf32, #tpu.memory_space<vmem_shared>> -> memref<10240x128xf32, #tpu.memory_space<vmem_shared>>
        tpu.wait_indirect_dma semaphore(%arg19 : memref<!tpu.dma_semaphore, #tpu.memory_space<semaphore_mem>>) src(%arg15 : memref<128x128xf32, #tpu.memory_space<vmem>>) dst(%dma_wait3A_374 : memref<10240x128xf32, #tpu.memory_space<vmem_shared>>)
        %dma_start3A_375 = arith.constant 7 : i32
        %dma_start3A_376 = arith.constant 0 : i32
        %dma_start3A_377 = tpu.memref_slice %arg11[%dma_start3A_375, %dma_start3A_376] : memref<8x128xi32, #tpu.memory_space<vmem>> -> memref<1x128xi32, #tpu.memory_space<vmem>>
        %dma_start3A_378 = tpu.memref_squeeze %dma_start3A_377 : memref<1x128xi32, #tpu.memory_space<vmem>> -> memref<128xi32, #tpu.memory_space<vmem>>
        %dma_start3A_379 = arith.constant 0 : i32
        %dma_start3A_380 = arith.constant 0 : i32
        %dma_start3A_381 = tpu.memref_slice %arg2[%dma_start3A_379, %dma_start3A_380] : memref<10000x128xf32, #tpu.memory_space<hbm>> -> memref<10000x128xf32, #tpu.memory_space<hbm>>
        tpu.enqueue_indirect_dma source(%dma_start3A_381 : memref<10000x128xf32, #tpu.memory_space<hbm>>) target(%arg15 : memref<128x128xf32, #tpu.memory_space<vmem>>) offsets(%dma_start3A_378 : memref<128xi32, #tpu.memory_space<vmem>>) semaphore(%arg17 : memref<!tpu.dma_semaphore, #tpu.memory_space<semaphore_mem>>)
        %dma_wait3A_382 = arith.constant 7 : i32
        %dma_wait3A_383 = arith.constant 0 : i32
        %dma_wait3A_384 = tpu.memref_slice %arg11[%dma_wait3A_382, %dma_wait3A_383] : memref<8x128xi32, #tpu.memory_space<vmem>> -> memref<1x128xi32, #tpu.memory_space<vmem>>
        %dma_wait3A_385 = tpu.memref_squeeze %dma_wait3A_384 : memref<1x128xi32, #tpu.memory_space<vmem>> -> memref<128xi32, #tpu.memory_space<vmem>>
        %dma_wait3A_386 = arith.constant 0 : i32
        %dma_wait3A_387 = arith.constant 0 : i32
        %dma_wait3A_388 = tpu.memref_slice %arg2[%dma_wait3A_386, %dma_wait3A_387] : memref<10000x128xf32, #tpu.memory_space<hbm>> -> memref<10000x128xf32, #tpu.memory_space<hbm>>
        tpu.wait_indirect_dma semaphore(%arg17 : memref<!tpu.dma_semaphore, #tpu.memory_space<semaphore_mem>>) src(%dma_wait3A_388 : memref<10000x128xf32, #tpu.memory_space<hbm>>) dst(%arg15 : memref<128x128xf32, #tpu.memory_space<vmem>>)
        %dma_start3A_389 = arith.constant 7 : i32
        %dma_start3A_390 = arith.constant 0 : i32
        %dma_start3A_391 = tpu.memref_slice %arg12[%dma_start3A_389, %dma_start3A_390] : memref<8x128xi32, #tpu.memory_space<vmem>> -> memref<1x128xi32, #tpu.memory_space<vmem>>
        %dma_start3A_392 = tpu.memref_squeeze %dma_start3A_391 : memref<1x128xi32, #tpu.memory_space<vmem>> -> memref<128xi32, #tpu.memory_space<vmem>>
        %dma_start3A_393 = arith.constant 0 : i32
        %dma_start3A_394 = arith.constant 0 : i32
        %dma_start3A_395 = tpu.memref_slice %arg20[%dma_start3A_393, %dma_start3A_394] : memref<10240x128xf32, #tpu.memory_space<vmem_shared>> -> memref<10240x128xf32, #tpu.memory_space<vmem_shared>>
        tpu.enqueue_indirect_dma source(%arg15 : memref<128x128xf32, #tpu.memory_space<vmem>>) target(%dma_start3A_395 : memref<10240x128xf32, #tpu.memory_space<vmem_shared>>) offsets(%dma_start3A_392 : memref<128xi32, #tpu.memory_space<vmem>>) semaphore(%arg19 : memref<!tpu.dma_semaphore, #tpu.memory_space<semaphore_mem>>) {add = true}
        %dma_wait3A_396 = arith.constant 6 : i32
        %dma_wait3A_397 = arith.constant 0 : i32
        %dma_wait3A_398 = tpu.memref_slice %arg12[%dma_wait3A_396, %dma_wait3A_397] : memref<8x128xi32, #tpu.memory_space<vmem>> -> memref<1x128xi32, #tpu.memory_space<vmem>>
        %dma_wait3A_399 = tpu.memref_squeeze %dma_wait3A_398 : memref<1x128xi32, #tpu.memory_space<vmem>> -> memref<128xi32, #tpu.memory_space<vmem>>
        %dma_wait3A_400 = arith.constant 0 : i32
        %dma_wait3A_401 = arith.constant 0 : i32
        %dma_wait3A_402 = tpu.memref_slice %arg20[%dma_wait3A_400, %dma_wait3A_401] : memref<10240x128xf32, #tpu.memory_space<vmem_shared>> -> memref<10240x128xf32, #tpu.memory_space<vmem_shared>>
        tpu.wait_indirect_dma semaphore(%arg18 : memref<!tpu.dma_semaphore, #tpu.memory_space<semaphore_mem>>) src(%arg14 : memref<128x128xf32, #tpu.memory_space<vmem>>) dst(%dma_wait3A_402 : memref<10240x128xf32, #tpu.memory_space<vmem_shared>>)
        %dma_wait3A_403 = arith.constant 7 : i32
        %dma_wait3A_404 = arith.constant 0 : i32
        %dma_wait3A_405 = tpu.memref_slice %arg12[%dma_wait3A_403, %dma_wait3A_404] : memref<8x128xi32, #tpu.memory_space<vmem>> -> memref<1x128xi32, #tpu.memory_space<vmem>>
        %dma_wait3A_406 = tpu.memref_squeeze %dma_wait3A_405 : memref<1x128xi32, #tpu.memory_space<vmem>> -> memref<128xi32, #tpu.memory_space<vmem>>
        %dma_wait3A_407 = arith.constant 0 : i32
        %dma_wait3A_408 = arith.constant 0 : i32
        %dma_wait3A_409 = tpu.memref_slice %arg20[%dma_wait3A_407, %dma_wait3A_408] : memref<10240x128xf32, #tpu.memory_space<vmem_shared>> -> memref<10240x128xf32, #tpu.memory_space<vmem_shared>>
        tpu.wait_indirect_dma semaphore(%arg19 : memref<!tpu.dma_semaphore, #tpu.memory_space<semaphore_mem>>) src(%arg15 : memref<128x128xf32, #tpu.memory_space<vmem>>) dst(%dma_wait3A_409 : memref<10240x128xf32, #tpu.memory_space<vmem_shared>>)
      } else {
      }
      %eq3A_183 = arith.constant 1 : i32
      %eq3A_184 = arith.cmpi eq, %arg0, %eq3A_183 : i32
      %convert_element_type3A_185 = arith.extui %eq3A_184 : i1 to i32
      %cond3A_186 = arith.constant 0 : i32
      %cond3A_187 = arith.cmpi ne, %convert_element_type3A_185, %cond3A_186 : i32
      scf.if %cond3A_187 {
        %dma_start3A = arith.constant 0 : i32
        %dma_start3A_188 = arith.constant 0 : i32
        %dma_start3A_189 = tpu.memref_slice %arg11[%dma_start3A, %dma_start3A_188] : memref<8x128xi32, #tpu.memory_space<vmem>> -> memref<1x128xi32, #tpu.memory_space<vmem>>
        %dma_start3A_190 = tpu.memref_squeeze %dma_start3A_189 : memref<1x128xi32, #tpu.memory_space<vmem>> -> memref<128xi32, #tpu.memory_space<vmem>>
        %dma_start3A_191 = arith.constant 0 : i32
        %dma_start3A_192 = arith.constant 0 : i32
        %dma_start3A_193 = tpu.memref_slice %arg3[%dma_start3A_191, %dma_start3A_192] : memref<10000x128xf32, #tpu.memory_space<hbm>> -> memref<10000x128xf32, #tpu.memory_space<hbm>>
        tpu.enqueue_indirect_dma source(%dma_start3A_193 : memref<10000x128xf32, #tpu.memory_space<hbm>>) target(%arg14 : memref<128x128xf32, #tpu.memory_space<vmem>>) offsets(%dma_start3A_190 : memref<128xi32, #tpu.memory_space<vmem>>) semaphore(%arg16 : memref<!tpu.dma_semaphore, #tpu.memory_space<semaphore_mem>>)
        %dma_wait3A = arith.constant 0 : i32
        %dma_wait3A_194 = arith.constant 0 : i32
        %dma_wait3A_195 = tpu.memref_slice %arg11[%dma_wait3A, %dma_wait3A_194] : memref<8x128xi32, #tpu.memory_space<vmem>> -> memref<1x128xi32, #tpu.memory_space<vmem>>
        %dma_wait3A_196 = tpu.memref_squeeze %dma_wait3A_195 : memref<1x128xi32, #tpu.memory_space<vmem>> -> memref<128xi32, #tpu.memory_space<vmem>>
        %dma_wait3A_197 = arith.constant 0 : i32
        %dma_wait3A_198 = arith.constant 0 : i32
        %dma_wait3A_199 = tpu.memref_slice %arg3[%dma_wait3A_197, %dma_wait3A_198] : memref<10000x128xf32, #tpu.memory_space<hbm>> -> memref<10000x128xf32, #tpu.memory_space<hbm>>
        tpu.wait_indirect_dma semaphore(%arg16 : memref<!tpu.dma_semaphore, #tpu.memory_space<semaphore_mem>>) src(%dma_wait3A_199 : memref<10000x128xf32, #tpu.memory_space<hbm>>) dst(%arg14 : memref<128x128xf32, #tpu.memory_space<vmem>>)
        %dma_start3A_200 = arith.constant 0 : i32
        %dma_start3A_201 = arith.constant 0 : i32
        %dma_start3A_202 = tpu.memref_slice %arg12[%dma_start3A_200, %dma_start3A_201] : memref<8x128xi32, #tpu.memory_space<vmem>> -> memref<1x128xi32, #tpu.memory_space<vmem>>
        %dma_start3A_203 = tpu.memref_squeeze %dma_start3A_202 : memref<1x128xi32, #tpu.memory_space<vmem>> -> memref<128xi32, #tpu.memory_space<vmem>>
        %dma_start3A_204 = arith.constant 0 : i32
        %dma_start3A_205 = arith.constant 0 : i32
        %dma_start3A_206 = tpu.memref_slice %arg20[%dma_start3A_204, %dma_start3A_205] : memref<10240x128xf32, #tpu.memory_space<vmem_shared>> -> memref<10240x128xf32, #tpu.memory_space<vmem_shared>>
        tpu.enqueue_indirect_dma source(%arg14 : memref<128x128xf32, #tpu.memory_space<vmem>>) target(%dma_start3A_206 : memref<10240x128xf32, #tpu.memory_space<vmem_shared>>) offsets(%dma_start3A_203 : memref<128xi32, #tpu.memory_space<vmem>>) semaphore(%arg18 : memref<!tpu.dma_semaphore, #tpu.memory_space<semaphore_mem>>) {add = true}
        %dma_start3A_207 = arith.constant 1 : i32
        %dma_start3A_208 = arith.constant 0 : i32
        %dma_start3A_209 = tpu.memref_slice %arg11[%dma_start3A_207, %dma_start3A_208] : memref<8x128xi32, #tpu.memory_space<vmem>> -> memref<1x128xi32, #tpu.memory_space<vmem>>
        %dma_start3A_210 = tpu.memref_squeeze %dma_start3A_209 : memref<1x128xi32, #tpu.memory_space<vmem>> -> memref<128xi32, #tpu.memory_space<vmem>>
        %dma_start3A_211 = arith.constant 0 : i32
        %dma_start3A_212 = arith.constant 0 : i32
        %dma_start3A_213 = tpu.memref_slice %arg3[%dma_start3A_211, %dma_start3A_212] : memref<10000x128xf32, #tpu.memory_space<hbm>> -> memref<10000x128xf32, #tpu.memory_space<hbm>>
        tpu.enqueue_indirect_dma source(%dma_start3A_213 : memref<10000x128xf32, #tpu.memory_space<hbm>>) target(%arg15 : memref<128x128xf32, #tpu.memory_space<vmem>>) offsets(%dma_start3A_210 : memref<128xi32, #tpu.memory_space<vmem>>) semaphore(%arg17 : memref<!tpu.dma_semaphore, #tpu.memory_space<semaphore_mem>>)
        %dma_wait3A_214 = arith.constant 1 : i32
        %dma_wait3A_215 = arith.constant 0 : i32
        %dma_wait3A_216 = tpu.memref_slice %arg11[%dma_wait3A_214, %dma_wait3A_215] : memref<8x128xi32, #tpu.memory_space<vmem>> -> memref<1x128xi32, #tpu.memory_space<vmem>>
        %dma_wait3A_217 = tpu.memref_squeeze %dma_wait3A_216 : memref<1x128xi32, #tpu.memory_space<vmem>> -> memref<128xi32, #tpu.memory_space<vmem>>
        %dma_wait3A_218 = arith.constant 0 : i32
        %dma_wait3A_219 = arith.constant 0 : i32
        %dma_wait3A_220 = tpu.memref_slice %arg3[%dma_wait3A_218, %dma_wait3A_219] : memref<10000x128xf32, #tpu.memory_space<hbm>> -> memref<10000x128xf32, #tpu.memory_space<hbm>>
        tpu.wait_indirect_dma semaphore(%arg17 : memref<!tpu.dma_semaphore, #tpu.memory_space<semaphore_mem>>) src(%dma_wait3A_220 : memref<10000x128xf32, #tpu.memory_space<hbm>>) dst(%arg15 : memref<128x128xf32, #tpu.memory_space<vmem>>)
        %dma_start3A_221 = arith.constant 1 : i32
        %dma_start3A_222 = arith.constant 0 : i32
        %dma_start3A_223 = tpu.memref_slice %arg12[%dma_start3A_221, %dma_start3A_222] : memref<8x128xi32, #tpu.memory_space<vmem>> -> memref<1x128xi32, #tpu.memory_space<vmem>>
        %dma_start3A_224 = tpu.memref_squeeze %dma_start3A_223 : memref<1x128xi32, #tpu.memory_space<vmem>> -> memref<128xi32, #tpu.memory_space<vmem>>
        %dma_start3A_225 = arith.constant 0 : i32
        %dma_start3A_226 = arith.constant 0 : i32
        %dma_start3A_227 = tpu.memref_slice %arg20[%dma_start3A_225, %dma_start3A_226] : memref<10240x128xf32, #tpu.memory_space<vmem_shared>> -> memref<10240x128xf32, #tpu.memory_space<vmem_shared>>
        tpu.enqueue_indirect_dma source(%arg15 : memref<128x128xf32, #tpu.memory_space<vmem>>) target(%dma_start3A_227 : memref<10240x128xf32, #tpu.memory_space<vmem_shared>>) offsets(%dma_start3A_224 : memref<128xi32, #tpu.memory_space<vmem>>) semaphore(%arg19 : memref<!tpu.dma_semaphore, #tpu.memory_space<semaphore_mem>>) {add = true}
        %dma_wait3A_228 = arith.constant 0 : i32
        %dma_wait3A_229 = arith.constant 0 : i32
        %dma_wait3A_230 = tpu.memref_slice %arg12[%dma_wait3A_228, %dma_wait3A_229] : memref<8x128xi32, #tpu.memory_space<vmem>> -> memref<1x128xi32, #tpu.memory_space<vmem>>
        %dma_wait3A_231 = tpu.memref_squeeze %dma_wait3A_230 : memref<1x128xi32, #tpu.memory_space<vmem>> -> memref<128xi32, #tpu.memory_space<vmem>>
        %dma_wait3A_232 = arith.constant 0 : i32
        %dma_wait3A_233 = arith.constant 0 : i32
        %dma_wait3A_234 = tpu.memref_slice %arg20[%dma_wait3A_232, %dma_wait3A_233] : memref<10240x128xf32, #tpu.memory_space<vmem_shared>> -> memref<10240x128xf32, #tpu.memory_space<vmem_shared>>
        tpu.wait_indirect_dma semaphore(%arg18 : memref<!tpu.dma_semaphore, #tpu.memory_space<semaphore_mem>>) src(%arg14 : memref<128x128xf32, #tpu.memory_space<vmem>>) dst(%dma_wait3A_234 : memref<10240x128xf32, #tpu.memory_space<vmem_shared>>)
        %dma_start3A_235 = arith.constant 2 : i32
        %dma_start3A_236 = arith.constant 0 : i32
        %dma_start3A_237 = tpu.memref_slice %arg11[%dma_start3A_235, %dma_start3A_236] : memref<8x128xi32, #tpu.memory_space<vmem>> -> memref<1x128xi32, #tpu.memory_space<vmem>>
        %dma_start3A_238 = tpu.memref_squeeze %dma_start3A_237 : memref<1x128xi32, #tpu.memory_space<vmem>> -> memref<128xi32, #tpu.memory_space<vmem>>
        %dma_start3A_239 = arith.constant 0 : i32
        %dma_start3A_240 = arith.constant 0 : i32
        %dma_start3A_241 = tpu.memref_slice %arg3[%dma_start3A_239, %dma_start3A_240] : memref<10000x128xf32, #tpu.memory_space<hbm>> -> memref<10000x128xf32, #tpu.memory_space<hbm>>
        tpu.enqueue_indirect_dma source(%dma_start3A_241 : memref<10000x128xf32, #tpu.memory_space<hbm>>) target(%arg14 : memref<128x128xf32, #tpu.memory_space<vmem>>) offsets(%dma_start3A_238 : memref<128xi32, #tpu.memory_space<vmem>>) semaphore(%arg16 : memref<!tpu.dma_semaphore, #tpu.memory_space<semaphore_mem>>)
        %dma_wait3A_242 = arith.constant 2 : i32
        %dma_wait3A_243 = arith.constant 0 : i32
        %dma_wait3A_244 = tpu.memref_slice %arg11[%dma_wait3A_242, %dma_wait3A_243] : memref<8x128xi32, #tpu.memory_space<vmem>> -> memref<1x128xi32, #tpu.memory_space<vmem>>
        %dma_wait3A_245 = tpu.memref_squeeze %dma_wait3A_244 : memref<1x128xi32, #tpu.memory_space<vmem>> -> memref<128xi32, #tpu.memory_space<vmem>>
        %dma_wait3A_246 = arith.constant 0 : i32
        %dma_wait3A_247 = arith.constant 0 : i32
        %dma_wait3A_248 = tpu.memref_slice %arg3[%dma_wait3A_246, %dma_wait3A_247] : memref<10000x128xf32, #tpu.memory_space<hbm>> -> memref<10000x128xf32, #tpu.memory_space<hbm>>
        tpu.wait_indirect_dma semaphore(%arg16 : memref<!tpu.dma_semaphore, #tpu.memory_space<semaphore_mem>>) src(%dma_wait3A_248 : memref<10000x128xf32, #tpu.memory_space<hbm>>) dst(%arg14 : memref<128x128xf32, #tpu.memory_space<vmem>>)
        %dma_start3A_249 = arith.constant 2 : i32
        %dma_start3A_250 = arith.constant 0 : i32
        %dma_start3A_251 = tpu.memref_slice %arg12[%dma_start3A_249, %dma_start3A_250] : memref<8x128xi32, #tpu.memory_space<vmem>> -> memref<1x128xi32, #tpu.memory_space<vmem>>
        %dma_start3A_252 = tpu.memref_squeeze %dma_start3A_251 : memref<1x128xi32, #tpu.memory_space<vmem>> -> memref<128xi32, #tpu.memory_space<vmem>>
        %dma_start3A_253 = arith.constant 0 : i32
        %dma_start3A_254 = arith.constant 0 : i32
        %dma_start3A_255 = tpu.memref_slice %arg20[%dma_start3A_253, %dma_start3A_254] : memref<10240x128xf32, #tpu.memory_space<vmem_shared>> -> memref<10240x128xf32, #tpu.memory_space<vmem_shared>>
        tpu.enqueue_indirect_dma source(%arg14 : memref<128x128xf32, #tpu.memory_space<vmem>>) target(%dma_start3A_255 : memref<10240x128xf32, #tpu.memory_space<vmem_shared>>) offsets(%dma_start3A_252 : memref<128xi32, #tpu.memory_space<vmem>>) semaphore(%arg18 : memref<!tpu.dma_semaphore, #tpu.memory_space<semaphore_mem>>) {add = true}
        %dma_wait3A_256 = arith.constant 1 : i32
        %dma_wait3A_257 = arith.constant 0 : i32
        %dma_wait3A_258 = tpu.memref_slice %arg12[%dma_wait3A_256, %dma_wait3A_257] : memref<8x128xi32, #tpu.memory_space<vmem>> -> memref<1x128xi32, #tpu.memory_space<vmem>>
        %dma_wait3A_259 = tpu.memref_squeeze %dma_wait3A_258 : memref<1x128xi32, #tpu.memory_space<vmem>> -> memref<128xi32, #tpu.memory_space<vmem>>
        %dma_wait3A_260 = arith.constant 0 : i32
        %dma_wait3A_261 = arith.constant 0 : i32
        %dma_wait3A_262 = tpu.memref_slice %arg20[%dma_wait3A_260, %dma_wait3A_261] : memref<10240x128xf32, #tpu.memory_space<vmem_shared>> -> memref<10240x128xf32, #tpu.memory_space<vmem_shared>>
        tpu.wait_indirect_dma semaphore(%arg19 : memref<!tpu.dma_semaphore, #tpu.memory_space<semaphore_mem>>) src(%arg15 : memref<128x128xf32, #tpu.memory_space<vmem>>) dst(%dma_wait3A_262 : memref<10240x128xf32, #tpu.memory_space<vmem_shared>>)
        %dma_start3A_263 = arith.constant 3 : i32
        %dma_start3A_264 = arith.constant 0 : i32
        %dma_start3A_265 = tpu.memref_slice %arg11[%dma_start3A_263, %dma_start3A_264] : memref<8x128xi32, #tpu.memory_space<vmem>> -> memref<1x128xi32, #tpu.memory_space<vmem>>
        %dma_start3A_266 = tpu.memref_squeeze %dma_start3A_265 : memref<1x128xi32, #tpu.memory_space<vmem>> -> memref<128xi32, #tpu.memory_space<vmem>>
        %dma_start3A_267 = arith.constant 0 : i32
        %dma_start3A_268 = arith.constant 0 : i32
        %dma_start3A_269 = tpu.memref_slice %arg3[%dma_start3A_267, %dma_start3A_268] : memref<10000x128xf32, #tpu.memory_space<hbm>> -> memref<10000x128xf32, #tpu.memory_space<hbm>>
        tpu.enqueue_indirect_dma source(%dma_start3A_269 : memref<10000x128xf32, #tpu.memory_space<hbm>>) target(%arg15 : memref<128x128xf32, #tpu.memory_space<vmem>>) offsets(%dma_start3A_266 : memref<128xi32, #tpu.memory_space<vmem>>) semaphore(%arg17 : memref<!tpu.dma_semaphore, #tpu.memory_space<semaphore_mem>>)
        %dma_wait3A_270 = arith.constant 3 : i32
        %dma_wait3A_271 = arith.constant 0 : i32
        %dma_wait3A_272 = tpu.memref_slice %arg11[%dma_wait3A_270, %dma_wait3A_271] : memref<8x128xi32, #tpu.memory_space<vmem>> -> memref<1x128xi32, #tpu.memory_space<vmem>>
        %dma_wait3A_273 = tpu.memref_squeeze %dma_wait3A_272 : memref<1x128xi32, #tpu.memory_space<vmem>> -> memref<128xi32, #tpu.memory_space<vmem>>
        %dma_wait3A_274 = arith.constant 0 : i32
        %dma_wait3A_275 = arith.constant 0 : i32
        %dma_wait3A_276 = tpu.memref_slice %arg3[%dma_wait3A_274, %dma_wait3A_275] : memref<10000x128xf32, #tpu.memory_space<hbm>> -> memref<10000x128xf32, #tpu.memory_space<hbm>>
        tpu.wait_indirect_dma semaphore(%arg17 : memref<!tpu.dma_semaphore, #tpu.memory_space<semaphore_mem>>) src(%dma_wait3A_276 : memref<10000x128xf32, #tpu.memory_space<hbm>>) dst(%arg15 : memref<128x128xf32, #tpu.memory_space<vmem>>)
        %dma_start3A_277 = arith.constant 3 : i32
        %dma_start3A_278 = arith.constant 0 : i32
        %dma_start3A_279 = tpu.memref_slice %arg12[%dma_start3A_277, %dma_start3A_278] : memref<8x128xi32, #tpu.memory_space<vmem>> -> memref<1x128xi32, #tpu.memory_space<vmem>>
        %dma_start3A_280 = tpu.memref_squeeze %dma_start3A_279 : memref<1x128xi32, #tpu.memory_space<vmem>> -> memref<128xi32, #tpu.memory_space<vmem>>
        %dma_start3A_281 = arith.constant 0 : i32
        %dma_start3A_282 = arith.constant 0 : i32
        %dma_start3A_283 = tpu.memref_slice %arg20[%dma_start3A_281, %dma_start3A_282] : memref<10240x128xf32, #tpu.memory_space<vmem_shared>> -> memref<10240x128xf32, #tpu.memory_space<vmem_shared>>
        tpu.enqueue_indirect_dma source(%arg15 : memref<128x128xf32, #tpu.memory_space<vmem>>) target(%dma_start3A_283 : memref<10240x128xf32, #tpu.memory_space<vmem_shared>>) offsets(%dma_start3A_280 : memref<128xi32, #tpu.memory_space<vmem>>) semaphore(%arg19 : memref<!tpu.dma_semaphore, #tpu.memory_space<semaphore_mem>>) {add = true}
        %dma_wait3A_284 = arith.constant 2 : i32
        %dma_wait3A_285 = arith.constant 0 : i32
        %dma_wait3A_286 = tpu.memref_slice %arg12[%dma_wait3A_284, %dma_wait3A_285] : memref<8x128xi32, #tpu.memory_space<vmem>> -> memref<1x128xi32, #tpu.memory_space<vmem>>
        %dma_wait3A_287 = tpu.memref_squeeze %dma_wait3A_286 : memref<1x128xi32, #tpu.memory_space<vmem>> -> memref<128xi32, #tpu.memory_space<vmem>>
        %dma_wait3A_288 = arith.constant 0 : i32
        %dma_wait3A_289 = arith.constant 0 : i32
        %dma_wait3A_290 = tpu.memref_slice %arg20[%dma_wait3A_288, %dma_wait3A_289] : memref<10240x128xf32, #tpu.memory_space<vmem_shared>> -> memref<10240x128xf32, #tpu.memory_space<vmem_shared>>
        tpu.wait_indirect_dma semaphore(%arg18 : memref<!tpu.dma_semaphore, #tpu.memory_space<semaphore_mem>>) src(%arg14 : memref<128x128xf32, #tpu.memory_space<vmem>>) dst(%dma_wait3A_290 : memref<10240x128xf32, #tpu.memory_space<vmem_shared>>)
        %dma_start3A_291 = arith.constant 4 : i32
        %dma_start3A_292 = arith.constant 0 : i32
        %dma_start3A_293 = tpu.memref_slice %arg11[%dma_start3A_291, %dma_start3A_292] : memref<8x128xi32, #tpu.memory_space<vmem>> -> memref<1x128xi32, #tpu.memory_space<vmem>>
        %dma_start3A_294 = tpu.memref_squeeze %dma_start3A_293 : memref<1x128xi32, #tpu.memory_space<vmem>> -> memref<128xi32, #tpu.memory_space<vmem>>
        %dma_start3A_295 = arith.constant 0 : i32
        %dma_start3A_296 = arith.constant 0 : i32
        %dma_start3A_297 = tpu.memref_slice %arg3[%dma_start3A_295, %dma_start3A_296] : memref<10000x128xf32, #tpu.memory_space<hbm>> -> memref<10000x128xf32, #tpu.memory_space<hbm>>
        tpu.enqueue_indirect_dma source(%dma_start3A_297 : memref<10000x128xf32, #tpu.memory_space<hbm>>) target(%arg14 : memref<128x128xf32, #tpu.memory_space<vmem>>) offsets(%dma_start3A_294 : memref<128xi32, #tpu.memory_space<vmem>>) semaphore(%arg16 : memref<!tpu.dma_semaphore, #tpu.memory_space<semaphore_mem>>)
        %dma_wait3A_298 = arith.constant 4 : i32
        %dma_wait3A_299 = arith.constant 0 : i32
        %dma_wait3A_300 = tpu.memref_slice %arg11[%dma_wait3A_298, %dma_wait3A_299] : memref<8x128xi32, #tpu.memory_space<vmem>> -> memref<1x128xi32, #tpu.memory_space<vmem>>
        %dma_wait3A_301 = tpu.memref_squeeze %dma_wait3A_300 : memref<1x128xi32, #tpu.memory_space<vmem>> -> memref<128xi32, #tpu.memory_space<vmem>>
        %dma_wait3A_302 = arith.constant 0 : i32
        %dma_wait3A_303 = arith.constant 0 : i32
        %dma_wait3A_304 = tpu.memref_slice %arg3[%dma_wait3A_302, %dma_wait3A_303] : memref<10000x128xf32, #tpu.memory_space<hbm>> -> memref<10000x128xf32, #tpu.memory_space<hbm>>
        tpu.wait_indirect_dma semaphore(%arg16 : memref<!tpu.dma_semaphore, #tpu.memory_space<semaphore_mem>>) src(%dma_wait3A_304 : memref<10000x128xf32, #tpu.memory_space<hbm>>) dst(%arg14 : memref<128x128xf32, #tpu.memory_space<vmem>>)
        %dma_start3A_305 = arith.constant 4 : i32
        %dma_start3A_306 = arith.constant 0 : i32
        %dma_start3A_307 = tpu.memref_slice %arg12[%dma_start3A_305, %dma_start3A_306] : memref<8x128xi32, #tpu.memory_space<vmem>> -> memref<1x128xi32, #tpu.memory_space<vmem>>
        %dma_start3A_308 = tpu.memref_squeeze %dma_start3A_307 : memref<1x128xi32, #tpu.memory_space<vmem>> -> memref<128xi32, #tpu.memory_space<vmem>>
        %dma_start3A_309 = arith.constant 0 : i32
        %dma_start3A_310 = arith.constant 0 : i32
        %dma_start3A_311 = tpu.memref_slice %arg20[%dma_start3A_309, %dma_start3A_310] : memref<10240x128xf32, #tpu.memory_space<vmem_shared>> -> memref<10240x128xf32, #tpu.memory_space<vmem_shared>>
        tpu.enqueue_indirect_dma source(%arg14 : memref<128x128xf32, #tpu.memory_space<vmem>>) target(%dma_start3A_311 : memref<10240x128xf32, #tpu.memory_space<vmem_shared>>) offsets(%dma_start3A_308 : memref<128xi32, #tpu.memory_space<vmem>>) semaphore(%arg18 : memref<!tpu.dma_semaphore, #tpu.memory_space<semaphore_mem>>) {add = true}
        %dma_wait3A_312 = arith.constant 3 : i32
        %dma_wait3A_313 = arith.constant 0 : i32
        %dma_wait3A_314 = tpu.memref_slice %arg12[%dma_wait3A_312, %dma_wait3A_313] : memref<8x128xi32, #tpu.memory_space<vmem>> -> memref<1x128xi32, #tpu.memory_space<vmem>>
        %dma_wait3A_315 = tpu.memref_squeeze %dma_wait3A_314 : memref<1x128xi32, #tpu.memory_space<vmem>> -> memref<128xi32, #tpu.memory_space<vmem>>
        %dma_wait3A_316 = arith.constant 0 : i32
        %dma_wait3A_317 = arith.constant 0 : i32
        %dma_wait3A_318 = tpu.memref_slice %arg20[%dma_wait3A_316, %dma_wait3A_317] : memref<10240x128xf32, #tpu.memory_space<vmem_shared>> -> memref<10240x128xf32, #tpu.memory_space<vmem_shared>>
        tpu.wait_indirect_dma semaphore(%arg19 : memref<!tpu.dma_semaphore, #tpu.memory_space<semaphore_mem>>) src(%arg15 : memref<128x128xf32, #tpu.memory_space<vmem>>) dst(%dma_wait3A_318 : memref<10240x128xf32, #tpu.memory_space<vmem_shared>>)
        %dma_start3A_319 = arith.constant 5 : i32
        %dma_start3A_320 = arith.constant 0 : i32
        %dma_start3A_321 = tpu.memref_slice %arg11[%dma_start3A_319, %dma_start3A_320] : memref<8x128xi32, #tpu.memory_space<vmem>> -> memref<1x128xi32, #tpu.memory_space<vmem>>
        %dma_start3A_322 = tpu.memref_squeeze %dma_start3A_321 : memref<1x128xi32, #tpu.memory_space<vmem>> -> memref<128xi32, #tpu.memory_space<vmem>>
        %dma_start3A_323 = arith.constant 0 : i32
        %dma_start3A_324 = arith.constant 0 : i32
        %dma_start3A_325 = tpu.memref_slice %arg3[%dma_start3A_323, %dma_start3A_324] : memref<10000x128xf32, #tpu.memory_space<hbm>> -> memref<10000x128xf32, #tpu.memory_space<hbm>>
        tpu.enqueue_indirect_dma source(%dma_start3A_325 : memref<10000x128xf32, #tpu.memory_space<hbm>>) target(%arg15 : memref<128x128xf32, #tpu.memory_space<vmem>>) offsets(%dma_start3A_322 : memref<128xi32, #tpu.memory_space<vmem>>) semaphore(%arg17 : memref<!tpu.dma_semaphore, #tpu.memory_space<semaphore_mem>>)
        %dma_wait3A_326 = arith.constant 5 : i32
        %dma_wait3A_327 = arith.constant 0 : i32
        %dma_wait3A_328 = tpu.memref_slice %arg11[%dma_wait3A_326, %dma_wait3A_327] : memref<8x128xi32, #tpu.memory_space<vmem>> -> memref<1x128xi32, #tpu.memory_space<vmem>>
        %dma_wait3A_329 = tpu.memref_squeeze %dma_wait3A_328 : memref<1x128xi32, #tpu.memory_space<vmem>> -> memref<128xi32, #tpu.memory_space<vmem>>
        %dma_wait3A_330 = arith.constant 0 : i32
        %dma_wait3A_331 = arith.constant 0 : i32
        %dma_wait3A_332 = tpu.memref_slice %arg3[%dma_wait3A_330, %dma_wait3A_331] : memref<10000x128xf32, #tpu.memory_space<hbm>> -> memref<10000x128xf32, #tpu.memory_space<hbm>>
        tpu.wait_indirect_dma semaphore(%arg17 : memref<!tpu.dma_semaphore, #tpu.memory_space<semaphore_mem>>) src(%dma_wait3A_332 : memref<10000x128xf32, #tpu.memory_space<hbm>>) dst(%arg15 : memref<128x128xf32, #tpu.memory_space<vmem>>)
        %dma_start3A_333 = arith.constant 5 : i32
        %dma_start3A_334 = arith.constant 0 : i32
        %dma_start3A_335 = tpu.memref_slice %arg12[%dma_start3A_333, %dma_start3A_334] : memref<8x128xi32, #tpu.memory_space<vmem>> -> memref<1x128xi32, #tpu.memory_space<vmem>>
        %dma_start3A_336 = tpu.memref_squeeze %dma_start3A_335 : memref<1x128xi32, #tpu.memory_space<vmem>> -> memref<128xi32, #tpu.memory_space<vmem>>
        %dma_start3A_337 = arith.constant 0 : i32
        %dma_start3A_338 = arith.constant 0 : i32
        %dma_start3A_339 = tpu.memref_slice %arg20[%dma_start3A_337, %dma_start3A_338] : memref<10240x128xf32, #tpu.memory_space<vmem_shared>> -> memref<10240x128xf32, #tpu.memory_space<vmem_shared>>
        tpu.enqueue_indirect_dma source(%arg15 : memref<128x128xf32, #tpu.memory_space<vmem>>) target(%dma_start3A_339 : memref<10240x128xf32, #tpu.memory_space<vmem_shared>>) offsets(%dma_start3A_336 : memref<128xi32, #tpu.memory_space<vmem>>) semaphore(%arg19 : memref<!tpu.dma_semaphore, #tpu.memory_space<semaphore_mem>>) {add = true}
        %dma_wait3A_340 = arith.constant 4 : i32
        %dma_wait3A_341 = arith.constant 0 : i32
        %dma_wait3A_342 = tpu.memref_slice %arg12[%dma_wait3A_340, %dma_wait3A_341] : memref<8x128xi32, #tpu.memory_space<vmem>> -> memref<1x128xi32, #tpu.memory_space<vmem>>
        %dma_wait3A_343 = tpu.memref_squeeze %dma_wait3A_342 : memref<1x128xi32, #tpu.memory_space<vmem>> -> memref<128xi32, #tpu.memory_space<vmem>>
        %dma_wait3A_344 = arith.constant 0 : i32
        %dma_wait3A_345 = arith.constant 0 : i32
        %dma_wait3A_346 = tpu.memref_slice %arg20[%dma_wait3A_344, %dma_wait3A_345] : memref<10240x128xf32, #tpu.memory_space<vmem_shared>> -> memref<10240x128xf32, #tpu.memory_space<vmem_shared>>
        tpu.wait_indirect_dma semaphore(%arg18 : memref<!tpu.dma_semaphore, #tpu.memory_space<semaphore_mem>>) src(%arg14 : memref<128x128xf32, #tpu.memory_space<vmem>>) dst(%dma_wait3A_346 : memref<10240x128xf32, #tpu.memory_space<vmem_shared>>)
        %dma_start3A_347 = arith.constant 6 : i32
        %dma_start3A_348 = arith.constant 0 : i32
        %dma_start3A_349 = tpu.memref_slice %arg11[%dma_start3A_347, %dma_start3A_348] : memref<8x128xi32, #tpu.memory_space<vmem>> -> memref<1x128xi32, #tpu.memory_space<vmem>>
        %dma_start3A_350 = tpu.memref_squeeze %dma_start3A_349 : memref<1x128xi32, #tpu.memory_space<vmem>> -> memref<128xi32, #tpu.memory_space<vmem>>
        %dma_start3A_351 = arith.constant 0 : i32
        %dma_start3A_352 = arith.constant 0 : i32
        %dma_start3A_353 = tpu.memref_slice %arg3[%dma_start3A_351, %dma_start3A_352] : memref<10000x128xf32, #tpu.memory_space<hbm>> -> memref<10000x128xf32, #tpu.memory_space<hbm>>
        tpu.enqueue_indirect_dma source(%dma_start3A_353 : memref<10000x128xf32, #tpu.memory_space<hbm>>) target(%arg14 : memref<128x128xf32, #tpu.memory_space<vmem>>) offsets(%dma_start3A_350 : memref<128xi32, #tpu.memory_space<vmem>>) semaphore(%arg16 : memref<!tpu.dma_semaphore, #tpu.memory_space<semaphore_mem>>)
        %dma_wait3A_354 = arith.constant 6 : i32
        %dma_wait3A_355 = arith.constant 0 : i32
        %dma_wait3A_356 = tpu.memref_slice %arg11[%dma_wait3A_354, %dma_wait3A_355] : memref<8x128xi32, #tpu.memory_space<vmem>> -> memref<1x128xi32, #tpu.memory_space<vmem>>
        %dma_wait3A_357 = tpu.memref_squeeze %dma_wait3A_356 : memref<1x128xi32, #tpu.memory_space<vmem>> -> memref<128xi32, #tpu.memory_space<vmem>>
        %dma_wait3A_358 = arith.constant 0 : i32
        %dma_wait3A_359 = arith.constant 0 : i32
        %dma_wait3A_360 = tpu.memref_slice %arg3[%dma_wait3A_358, %dma_wait3A_359] : memref<10000x128xf32, #tpu.memory_space<hbm>> -> memref<10000x128xf32, #tpu.memory_space<hbm>>
        tpu.wait_indirect_dma semaphore(%arg16 : memref<!tpu.dma_semaphore, #tpu.memory_space<semaphore_mem>>) src(%dma_wait3A_360 : memref<10000x128xf32, #tpu.memory_space<hbm>>) dst(%arg14 : memref<128x128xf32, #tpu.memory_space<vmem>>)
        %dma_start3A_361 = arith.constant 6 : i32
        %dma_start3A_362 = arith.constant 0 : i32
        %dma_start3A_363 = tpu.memref_slice %arg12[%dma_start3A_361, %dma_start3A_362] : memref<8x128xi32, #tpu.memory_space<vmem>> -> memref<1x128xi32, #tpu.memory_space<vmem>>
        %dma_start3A_364 = tpu.memref_squeeze %dma_start3A_363 : memref<1x128xi32, #tpu.memory_space<vmem>> -> memref<128xi32, #tpu.memory_space<vmem>>
        %dma_start3A_365 = arith.constant 0 : i32
        %dma_start3A_366 = arith.constant 0 : i32
        %dma_start3A_367 = tpu.memref_slice %arg20[%dma_start3A_365, %dma_start3A_366] : memref<10240x128xf32, #tpu.memory_space<vmem_shared>> -> memref<10240x128xf32, #tpu.memory_space<vmem_shared>>
        tpu.enqueue_indirect_dma source(%arg14 : memref<128x128xf32, #tpu.memory_space<vmem>>) target(%dma_start3A_367 : memref<10240x128xf32, #tpu.memory_space<vmem_shared>>) offsets(%dma_start3A_364 : memref<128xi32, #tpu.memory_space<vmem>>) semaphore(%arg18 : memref<!tpu.dma_semaphore, #tpu.memory_space<semaphore_mem>>) {add = true}
        %dma_wait3A_368 = arith.constant 5 : i32
        %dma_wait3A_369 = arith.constant 0 : i32
        %dma_wait3A_370 = tpu.memref_slice %arg12[%dma_wait3A_368, %dma_wait3A_369] : memref<8x128xi32, #tpu.memory_space<vmem>> -> memref<1x128xi32, #tpu.memory_space<vmem>>
        %dma_wait3A_371 = tpu.memref_squeeze %dma_wait3A_370 : memref<1x128xi32, #tpu.memory_space<vmem>> -> memref<128xi32, #tpu.memory_space<vmem>>
        %dma_wait3A_372 = arith.constant 0 : i32
        %dma_wait3A_373 = arith.constant 0 : i32
        %dma_wait3A_374 = tpu.memref_slice %arg20[%dma_wait3A_372, %dma_wait3A_373] : memref<10240x128xf32, #tpu.memory_space<vmem_shared>> -> memref<10240x128xf32, #tpu.memory_space<vmem_shared>>
        tpu.wait_indirect_dma semaphore(%arg19 : memref<!tpu.dma_semaphore, #tpu.memory_space<semaphore_mem>>) src(%arg15 : memref<128x128xf32, #tpu.memory_space<vmem>>) dst(%dma_wait3A_374 : memref<10240x128xf32, #tpu.memory_space<vmem_shared>>)
        %dma_start3A_375 = arith.constant 7 : i32
        %dma_start3A_376 = arith.constant 0 : i32
        %dma_start3A_377 = tpu.memref_slice %arg11[%dma_start3A_375, %dma_start3A_376] : memref<8x128xi32, #tpu.memory_space<vmem>> -> memref<1x128xi32, #tpu.memory_space<vmem>>
        %dma_start3A_378 = tpu.memref_squeeze %dma_start3A_377 : memref<1x128xi32, #tpu.memory_space<vmem>> -> memref<128xi32, #tpu.memory_space<vmem>>
        %dma_start3A_379 = arith.constant 0 : i32
        %dma_start3A_380 = arith.constant 0 : i32
        %dma_start3A_381 = tpu.memref_slice %arg3[%dma_start3A_379, %dma_start3A_380] : memref<10000x128xf32, #tpu.memory_space<hbm>> -> memref<10000x128xf32, #tpu.memory_space<hbm>>
        tpu.enqueue_indirect_dma source(%dma_start3A_381 : memref<10000x128xf32, #tpu.memory_space<hbm>>) target(%arg15 : memref<128x128xf32, #tpu.memory_space<vmem>>) offsets(%dma_start3A_378 : memref<128xi32, #tpu.memory_space<vmem>>) semaphore(%arg17 : memref<!tpu.dma_semaphore, #tpu.memory_space<semaphore_mem>>)
        %dma_wait3A_382 = arith.constant 7 : i32
        %dma_wait3A_383 = arith.constant 0 : i32
        %dma_wait3A_384 = tpu.memref_slice %arg11[%dma_wait3A_382, %dma_wait3A_383] : memref<8x128xi32, #tpu.memory_space<vmem>> -> memref<1x128xi32, #tpu.memory_space<vmem>>
        %dma_wait3A_385 = tpu.memref_squeeze %dma_wait3A_384 : memref<1x128xi32, #tpu.memory_space<vmem>> -> memref<128xi32, #tpu.memory_space<vmem>>
        %dma_wait3A_386 = arith.constant 0 : i32
        %dma_wait3A_387 = arith.constant 0 : i32
        %dma_wait3A_388 = tpu.memref_slice %arg3[%dma_wait3A_386, %dma_wait3A_387] : memref<10000x128xf32, #tpu.memory_space<hbm>> -> memref<10000x128xf32, #tpu.memory_space<hbm>>
        tpu.wait_indirect_dma semaphore(%arg17 : memref<!tpu.dma_semaphore, #tpu.memory_space<semaphore_mem>>) src(%dma_wait3A_388 : memref<10000x128xf32, #tpu.memory_space<hbm>>) dst(%arg15 : memref<128x128xf32, #tpu.memory_space<vmem>>)
        %dma_start3A_389 = arith.constant 7 : i32
        %dma_start3A_390 = arith.constant 0 : i32
        %dma_start3A_391 = tpu.memref_slice %arg12[%dma_start3A_389, %dma_start3A_390] : memref<8x128xi32, #tpu.memory_space<vmem>> -> memref<1x128xi32, #tpu.memory_space<vmem>>
        %dma_start3A_392 = tpu.memref_squeeze %dma_start3A_391 : memref<1x128xi32, #tpu.memory_space<vmem>> -> memref<128xi32, #tpu.memory_space<vmem>>
        %dma_start3A_393 = arith.constant 0 : i32
        %dma_start3A_394 = arith.constant 0 : i32
        %dma_start3A_395 = tpu.memref_slice %arg20[%dma_start3A_393, %dma_start3A_394] : memref<10240x128xf32, #tpu.memory_space<vmem_shared>> -> memref<10240x128xf32, #tpu.memory_space<vmem_shared>>
        tpu.enqueue_indirect_dma source(%arg15 : memref<128x128xf32, #tpu.memory_space<vmem>>) target(%dma_start3A_395 : memref<10240x128xf32, #tpu.memory_space<vmem_shared>>) offsets(%dma_start3A_392 : memref<128xi32, #tpu.memory_space<vmem>>) semaphore(%arg19 : memref<!tpu.dma_semaphore, #tpu.memory_space<semaphore_mem>>) {add = true}
        %dma_wait3A_396 = arith.constant 6 : i32
        %dma_wait3A_397 = arith.constant 0 : i32
        %dma_wait3A_398 = tpu.memref_slice %arg12[%dma_wait3A_396, %dma_wait3A_397] : memref<8x128xi32, #tpu.memory_space<vmem>> -> memref<1x128xi32, #tpu.memory_space<vmem>>
        %dma_wait3A_399 = tpu.memref_squeeze %dma_wait3A_398 : memref<1x128xi32, #tpu.memory_space<vmem>> -> memref<128xi32, #tpu.memory_space<vmem>>
        %dma_wait3A_400 = arith.constant 0 : i32
        %dma_wait3A_401 = arith.constant 0 : i32
        %dma_wait3A_402 = tpu.memref_slice %arg20[%dma_wait3A_400, %dma_wait3A_401] : memref<10240x128xf32, #tpu.memory_space<vmem_shared>> -> memref<10240x128xf32, #tpu.memory_space<vmem_shared>>
        tpu.wait_indirect_dma semaphore(%arg18 : memref<!tpu.dma_semaphore, #tpu.memory_space<semaphore_mem>>) src(%arg14 : memref<128x128xf32, #tpu.memory_space<vmem>>) dst(%dma_wait3A_402 : memref<10240x128xf32, #tpu.memory_space<vmem_shared>>)
        %dma_wait3A_403 = arith.constant 7 : i32
        %dma_wait3A_404 = arith.constant 0 : i32
        %dma_wait3A_405 = tpu.memref_slice %arg12[%dma_wait3A_403, %dma_wait3A_404] : memref<8x128xi32, #tpu.memory_space<vmem>> -> memref<1x128xi32, #tpu.memory_space<vmem>>
        %dma_wait3A_406 = tpu.memref_squeeze %dma_wait3A_405 : memref<1x128xi32, #tpu.memory_space<vmem>> -> memref<128xi32, #tpu.memory_space<vmem>>
        %dma_wait3A_407 = arith.constant 0 : i32
        %dma_wait3A_408 = arith.constant 0 : i32
        %dma_wait3A_409 = tpu.memref_slice %arg20[%dma_wait3A_407, %dma_wait3A_408] : memref<10240x128xf32, #tpu.memory_space<vmem_shared>> -> memref<10240x128xf32, #tpu.memory_space<vmem_shared>>
        tpu.wait_indirect_dma semaphore(%arg19 : memref<!tpu.dma_semaphore, #tpu.memory_space<semaphore_mem>>) src(%arg15 : memref<128x128xf32, #tpu.memory_space<vmem>>) dst(%dma_wait3A_409 : memref<10240x128xf32, #tpu.memory_space<vmem_shared>>)
      } else {
      }
    }
    %scan3A_13 = arith.constant 10 : i32
    %barrier3A_14 = arith.constant 0 : index
    tpu.barrier barrier_id(%barrier3A_14)
    %add3A = arith.constant 0 : i32
    %add3A_15 = arith.addi %mul3A_0, %add3A : i32
    %multiple_of3A = tpu.assume_multiple %add3A_15, 128 : i32
    %run_scoped3A_16 = arith.constant 0 : i32
    "tpu.region"() ({
      %run_scoped3A_173 = tpu.sem_alloc : memref<!tpu.dma_semaphore, #tpu.memory_space<semaphore_mem>>
      %dma_start3A = arith.constant 0 : i32
      %dma_start3A_174 = tpu.memref_slice %arg13[%run_scoped3A_16, %dma_start3A] : memref<5x128xi32, #tpu.memory_space<vmem>> -> memref<1x128xi32, #tpu.memory_space<vmem>>
      %dma_start3A_175 = tpu.memref_squeeze %dma_start3A_174 : memref<1x128xi32, #tpu.memory_space<vmem>> -> memref<128xi32, #tpu.memory_space<vmem>>
      %dma_start3A_176 = arith.constant 0 : i32
      %dma_start3A_177 = arith.constant 0 : i32
      %dma_start3A_178 = tpu.memref_slice %arg20[%dma_start3A_176, %dma_start3A_177] : memref<10240x128xf32, #tpu.memory_space<vmem_shared>> -> memref<10240x128xf32, #tpu.memory_space<vmem_shared>>
      tpu.enqueue_indirect_dma source(%dma_start3A_178 : memref<10240x128xf32, #tpu.memory_space<vmem_shared>>) target(%arg14 : memref<128x128xf32, #tpu.memory_space<vmem>>) offsets(%dma_start3A_175 : memref<128xi32, #tpu.memory_space<vmem>>) semaphore(%run_scoped3A_173 : memref<!tpu.dma_semaphore, #tpu.memory_space<semaphore_mem>>)
      %dma_wait3A = arith.constant 0 : i32
      %dma_wait3A_179 = tpu.memref_slice %arg13[%run_scoped3A_16, %dma_wait3A] : memref<5x128xi32, #tpu.memory_space<vmem>> -> memref<1x128xi32, #tpu.memory_space<vmem>>
      %dma_wait3A_180 = tpu.memref_squeeze %dma_wait3A_179 : memref<1x128xi32, #tpu.memory_space<vmem>> -> memref<128xi32, #tpu.memory_space<vmem>>
      %dma_wait3A_181 = arith.constant 0 : i32
      %dma_wait3A_182 = arith.constant 0 : i32
      %dma_wait3A_183 = tpu.memref_slice %arg20[%dma_wait3A_181, %dma_wait3A_182] : memref<10240x128xf32, #tpu.memory_space<vmem_shared>> -> memref<10240x128xf32, #tpu.memory_space<vmem_shared>>
      tpu.wait_indirect_dma semaphore(%run_scoped3A_173 : memref<!tpu.dma_semaphore, #tpu.memory_space<semaphore_mem>>) src(%dma_wait3A_183 : memref<10240x128xf32, #tpu.memory_space<vmem_shared>>) dst(%arg14 : memref<128x128xf32, #tpu.memory_space<vmem>>)
      tpu.yield
    }) : () -> ()
    %eq3A = arith.constant 0 : i32
    %eq3A_17 = arith.cmpi eq, %arg0, %eq3A : i32
    %convert_element_type3A = arith.extui %eq3A_17 : i1 to i32
    %cond3A = arith.constant 0 : i32
    %cond3A_18 = arith.cmpi ne, %convert_element_type3A, %cond3A : i32
    scf.if %cond3A_18 {
      "tpu.region"() ({
        %run_scoped3A_173 = tpu.sem_alloc : memref<!tpu.dma_semaphore, #tpu.memory_space<semaphore_mem>>
        %dma_start3A = arith.constant 0 : i32
        %dma_start3A_174 = tpu.memref_slice %arg7[%multiple_of3A, %dma_start3A] : memref<10240x128xf32, #tpu.memory_space<hbm>> -> memref<128x128xf32, #tpu.memory_space<hbm>>
        %dma_start3A_175 = arith.constant 0 : i32
        %dma_start3A_176 = tpu.memref_slice %arg7[%multiple_of3A, %dma_start3A_175] : memref<10240x128xf32, #tpu.memory_space<hbm>> -> memref<128x128xf32, #tpu.memory_space<hbm>>
        tpu.enqueue_dma source(%arg14 : memref<128x128xf32, #tpu.memory_space<vmem>>) target(%dma_start3A_176 : memref<128x128xf32, #tpu.memory_space<hbm>>) target_semaphore(%run_scoped3A_173 : memref<!tpu.dma_semaphore, #tpu.memory_space<semaphore_mem>>)
        %dma_wait3A = arith.constant 0 : i32
        %dma_wait3A_177 = tpu.memref_slice %arg7[%multiple_of3A, %dma_wait3A] : memref<10240x128xf32, #tpu.memory_space<hbm>> -> memref<128x128xf32, #tpu.memory_space<hbm>>
        %dma_wait3A_178 = arith.constant 0 : i32
        %dma_wait3A_179 = tpu.memref_slice %arg7[%multiple_of3A, %dma_wait3A_178] : memref<10240x128xf32, #tpu.memory_space<hbm>> -> memref<128x128xf32, #tpu.memory_space<hbm>>
        tpu.wait_dma2 semaphore(%run_scoped3A_173 : memref<!tpu.dma_semaphore, #tpu.memory_space<semaphore_mem>>) src(%arg14 : memref<128x128xf32, #tpu.memory_space<vmem>>) dst(%dma_wait3A_179 : memref<128x128xf32, #tpu.memory_space<hbm>>)
        tpu.yield
      }) : () -> ()
    } else {
    }
    %eq3A_19 = arith.constant 1 : i32
    %eq3A_20 = arith.cmpi eq, %arg0, %eq3A_19 : i32
    %convert_element_type3A_21 = arith.extui %eq3A_20 : i1 to i32
    %cond3A_22 = arith.constant 0 : i32
    %cond3A_23 = arith.cmpi ne, %convert_element_type3A_21, %cond3A_22 : i32
    scf.if %cond3A_23 {
      "tpu.region"() ({
        %run_scoped3A_173 = tpu.sem_alloc : memref<!tpu.dma_semaphore, #tpu.memory_space<semaphore_mem>>
        %dma_start3A = arith.constant 0 : i32
        %dma_start3A_174 = tpu.memref_slice %arg8[%multiple_of3A, %dma_start3A] : memref<10240x128xf32, #tpu.memory_space<hbm>> -> memref<128x128xf32, #tpu.memory_space<hbm>>
        %dma_start3A_175 = arith.constant 0 : i32
        %dma_start3A_176 = tpu.memref_slice %arg8[%multiple_of3A, %dma_start3A_175] : memref<10240x128xf32, #tpu.memory_space<hbm>> -> memref<128x128xf32, #tpu.memory_space<hbm>>
        tpu.enqueue_dma source(%arg14 : memref<128x128xf32, #tpu.memory_space<vmem>>) target(%dma_start3A_176 : memref<128x128xf32, #tpu.memory_space<hbm>>) target_semaphore(%run_scoped3A_173 : memref<!tpu.dma_semaphore, #tpu.memory_space<semaphore_mem>>)
        %dma_wait3A = arith.constant 0 : i32
        %dma_wait3A_177 = tpu.memref_slice %arg8[%multiple_of3A, %dma_wait3A] : memref<10240x128xf32, #tpu.memory_space<hbm>> -> memref<128x128xf32, #tpu.memory_space<hbm>>
        %dma_wait3A_178 = arith.constant 0 : i32
        %dma_wait3A_179 = tpu.memref_slice %arg8[%multiple_of3A, %dma_wait3A_178] : memref<10240x128xf32, #tpu.memory_space<hbm>> -> memref<128x128xf32, #tpu.memory_space<hbm>>
        tpu.wait_dma2 semaphore(%run_scoped3A_173 : memref<!tpu.dma_semaphore, #tpu.memory_space<semaphore_mem>>) src(%arg14 : memref<128x128xf32, #tpu.memory_space<vmem>>) dst(%dma_wait3A_179 : memref<128x128xf32, #tpu.memory_space<hbm>>)
        tpu.yield
      }) : () -> ()
    } else {
    }
    %add3A_24 = arith.constant 128 : i32
    %add3A_25 = arith.addi %mul3A_0, %add3A_24 : i32
    %multiple_of3A_26 = tpu.assume_multiple %add3A_25, 128 : i32
    %run_scoped3A_27 = arith.constant 1 : i32
    "tpu.region"() ({
      %run_scoped3A_173 = tpu.sem_alloc : memref<!tpu.dma_semaphore, #tpu.memory_space<semaphore_mem>>
      %dma_start3A = arith.constant 0 : i32
      %dma_start3A_174 = tpu.memref_slice %arg13[%run_scoped3A_27, %dma_start3A] : memref<5x128xi32, #tpu.memory_space<vmem>> -> memref<1x128xi32, #tpu.memory_space<vmem>>
      %dma_start3A_175 = tpu.memref_squeeze %dma_start3A_174 : memref<1x128xi32, #tpu.memory_space<vmem>> -> memref<128xi32, #tpu.memory_space<vmem>>
      %dma_start3A_176 = arith.constant 0 : i32
      %dma_start3A_177 = arith.constant 0 : i32
      %dma_start3A_178 = tpu.memref_slice %arg20[%dma_start3A_176, %dma_start3A_177] : memref<10240x128xf32, #tpu.memory_space<vmem_shared>> -> memref<10240x128xf32, #tpu.memory_space<vmem_shared>>
      tpu.enqueue_indirect_dma source(%dma_start3A_178 : memref<10240x128xf32, #tpu.memory_space<vmem_shared>>) target(%arg14 : memref<128x128xf32, #tpu.memory_space<vmem>>) offsets(%dma_start3A_175 : memref<128xi32, #tpu.memory_space<vmem>>) semaphore(%run_scoped3A_173 : memref<!tpu.dma_semaphore, #tpu.memory_space<semaphore_mem>>)
      %dma_wait3A = arith.constant 0 : i32
      %dma_wait3A_179 = tpu.memref_slice %arg13[%run_scoped3A_27, %dma_wait3A] : memref<5x128xi32, #tpu.memory_space<vmem>> -> memref<1x128xi32, #tpu.memory_space<vmem>>
      %dma_wait3A_180 = tpu.memref_squeeze %dma_wait3A_179 : memref<1x128xi32, #tpu.memory_space<vmem>> -> memref<128xi32, #tpu.memory_space<vmem>>
      %dma_wait3A_181 = arith.constant 0 : i32
      %dma_wait3A_182 = arith.constant 0 : i32
      %dma_wait3A_183 = tpu.memref_slice %arg20[%dma_wait3A_181, %dma_wait3A_182] : memref<10240x128xf32, #tpu.memory_space<vmem_shared>> -> memref<10240x128xf32, #tpu.memory_space<vmem_shared>>
      tpu.wait_indirect_dma semaphore(%run_scoped3A_173 : memref<!tpu.dma_semaphore, #tpu.memory_space<semaphore_mem>>) src(%dma_wait3A_183 : memref<10240x128xf32, #tpu.memory_space<vmem_shared>>) dst(%arg14 : memref<128x128xf32, #tpu.memory_space<vmem>>)
      tpu.yield
    }) : () -> ()
    %eq3A_28 = arith.constant 0 : i32
    %eq3A_29 = arith.cmpi eq, %arg0, %eq3A_28 : i32
    %convert_element_type3A_30 = arith.extui %eq3A_29 : i1 to i32
    %cond3A_31 = arith.constant 0 : i32
    %cond3A_32 = arith.cmpi ne, %convert_element_type3A_30, %cond3A_31 : i32
    scf.if %cond3A_32 {
      "tpu.region"() ({
        %run_scoped3A_173 = tpu.sem_alloc : memref<!tpu.dma_semaphore, #tpu.memory_space<semaphore_mem>>
        %dma_start3A = arith.constant 0 : i32
        %dma_start3A_174 = tpu.memref_slice %arg7[%multiple_of3A_26, %dma_start3A] : memref<10240x128xf32, #tpu.memory_space<hbm>> -> memref<128x128xf32, #tpu.memory_space<hbm>>
        %dma_start3A_175 = arith.constant 0 : i32
        %dma_start3A_176 = tpu.memref_slice %arg7[%multiple_of3A_26, %dma_start3A_175] : memref<10240x128xf32, #tpu.memory_space<hbm>> -> memref<128x128xf32, #tpu.memory_space<hbm>>
        tpu.enqueue_dma source(%arg14 : memref<128x128xf32, #tpu.memory_space<vmem>>) target(%dma_start3A_176 : memref<128x128xf32, #tpu.memory_space<hbm>>) target_semaphore(%run_scoped3A_173 : memref<!tpu.dma_semaphore, #tpu.memory_space<semaphore_mem>>)
        %dma_wait3A = arith.constant 0 : i32
        %dma_wait3A_177 = tpu.memref_slice %arg7[%multiple_of3A_26, %dma_wait3A] : memref<10240x128xf32, #tpu.memory_space<hbm>> -> memref<128x128xf32, #tpu.memory_space<hbm>>
        %dma_wait3A_178 = arith.constant 0 : i32
        %dma_wait3A_179 = tpu.memref_slice %arg7[%multiple_of3A_26, %dma_wait3A_178] : memref<10240x128xf32, #tpu.memory_space<hbm>> -> memref<128x128xf32, #tpu.memory_space<hbm>>
        tpu.wait_dma2 semaphore(%run_scoped3A_173 : memref<!tpu.dma_semaphore, #tpu.memory_space<semaphore_mem>>) src(%arg14 : memref<128x128xf32, #tpu.memory_space<vmem>>) dst(%dma_wait3A_179 : memref<128x128xf32, #tpu.memory_space<hbm>>)
        tpu.yield
      }) : () -> ()
    } else {
    }
    %eq3A_33 = arith.constant 1 : i32
    %eq3A_34 = arith.cmpi eq, %arg0, %eq3A_33 : i32
    %convert_element_type3A_35 = arith.extui %eq3A_34 : i1 to i32
    %cond3A_36 = arith.constant 0 : i32
    %cond3A_37 = arith.cmpi ne, %convert_element_type3A_35, %cond3A_36 : i32
    scf.if %cond3A_37 {
      "tpu.region"() ({
        %run_scoped3A_173 = tpu.sem_alloc : memref<!tpu.dma_semaphore, #tpu.memory_space<semaphore_mem>>
        %dma_start3A = arith.constant 0 : i32
        %dma_start3A_174 = tpu.memref_slice %arg8[%multiple_of3A_26, %dma_start3A] : memref<10240x128xf32, #tpu.memory_space<hbm>> -> memref<128x128xf32, #tpu.memory_space<hbm>>
        %dma_start3A_175 = arith.constant 0 : i32
        %dma_start3A_176 = tpu.memref_slice %arg8[%multiple_of3A_26, %dma_start3A_175] : memref<10240x128xf32, #tpu.memory_space<hbm>> -> memref<128x128xf32, #tpu.memory_space<hbm>>
        tpu.enqueue_dma source(%arg14 : memref<128x128xf32, #tpu.memory_space<vmem>>) target(%dma_start3A_176 : memref<128x128xf32, #tpu.memory_space<hbm>>) target_semaphore(%run_scoped3A_173 : memref<!tpu.dma_semaphore, #tpu.memory_space<semaphore_mem>>)
        %dma_wait3A = arith.constant 0 : i32
        %dma_wait3A_177 = tpu.memref_slice %arg8[%multiple_of3A_26, %dma_wait3A] : memref<10240x128xf32, #tpu.memory_space<hbm>> -> memref<128x128xf32, #tpu.memory_space<hbm>>
        %dma_wait3A_178 = arith.constant 0 : i32
        %dma_wait3A_179 = tpu.memref_slice %arg8[%multiple_of3A_26, %dma_wait3A_178] : memref<10240x128xf32, #tpu.memory_space<hbm>> -> memref<128x128xf32, #tpu.memory_space<hbm>>
        tpu.wait_dma2 semaphore(%run_scoped3A_173 : memref<!tpu.dma_semaphore, #tpu.memory_space<semaphore_mem>>) src(%arg14 : memref<128x128xf32, #tpu.memory_space<vmem>>) dst(%dma_wait3A_179 : memref<128x128xf32, #tpu.memory_space<hbm>>)
        tpu.yield
      }) : () -> ()
    } else {
    }
    %add3A_38 = arith.constant 256 : i32
    %add3A_39 = arith.addi %mul3A_0, %add3A_38 : i32
    %multiple_of3A_40 = tpu.assume_multiple %add3A_39, 128 : i32
    %run_scoped3A_41 = arith.constant 2 : i32
    "tpu.region"() ({
      %run_scoped3A_173 = tpu.sem_alloc : memref<!tpu.dma_semaphore, #tpu.memory_space<semaphore_mem>>
      %dma_start3A = arith.constant 0 : i32
      %dma_start3A_174 = tpu.memref_slice %arg13[%run_scoped3A_41, %dma_start3A] : memref<5x128xi32, #tpu.memory_space<vmem>> -> memref<1x128xi32, #tpu.memory_space<vmem>>
      %dma_start3A_175 = tpu.memref_squeeze %dma_start3A_174 : memref<1x128xi32, #tpu.memory_space<vmem>> -> memref<128xi32, #tpu.memory_space<vmem>>
      %dma_start3A_176 = arith.constant 0 : i32
      %dma_start3A_177 = arith.constant 0 : i32
      %dma_start3A_178 = tpu.memref_slice %arg20[%dma_start3A_176, %dma_start3A_177] : memref<10240x128xf32, #tpu.memory_space<vmem_shared>> -> memref<10240x128xf32, #tpu.memory_space<vmem_shared>>
      tpu.enqueue_indirect_dma source(%dma_start3A_178 : memref<10240x128xf32, #tpu.memory_space<vmem_shared>>) target(%arg14 : memref<128x128xf32, #tpu.memory_space<vmem>>) offsets(%dma_start3A_175 : memref<128xi32, #tpu.memory_space<vmem>>) semaphore(%run_scoped3A_173 : memref<!tpu.dma_semaphore, #tpu.memory_space<semaphore_mem>>)
      %dma_wait3A = arith.constant 0 : i32
      %dma_wait3A_179 = tpu.memref_slice %arg13[%run_scoped3A_41, %dma_wait3A] : memref<5x128xi32, #tpu.memory_space<vmem>> -> memref<1x128xi32, #tpu.memory_space<vmem>>
      %dma_wait3A_180 = tpu.memref_squeeze %dma_wait3A_179 : memref<1x128xi32, #tpu.memory_space<vmem>> -> memref<128xi32, #tpu.memory_space<vmem>>
      %dma_wait3A_181 = arith.constant 0 : i32
      %dma_wait3A_182 = arith.constant 0 : i32
      %dma_wait3A_183 = tpu.memref_slice %arg20[%dma_wait3A_181, %dma_wait3A_182] : memref<10240x128xf32, #tpu.memory_space<vmem_shared>> -> memref<10240x128xf32, #tpu.memory_space<vmem_shared>>
      tpu.wait_indirect_dma semaphore(%run_scoped3A_173 : memref<!tpu.dma_semaphore, #tpu.memory_space<semaphore_mem>>) src(%dma_wait3A_183 : memref<10240x128xf32, #tpu.memory_space<vmem_shared>>) dst(%arg14 : memref<128x128xf32, #tpu.memory_space<vmem>>)
      tpu.yield
    }) : () -> ()
    %eq3A_42 = arith.constant 0 : i32
    %eq3A_43 = arith.cmpi eq, %arg0, %eq3A_42 : i32
    %convert_element_type3A_44 = arith.extui %eq3A_43 : i1 to i32
    %cond3A_45 = arith.constant 0 : i32
    %cond3A_46 = arith.cmpi ne, %convert_element_type3A_44, %cond3A_45 : i32
    scf.if %cond3A_46 {
      "tpu.region"() ({
        %run_scoped3A_173 = tpu.sem_alloc : memref<!tpu.dma_semaphore, #tpu.memory_space<semaphore_mem>>
        %dma_start3A = arith.constant 0 : i32
        %dma_start3A_174 = tpu.memref_slice %arg7[%multiple_of3A_40, %dma_start3A] : memref<10240x128xf32, #tpu.memory_space<hbm>> -> memref<128x128xf32, #tpu.memory_space<hbm>>
        %dma_start3A_175 = arith.constant 0 : i32
        %dma_start3A_176 = tpu.memref_slice %arg7[%multiple_of3A_40, %dma_start3A_175] : memref<10240x128xf32, #tpu.memory_space<hbm>> -> memref<128x128xf32, #tpu.memory_space<hbm>>
        tpu.enqueue_dma source(%arg14 : memref<128x128xf32, #tpu.memory_space<vmem>>) target(%dma_start3A_176 : memref<128x128xf32, #tpu.memory_space<hbm>>) target_semaphore(%run_scoped3A_173 : memref<!tpu.dma_semaphore, #tpu.memory_space<semaphore_mem>>)
        %dma_wait3A = arith.constant 0 : i32
        %dma_wait3A_177 = tpu.memref_slice %arg7[%multiple_of3A_40, %dma_wait3A] : memref<10240x128xf32, #tpu.memory_space<hbm>> -> memref<128x128xf32, #tpu.memory_space<hbm>>
        %dma_wait3A_178 = arith.constant 0 : i32
        %dma_wait3A_179 = tpu.memref_slice %arg7[%multiple_of3A_40, %dma_wait3A_178] : memref<10240x128xf32, #tpu.memory_space<hbm>> -> memref<128x128xf32, #tpu.memory_space<hbm>>
        tpu.wait_dma2 semaphore(%run_scoped3A_173 : memref<!tpu.dma_semaphore, #tpu.memory_space<semaphore_mem>>) src(%arg14 : memref<128x128xf32, #tpu.memory_space<vmem>>) dst(%dma_wait3A_179 : memref<128x128xf32, #tpu.memory_space<hbm>>)
        tpu.yield
      }) : () -> ()
    } else {
    }
    %eq3A_47 = arith.constant 1 : i32
    %eq3A_48 = arith.cmpi eq, %arg0, %eq3A_47 : i32
    %convert_element_type3A_49 = arith.extui %eq3A_48 : i1 to i32
    %cond3A_50 = arith.constant 0 : i32
    %cond3A_51 = arith.cmpi ne, %convert_element_type3A_49, %cond3A_50 : i32
    scf.if %cond3A_51 {
      "tpu.region"() ({
        %run_scoped3A_173 = tpu.sem_alloc : memref<!tpu.dma_semaphore, #tpu.memory_space<semaphore_mem>>
        %dma_start3A = arith.constant 0 : i32
        %dma_start3A_174 = tpu.memref_slice %arg8[%multiple_of3A_40, %dma_start3A] : memref<10240x128xf32, #tpu.memory_space<hbm>> -> memref<128x128xf32, #tpu.memory_space<hbm>>
        %dma_start3A_175 = arith.constant 0 : i32
        %dma_start3A_176 = tpu.memref_slice %arg8[%multiple_of3A_40, %dma_start3A_175] : memref<10240x128xf32, #tpu.memory_space<hbm>> -> memref<128x128xf32, #tpu.memory_space<hbm>>
        tpu.enqueue_dma source(%arg14 : memref<128x128xf32, #tpu.memory_space<vmem>>) target(%dma_start3A_176 : memref<128x128xf32, #tpu.memory_space<hbm>>) target_semaphore(%run_scoped3A_173 : memref<!tpu.dma_semaphore, #tpu.memory_space<semaphore_mem>>)
        %dma_wait3A = arith.constant 0 : i32
        %dma_wait3A_177 = tpu.memref_slice %arg8[%multiple_of3A_40, %dma_wait3A] : memref<10240x128xf32, #tpu.memory_space<hbm>> -> memref<128x128xf32, #tpu.memory_space<hbm>>
        %dma_wait3A_178 = arith.constant 0 : i32
        %dma_wait3A_179 = tpu.memref_slice %arg8[%multiple_of3A_40, %dma_wait3A_178] : memref<10240x128xf32, #tpu.memory_space<hbm>> -> memref<128x128xf32, #tpu.memory_space<hbm>>
        tpu.wait_dma2 semaphore(%run_scoped3A_173 : memref<!tpu.dma_semaphore, #tpu.memory_space<semaphore_mem>>) src(%arg14 : memref<128x128xf32, #tpu.memory_space<vmem>>) dst(%dma_wait3A_179 : memref<128x128xf32, #tpu.memory_space<hbm>>)
        tpu.yield
      }) : () -> ()
    } else {
    }
    %add3A_52 = arith.constant 384 : i32
    %add3A_53 = arith.addi %mul3A_0, %add3A_52 : i32
    %multiple_of3A_54 = tpu.assume_multiple %add3A_53, 128 : i32
    %run_scoped3A_55 = arith.constant 3 : i32
    "tpu.region"() ({
      %run_scoped3A_173 = tpu.sem_alloc : memref<!tpu.dma_semaphore, #tpu.memory_space<semaphore_mem>>
      %dma_start3A = arith.constant 0 : i32
      %dma_start3A_174 = tpu.memref_slice %arg13[%run_scoped3A_55, %dma_start3A] : memref<5x128xi32, #tpu.memory_space<vmem>> -> memref<1x128xi32, #tpu.memory_space<vmem>>
      %dma_start3A_175 = tpu.memref_squeeze %dma_start3A_174 : memref<1x128xi32, #tpu.memory_space<vmem>> -> memref<128xi32, #tpu.memory_space<vmem>>
      %dma_start3A_176 = arith.constant 0 : i32
      %dma_start3A_177 = arith.constant 0 : i32
      %dma_start3A_178 = tpu.memref_slice %arg20[%dma_start3A_176, %dma_start3A_177] : memref<10240x128xf32, #tpu.memory_space<vmem_shared>> -> memref<10240x128xf32, #tpu.memory_space<vmem_shared>>
      tpu.enqueue_indirect_dma source(%dma_start3A_178 : memref<10240x128xf32, #tpu.memory_space<vmem_shared>>) target(%arg14 : memref<128x128xf32, #tpu.memory_space<vmem>>) offsets(%dma_start3A_175 : memref<128xi32, #tpu.memory_space<vmem>>) semaphore(%run_scoped3A_173 : memref<!tpu.dma_semaphore, #tpu.memory_space<semaphore_mem>>)
      %dma_wait3A = arith.constant 0 : i32
      %dma_wait3A_179 = tpu.memref_slice %arg13[%run_scoped3A_55, %dma_wait3A] : memref<5x128xi32, #tpu.memory_space<vmem>> -> memref<1x128xi32, #tpu.memory_space<vmem>>
      %dma_wait3A_180 = tpu.memref_squeeze %dma_wait3A_179 : memref<1x128xi32, #tpu.memory_space<vmem>> -> memref<128xi32, #tpu.memory_space<vmem>>
      %dma_wait3A_181 = arith.constant 0 : i32
      %dma_wait3A_182 = arith.constant 0 : i32
      %dma_wait3A_183 = tpu.memref_slice %arg20[%dma_wait3A_181, %dma_wait3A_182] : memref<10240x128xf32, #tpu.memory_space<vmem_shared>> -> memref<10240x128xf32, #tpu.memory_space<vmem_shared>>
      tpu.wait_indirect_dma semaphore(%run_scoped3A_173 : memref<!tpu.dma_semaphore, #tpu.memory_space<semaphore_mem>>) src(%dma_wait3A_183 : memref<10240x128xf32, #tpu.memory_space<vmem_shared>>) dst(%arg14 : memref<128x128xf32, #tpu.memory_space<vmem>>)
      tpu.yield
    }) : () -> ()
    %eq3A_56 = arith.constant 0 : i32
    %eq3A_57 = arith.cmpi eq, %arg0, %eq3A_56 : i32
    %convert_element_type3A_58 = arith.extui %eq3A_57 : i1 to i32
    %cond3A_59 = arith.constant 0 : i32
    %cond3A_60 = arith.cmpi ne, %convert_element_type3A_58, %cond3A_59 : i32
    scf.if %cond3A_60 {
      "tpu.region"() ({
        %run_scoped3A_173 = tpu.sem_alloc : memref<!tpu.dma_semaphore, #tpu.memory_space<semaphore_mem>>
        %dma_start3A = arith.constant 0 : i32
        %dma_start3A_174 = tpu.memref_slice %arg7[%multiple_of3A_54, %dma_start3A] : memref<10240x128xf32, #tpu.memory_space<hbm>> -> memref<128x128xf32, #tpu.memory_space<hbm>>
        %dma_start3A_175 = arith.constant 0 : i32
        %dma_start3A_176 = tpu.memref_slice %arg7[%multiple_of3A_54, %dma_start3A_175] : memref<10240x128xf32, #tpu.memory_space<hbm>> -> memref<128x128xf32, #tpu.memory_space<hbm>>
        tpu.enqueue_dma source(%arg14 : memref<128x128xf32, #tpu.memory_space<vmem>>) target(%dma_start3A_176 : memref<128x128xf32, #tpu.memory_space<hbm>>) target_semaphore(%run_scoped3A_173 : memref<!tpu.dma_semaphore, #tpu.memory_space<semaphore_mem>>)
        %dma_wait3A = arith.constant 0 : i32
        %dma_wait3A_177 = tpu.memref_slice %arg7[%multiple_of3A_54, %dma_wait3A] : memref<10240x128xf32, #tpu.memory_space<hbm>> -> memref<128x128xf32, #tpu.memory_space<hbm>>
        %dma_wait3A_178 = arith.constant 0 : i32
        %dma_wait3A_179 = tpu.memref_slice %arg7[%multiple_of3A_54, %dma_wait3A_178] : memref<10240x128xf32, #tpu.memory_space<hbm>> -> memref<128x128xf32, #tpu.memory_space<hbm>>
        tpu.wait_dma2 semaphore(%run_scoped3A_173 : memref<!tpu.dma_semaphore, #tpu.memory_space<semaphore_mem>>) src(%arg14 : memref<128x128xf32, #tpu.memory_space<vmem>>) dst(%dma_wait3A_179 : memref<128x128xf32, #tpu.memory_space<hbm>>)
        tpu.yield
      }) : () -> ()
    } else {
    }
    %eq3A_61 = arith.constant 1 : i32
    %eq3A_62 = arith.cmpi eq, %arg0, %eq3A_61 : i32
    %convert_element_type3A_63 = arith.extui %eq3A_62 : i1 to i32
    %cond3A_64 = arith.constant 0 : i32
    %cond3A_65 = arith.cmpi ne, %convert_element_type3A_63, %cond3A_64 : i32
    scf.if %cond3A_65 {
      "tpu.region"() ({
        %run_scoped3A_173 = tpu.sem_alloc : memref<!tpu.dma_semaphore, #tpu.memory_space<semaphore_mem>>
        %dma_start3A = arith.constant 0 : i32
        %dma_start3A_174 = tpu.memref_slice %arg8[%multiple_of3A_54, %dma_start3A] : memref<10240x128xf32, #tpu.memory_space<hbm>> -> memref<128x128xf32, #tpu.memory_space<hbm>>
        %dma_start3A_175 = arith.constant 0 : i32
        %dma_start3A_176 = tpu.memref_slice %arg8[%multiple_of3A_54, %dma_start3A_175] : memref<10240x128xf32, #tpu.memory_space<hbm>> -> memref<128x128xf32, #tpu.memory_space<hbm>>
        tpu.enqueue_dma source(%arg14 : memref<128x128xf32, #tpu.memory_space<vmem>>) target(%dma_start3A_176 : memref<128x128xf32, #tpu.memory_space<hbm>>) target_semaphore(%run_scoped3A_173 : memref<!tpu.dma_semaphore, #tpu.memory_space<semaphore_mem>>)
        %dma_wait3A = arith.constant 0 : i32
        %dma_wait3A_177 = tpu.memref_slice %arg8[%multiple_of3A_54, %dma_wait3A] : memref<10240x128xf32, #tpu.memory_space<hbm>> -> memref<128x128xf32, #tpu.memory_space<hbm>>
        %dma_wait3A_178 = arith.constant 0 : i32
        %dma_wait3A_179 = tpu.memref_slice %arg8[%multiple_of3A_54, %dma_wait3A_178] : memref<10240x128xf32, #tpu.memory_space<hbm>> -> memref<128x128xf32, #tpu.memory_space<hbm>>
        tpu.wait_dma2 semaphore(%run_scoped3A_173 : memref<!tpu.dma_semaphore, #tpu.memory_space<semaphore_mem>>) src(%arg14 : memref<128x128xf32, #tpu.memory_space<vmem>>) dst(%dma_wait3A_179 : memref<128x128xf32, #tpu.memory_space<hbm>>)
        tpu.yield
      }) : () -> ()
    } else {
    }
    %add3A_66 = arith.constant 512 : i32
    %add3A_67 = arith.addi %mul3A_0, %add3A_66 : i32
    %multiple_of3A_68 = tpu.assume_multiple %add3A_67, 128 : i32
    %run_scoped3A_69 = arith.constant 4 : i32
    "tpu.region"() ({
      %run_scoped3A_173 = tpu.sem_alloc : memref<!tpu.dma_semaphore, #tpu.memory_space<semaphore_mem>>
      %dma_start3A = arith.constant 0 : i32
      %dma_start3A_174 = tpu.memref_slice %arg13[%run_scoped3A_69, %dma_start3A] : memref<5x128xi32, #tpu.memory_space<vmem>> -> memref<1x128xi32, #tpu.memory_space<vmem>>
      %dma_start3A_175 = tpu.memref_squeeze %dma_start3A_174 : memref<1x128xi32, #tpu.memory_space<vmem>> -> memref<128xi32, #tpu.memory_space<vmem>>
      %dma_start3A_176 = arith.constant 0 : i32
      %dma_start3A_177 = arith.constant 0 : i32
      %dma_start3A_178 = tpu.memref_slice %arg20[%dma_start3A_176, %dma_start3A_177] : memref<10240x128xf32, #tpu.memory_space<vmem_shared>> -> memref<10240x128xf32, #tpu.memory_space<vmem_shared>>
      tpu.enqueue_indirect_dma source(%dma_start3A_178 : memref<10240x128xf32, #tpu.memory_space<vmem_shared>>) target(%arg14 : memref<128x128xf32, #tpu.memory_space<vmem>>) offsets(%dma_start3A_175 : memref<128xi32, #tpu.memory_space<vmem>>) semaphore(%run_scoped3A_173 : memref<!tpu.dma_semaphore, #tpu.memory_space<semaphore_mem>>)
      %dma_wait3A = arith.constant 0 : i32
      %dma_wait3A_179 = tpu.memref_slice %arg13[%run_scoped3A_69, %dma_wait3A] : memref<5x128xi32, #tpu.memory_space<vmem>> -> memref<1x128xi32, #tpu.memory_space<vmem>>
      %dma_wait3A_180 = tpu.memref_squeeze %dma_wait3A_179 : memref<1x128xi32, #tpu.memory_space<vmem>> -> memref<128xi32, #tpu.memory_space<vmem>>
      %dma_wait3A_181 = arith.constant 0 : i32
      %dma_wait3A_182 = arith.constant 0 : i32
      %dma_wait3A_183 = tpu.memref_slice %arg20[%dma_wait3A_181, %dma_wait3A_182] : memref<10240x128xf32, #tpu.memory_space<vmem_shared>> -> memref<10240x128xf32, #tpu.memory_space<vmem_shared>>
      tpu.wait_indirect_dma semaphore(%run_scoped3A_173 : memref<!tpu.dma_semaphore, #tpu.memory_space<semaphore_mem>>) src(%dma_wait3A_183 : memref<10240x128xf32, #tpu.memory_space<vmem_shared>>) dst(%arg14 : memref<128x128xf32, #tpu.memory_space<vmem>>)
      tpu.yield
    }) : () -> ()
    %eq3A_70 = arith.constant 0 : i32
    %eq3A_71 = arith.cmpi eq, %arg0, %eq3A_70 : i32
    %convert_element_type3A_72 = arith.extui %eq3A_71 : i1 to i32
    %cond3A_73 = arith.constant 0 : i32
    %cond3A_74 = arith.cmpi ne, %convert_element_type3A_72, %cond3A_73 : i32
    scf.if %cond3A_74 {
      "tpu.region"() ({
        %run_scoped3A_173 = tpu.sem_alloc : memref<!tpu.dma_semaphore, #tpu.memory_space<semaphore_mem>>
        %dma_start3A = arith.constant 0 : i32
        %dma_start3A_174 = tpu.memref_slice %arg7[%multiple_of3A_68, %dma_start3A] : memref<10240x128xf32, #tpu.memory_space<hbm>> -> memref<128x128xf32, #tpu.memory_space<hbm>>
        %dma_start3A_175 = arith.constant 0 : i32
        %dma_start3A_176 = tpu.memref_slice %arg7[%multiple_of3A_68, %dma_start3A_175] : memref<10240x128xf32, #tpu.memory_space<hbm>> -> memref<128x128xf32, #tpu.memory_space<hbm>>
        tpu.enqueue_dma source(%arg14 : memref<128x128xf32, #tpu.memory_space<vmem>>) target(%dma_start3A_176 : memref<128x128xf32, #tpu.memory_space<hbm>>) target_semaphore(%run_scoped3A_173 : memref<!tpu.dma_semaphore, #tpu.memory_space<semaphore_mem>>)
        %dma_wait3A = arith.constant 0 : i32
        %dma_wait3A_177 = tpu.memref_slice %arg7[%multiple_of3A_68, %dma_wait3A] : memref<10240x128xf32, #tpu.memory_space<hbm>> -> memref<128x128xf32, #tpu.memory_space<hbm>>
        %dma_wait3A_178 = arith.constant 0 : i32
        %dma_wait3A_179 = tpu.memref_slice %arg7[%multiple_of3A_68, %dma_wait3A_178] : memref<10240x128xf32, #tpu.memory_space<hbm>> -> memref<128x128xf32, #tpu.memory_space<hbm>>
        tpu.wait_dma2 semaphore(%run_scoped3A_173 : memref<!tpu.dma_semaphore, #tpu.memory_space<semaphore_mem>>) src(%arg14 : memref<128x128xf32, #tpu.memory_space<vmem>>) dst(%dma_wait3A_179 : memref<128x128xf32, #tpu.memory_space<hbm>>)
        tpu.yield
      }) : () -> ()
    } else {
    }
    %eq3A_75 = arith.constant 1 : i32
    %eq3A_76 = arith.cmpi eq, %arg0, %eq3A_75 : i32
    %convert_element_type3A_77 = arith.extui %eq3A_76 : i1 to i32
    %cond3A_78 = arith.constant 0 : i32
    %cond3A_79 = arith.cmpi ne, %convert_element_type3A_77, %cond3A_78 : i32
    scf.if %cond3A_79 {
      "tpu.region"() ({
        %run_scoped3A_173 = tpu.sem_alloc : memref<!tpu.dma_semaphore, #tpu.memory_space<semaphore_mem>>
        %dma_start3A = arith.constant 0 : i32
        %dma_start3A_174 = tpu.memref_slice %arg8[%multiple_of3A_68, %dma_start3A] : memref<10240x128xf32, #tpu.memory_space<hbm>> -> memref<128x128xf32, #tpu.memory_space<hbm>>
        %dma_start3A_175 = arith.constant 0 : i32
        %dma_start3A_176 = tpu.memref_slice %arg8[%multiple_of3A_68, %dma_start3A_175] : memref<10240x128xf32, #tpu.memory_space<hbm>> -> memref<128x128xf32, #tpu.memory_space<hbm>>
        tpu.enqueue_dma source(%arg14 : memref<128x128xf32, #tpu.memory_space<vmem>>) target(%dma_start3A_176 : memref<128x128xf32, #tpu.memory_space<hbm>>) target_semaphore(%run_scoped3A_173 : memref<!tpu.dma_semaphore, #tpu.memory_space<semaphore_mem>>)
        %dma_wait3A = arith.constant 0 : i32
        %dma_wait3A_177 = tpu.memref_slice %arg8[%multiple_of3A_68, %dma_wait3A] : memref<10240x128xf32, #tpu.memory_space<hbm>> -> memref<128x128xf32, #tpu.memory_space<hbm>>
        %dma_wait3A_178 = arith.constant 0 : i32
        %dma_wait3A_179 = tpu.memref_slice %arg8[%multiple_of3A_68, %dma_wait3A_178] : memref<10240x128xf32, #tpu.memory_space<hbm>> -> memref<128x128xf32, #tpu.memory_space<hbm>>
        tpu.wait_dma2 semaphore(%run_scoped3A_173 : memref<!tpu.dma_semaphore, #tpu.memory_space<semaphore_mem>>) src(%arg14 : memref<128x128xf32, #tpu.memory_space<vmem>>) dst(%dma_wait3A_179 : memref<128x128xf32, #tpu.memory_space<hbm>>)
        tpu.yield
      }) : () -> ()
    } else {
    }
    %scan3A_80 = arith.constant 0 : i32
    %scan3A_81 = arith.constant 128 : i32
    %scan3A_82 = arith.addi %scan3A_80, %scan3A_81 : i32
    %scan3A_83 = arith.constant 1 : i32
    scf.for %scan3A_173 = %scan3A_80 to %scan3A_82 step %scan3A_83  : i32 {
      %mul3A_174 = arith.constant 1 : i32
      %mul3A_175 = arith.muli %scan3A_173, %mul3A_174 : i32
      %add3A_176 = arith.constant 0 : i32
      %add3A_177 = arith.addi %add3A_176, %mul3A_175 : i32
      %broadcast_in_dim3A = arith.constant 0.000000e+00 : f32
      %broadcast_in_dim3A_178 = vector.broadcast %broadcast_in_dim3A : f32 to vector<16xf32>
      %swap3A = arith.index_cast %add3A_177 : i32 to index
      %swap3A_179 = arith.constant 0 : index
      %swap3A_180 = tpu.vector_load %arg14[%swap3A, %swap3A_179] {strides = array<i32>} : memref<128x128xf32, #tpu.memory_space<vmem>>, vector<1x16xf32>,
      %swap3A_181 = vector.shape_cast %swap3A_180 : vector<1x16xf32> to vector<16xf32>
      %swap3A_182 = vector.shape_cast %broadcast_in_dim3A_178 : vector<16xf32> to vector<1x16xf32>
      tpu.vector_store %arg14[%swap3A, %swap3A_179], %swap3A_182 {strides = array<i32>} : memref<128x128xf32, #tpu.memory_space<vmem>>, vector<1x16xf32>,
      %broadcast_in_dim3A_183 = arith.constant 0.000000e+00 : f32
      %broadcast_in_dim3A_184 = vector.broadcast %broadcast_in_dim3A_183 : f32 to vector<16xf32>
      %swap3A_185 = arith.index_cast %add3A_177 : i32 to index
      %swap3A_186 = arith.constant 16 : index
      %swap3A_187 = tpu.vector_load %arg14[%swap3A_185, %swap3A_186] {strides = array<i32>} : memref<128x128xf32, #tpu.memory_space<vmem>>, vector<1x16xf32>,
      %swap3A_188 = vector.shape_cast %swap3A_187 : vector<1x16xf32> to vector<16xf32>
      %swap3A_189 = vector.shape_cast %broadcast_in_dim3A_184 : vector<16xf32> to vector<1x16xf32>
      tpu.vector_store %arg14[%swap3A_185, %swap3A_186], %swap3A_189 {strides = array<i32>} : memref<128x128xf32, #tpu.memory_space<vmem>>, vector<1x16xf32>,
      %broadcast_in_dim3A_190 = arith.constant 0.000000e+00 : f32
      %broadcast_in_dim3A_191 = vector.broadcast %broadcast_in_dim3A_190 : f32 to vector<16xf32>
      %swap3A_192 = arith.index_cast %add3A_177 : i32 to index
      %swap3A_193 = arith.constant 32 : index
      %swap3A_194 = tpu.vector_load %arg14[%swap3A_192, %swap3A_193] {strides = array<i32>} : memref<128x128xf32, #tpu.memory_space<vmem>>, vector<1x16xf32>,
      %swap3A_195 = vector.shape_cast %swap3A_194 : vector<1x16xf32> to vector<16xf32>
      %swap3A_196 = vector.shape_cast %broadcast_in_dim3A_191 : vector<16xf32> to vector<1x16xf32>
      tpu.vector_store %arg14[%swap3A_192, %swap3A_193], %swap3A_196 {strides = array<i32>} : memref<128x128xf32, #tpu.memory_space<vmem>>, vector<1x16xf32>,
      %broadcast_in_dim3A_197 = arith.constant 0.000000e+00 : f32
      %broadcast_in_dim3A_198 = vector.broadcast %broadcast_in_dim3A_197 : f32 to vector<16xf32>
      %swap3A_199 = arith.index_cast %add3A_177 : i32 to index
      %swap3A_200 = arith.constant 48 : index
      %swap3A_201 = tpu.vector_load %arg14[%swap3A_199, %swap3A_200] {strides = array<i32>} : memref<128x128xf32, #tpu.memory_space<vmem>>, vector<1x16xf32>,
      %swap3A_202 = vector.shape_cast %swap3A_201 : vector<1x16xf32> to vector<16xf32>
      %swap3A_203 = vector.shape_cast %broadcast_in_dim3A_198 : vector<16xf32> to vector<1x16xf32>
      tpu.vector_store %arg14[%swap3A_199, %swap3A_200], %swap3A_203 {strides = array<i32>} : memref<128x128xf32, #tpu.memory_space<vmem>>, vector<1x16xf32>,
      %broadcast_in_dim3A_204 = arith.constant 0.000000e+00 : f32
      %broadcast_in_dim3A_205 = vector.broadcast %broadcast_in_dim3A_204 : f32 to vector<16xf32>
      %swap3A_206 = arith.index_cast %add3A_177 : i32 to index
      %swap3A_207 = arith.constant 64 : index
      %swap3A_208 = tpu.vector_load %arg14[%swap3A_206, %swap3A_207] {strides = array<i32>} : memref<128x128xf32, #tpu.memory_space<vmem>>, vector<1x16xf32>,
      %swap3A_209 = vector.shape_cast %swap3A_208 : vector<1x16xf32> to vector<16xf32>
      %swap3A_210 = vector.shape_cast %broadcast_in_dim3A_205 : vector<16xf32> to vector<1x16xf32>
      tpu.vector_store %arg14[%swap3A_206, %swap3A_207], %swap3A_210 {strides = array<i32>} : memref<128x128xf32, #tpu.memory_space<vmem>>, vector<1x16xf32>,
      %broadcast_in_dim3A_211 = arith.constant 0.000000e+00 : f32
      %broadcast_in_dim3A_212 = vector.broadcast %broadcast_in_dim3A_211 : f32 to vector<16xf32>
      %swap3A_213 = arith.index_cast %add3A_177 : i32 to index
      %swap3A_214 = arith.constant 80 : index
      %swap3A_215 = tpu.vector_load %arg14[%swap3A_213, %swap3A_214] {strides = array<i32>} : memref<128x128xf32, #tpu.memory_space<vmem>>, vector<1x16xf32>,
      %swap3A_216 = vector.shape_cast %swap3A_215 : vector<1x16xf32> to vector<16xf32>
      %swap3A_217 = vector.shape_cast %broadcast_in_dim3A_212 : vector<16xf32> to vector<1x16xf32>
      tpu.vector_store %arg14[%swap3A_213, %swap3A_214], %swap3A_217 {strides = array<i32>} : memref<128x128xf32, #tpu.memory_space<vmem>>, vector<1x16xf32>,
      %broadcast_in_dim3A_218 = arith.constant 0.000000e+00 : f32
      %broadcast_in_dim3A_219 = vector.broadcast %broadcast_in_dim3A_218 : f32 to vector<16xf32>
      %swap3A_220 = arith.index_cast %add3A_177 : i32 to index
      %swap3A_221 = arith.constant 96 : index
      %swap3A_222 = tpu.vector_load %arg14[%swap3A_220, %swap3A_221] {strides = array<i32>} : memref<128x128xf32, #tpu.memory_space<vmem>>, vector<1x16xf32>,
      %swap3A_223 = vector.shape_cast %swap3A_222 : vector<1x16xf32> to vector<16xf32>
      %swap3A_224 = vector.shape_cast %broadcast_in_dim3A_219 : vector<16xf32> to vector<1x16xf32>
      tpu.vector_store %arg14[%swap3A_220, %swap3A_221], %swap3A_224 {strides = array<i32>} : memref<128x128xf32, #tpu.memory_space<vmem>>, vector<1x16xf32>,
      %broadcast_in_dim3A_225 = arith.constant 0.000000e+00 : f32
      %broadcast_in_dim3A_226 = vector.broadcast %broadcast_in_dim3A_225 : f32 to vector<16xf32>
      %swap3A_227 = arith.index_cast %add3A_177 : i32 to index
      %swap3A_228 = arith.constant 112 : index
      %swap3A_229 = tpu.vector_load %arg14[%swap3A_227, %swap3A_228] {strides = array<i32>} : memref<128x128xf32, #tpu.memory_space<vmem>>, vector<1x16xf32>,
      %swap3A_230 = vector.shape_cast %swap3A_229 : vector<1x16xf32> to vector<16xf32>
      %swap3A_231 = vector.shape_cast %broadcast_in_dim3A_226 : vector<16xf32> to vector<1x16xf32>
      tpu.vector_store %arg14[%swap3A_227, %swap3A_228], %swap3A_231 {strides = array<i32>} : memref<128x128xf32, #tpu.memory_space<vmem>>, vector<1x16xf32>,
    }
    %scan3A_84 = arith.constant 128 : i32
    %barrier3A_85 = arith.constant 0 : index
    tpu.barrier barrier_id(%barrier3A_85)
    %run_scoped3A_86 = arith.constant 0 : i32
    "tpu.region"() ({
      %run_scoped3A_173 = tpu.sem_alloc : memref<!tpu.dma_semaphore, #tpu.memory_space<semaphore_mem>>
      %dma_start3A = arith.constant 0 : i32
      %dma_start3A_174 = tpu.memref_slice %arg13[%run_scoped3A_86, %dma_start3A] : memref<5x128xi32, #tpu.memory_space<vmem>> -> memref<1x128xi32, #tpu.memory_space<vmem>>
      %dma_start3A_175 = tpu.memref_squeeze %dma_start3A_174 : memref<1x128xi32, #tpu.memory_space<vmem>> -> memref<128xi32, #tpu.memory_space<vmem>>
      %dma_start3A_176 = arith.constant 0 : i32
      %dma_start3A_177 = arith.constant 0 : i32
      %dma_start3A_178 = tpu.memref_slice %arg20[%dma_start3A_176, %dma_start3A_177] : memref<10240x128xf32, #tpu.memory_space<vmem_shared>> -> memref<10240x128xf32, #tpu.memory_space<vmem_shared>>
      tpu.enqueue_indirect_dma source(%arg14 : memref<128x128xf32, #tpu.memory_space<vmem>>) target(%dma_start3A_178 : memref<10240x128xf32, #tpu.memory_space<vmem_shared>>) offsets(%dma_start3A_175 : memref<128xi32, #tpu.memory_space<vmem>>) semaphore(%run_scoped3A_173 : memref<!tpu.dma_semaphore, #tpu.memory_space<semaphore_mem>>)
      %dma_wait3A = arith.constant 0 : i32
      %dma_wait3A_179 = tpu.memref_slice %arg13[%run_scoped3A_86, %dma_wait3A] : memref<5x128xi32, #tpu.memory_space<vmem>> -> memref<1x128xi32, #tpu.memory_space<vmem>>
      %dma_wait3A_180 = tpu.memref_squeeze %dma_wait3A_179 : memref<1x128xi32, #tpu.memory_space<vmem>> -> memref<128xi32, #tpu.memory_space<vmem>>
      %dma_wait3A_181 = arith.constant 0 : i32
      %dma_wait3A_182 = arith.constant 0 : i32
      %dma_wait3A_183 = tpu.memref_slice %arg20[%dma_wait3A_181, %dma_wait3A_182] : memref<10240x128xf32, #tpu.memory_space<vmem_shared>> -> memref<10240x128xf32, #tpu.memory_space<vmem_shared>>
      tpu.wait_indirect_dma semaphore(%run_scoped3A_173 : memref<!tpu.dma_semaphore, #tpu.memory_space<semaphore_mem>>) src(%arg14 : memref<128x128xf32, #tpu.memory_space<vmem>>) dst(%dma_wait3A_183 : memref<10240x128xf32, #tpu.memory_space<vmem_shared>>)
      tpu.yield
    }) : () -> ()
    %run_scoped3A_87 = arith.constant 1 : i32
    "tpu.region"() ({
      %run_scoped3A_173 = tpu.sem_alloc : memref<!tpu.dma_semaphore, #tpu.memory_space<semaphore_mem>>
      %dma_start3A = arith.constant 0 : i32
      %dma_start3A_174 = tpu.memref_slice %arg13[%run_scoped3A_87, %dma_start3A] : memref<5x128xi32, #tpu.memory_space<vmem>> -> memref<1x128xi32, #tpu.memory_space<vmem>>
      %dma_start3A_175 = tpu.memref_squeeze %dma_start3A_174 : memref<1x128xi32, #tpu.memory_space<vmem>> -> memref<128xi32, #tpu.memory_space<vmem>>
      %dma_start3A_176 = arith.constant 0 : i32
      %dma_start3A_177 = arith.constant 0 : i32
      %dma_start3A_178 = tpu.memref_slice %arg20[%dma_start3A_176, %dma_start3A_177] : memref<10240x128xf32, #tpu.memory_space<vmem_shared>> -> memref<10240x128xf32, #tpu.memory_space<vmem_shared>>
      tpu.enqueue_indirect_dma source(%arg14 : memref<128x128xf32, #tpu.memory_space<vmem>>) target(%dma_start3A_178 : memref<10240x128xf32, #tpu.memory_space<vmem_shared>>) offsets(%dma_start3A_175 : memref<128xi32, #tpu.memory_space<vmem>>) semaphore(%run_scoped3A_173 : memref<!tpu.dma_semaphore, #tpu.memory_space<semaphore_mem>>)
      %dma_wait3A = arith.constant 0 : i32
      %dma_wait3A_179 = tpu.memref_slice %arg13[%run_scoped3A_87, %dma_wait3A] : memref<5x128xi32, #tpu.memory_space<vmem>> -> memref<1x128xi32, #tpu.memory_space<vmem>>
      %dma_wait3A_180 = tpu.memref_squeeze %dma_wait3A_179 : memref<1x128xi32, #tpu.memory_space<vmem>> -> memref<128xi32, #tpu.memory_space<vmem>>
      %dma_wait3A_181 = arith.constant 0 : i32
      %dma_wait3A_182 = arith.constant 0 : i32
      %dma_wait3A_183 = tpu.memref_slice %arg20[%dma_wait3A_181, %dma_wait3A_182] : memref<10240x128xf32, #tpu.memory_space<vmem_shared>> -> memref<10240x128xf32, #tpu.memory_space<vmem_shared>>
      tpu.wait_indirect_dma semaphore(%run_scoped3A_173 : memref<!tpu.dma_semaphore, #tpu.memory_space<semaphore_mem>>) src(%arg14 : memref<128x128xf32, #tpu.memory_space<vmem>>) dst(%dma_wait3A_183 : memref<10240x128xf32, #tpu.memory_space<vmem_shared>>)
      tpu.yield
    }) : () -> ()
    %run_scoped3A_88 = arith.constant 2 : i32
    "tpu.region"() ({
      %run_scoped3A_173 = tpu.sem_alloc : memref<!tpu.dma_semaphore, #tpu.memory_space<semaphore_mem>>
      %dma_start3A = arith.constant 0 : i32
      %dma_start3A_174 = tpu.memref_slice %arg13[%run_scoped3A_88, %dma_start3A] : memref<5x128xi32, #tpu.memory_space<vmem>> -> memref<1x128xi32, #tpu.memory_space<vmem>>
      %dma_start3A_175 = tpu.memref_squeeze %dma_start3A_174 : memref<1x128xi32, #tpu.memory_space<vmem>> -> memref<128xi32, #tpu.memory_space<vmem>>
      %dma_start3A_176 = arith.constant 0 : i32
      %dma_start3A_177 = arith.constant 0 : i32
      %dma_start3A_178 = tpu.memref_slice %arg20[%dma_start3A_176, %dma_start3A_177] : memref<10240x128xf32, #tpu.memory_space<vmem_shared>> -> memref<10240x128xf32, #tpu.memory_space<vmem_shared>>
      tpu.enqueue_indirect_dma source(%arg14 : memref<128x128xf32, #tpu.memory_space<vmem>>) target(%dma_start3A_178 : memref<10240x128xf32, #tpu.memory_space<vmem_shared>>) offsets(%dma_start3A_175 : memref<128xi32, #tpu.memory_space<vmem>>) semaphore(%run_scoped3A_173 : memref<!tpu.dma_semaphore, #tpu.memory_space<semaphore_mem>>)
      %dma_wait3A = arith.constant 0 : i32
      %dma_wait3A_179 = tpu.memref_slice %arg13[%run_scoped3A_88, %dma_wait3A] : memref<5x128xi32, #tpu.memory_space<vmem>> -> memref<1x128xi32, #tpu.memory_space<vmem>>
      %dma_wait3A_180 = tpu.memref_squeeze %dma_wait3A_179 : memref<1x128xi32, #tpu.memory_space<vmem>> -> memref<128xi32, #tpu.memory_space<vmem>>
      %dma_wait3A_181 = arith.constant 0 : i32
      %dma_wait3A_182 = arith.constant 0 : i32
      %dma_wait3A_183 = tpu.memref_slice %arg20[%dma_wait3A_181, %dma_wait3A_182] : memref<10240x128xf32, #tpu.memory_space<vmem_shared>> -> memref<10240x128xf32, #tpu.memory_space<vmem_shared>>
      tpu.wait_indirect_dma semaphore(%run_scoped3A_173 : memref<!tpu.dma_semaphore, #tpu.memory_space<semaphore_mem>>) src(%arg14 : memref<128x128xf32, #tpu.memory_space<vmem>>) dst(%dma_wait3A_183 : memref<10240x128xf32, #tpu.memory_space<vmem_shared>>)
      tpu.yield
    }) : () -> ()
    %run_scoped3A_89 = arith.constant 3 : i32
    "tpu.region"() ({
      %run_scoped3A_173 = tpu.sem_alloc : memref<!tpu.dma_semaphore, #tpu.memory_space<semaphore_mem>>
      %dma_start3A = arith.constant 0 : i32
      %dma_start3A_174 = tpu.memref_slice %arg13[%run_scoped3A_89, %dma_start3A] : memref<5x128xi32, #tpu.memory_space<vmem>> -> memref<1x128xi32, #tpu.memory_space<vmem>>
      %dma_start3A_175 = tpu.memref_squeeze %dma_start3A_174 : memref<1x128xi32, #tpu.memory_space<vmem>> -> memref<128xi32, #tpu.memory_space<vmem>>
      %dma_start3A_176 = arith.constant 0 : i32
      %dma_start3A_177 = arith.constant 0 : i32
      %dma_start3A_178 = tpu.memref_slice %arg20[%dma_start3A_176, %dma_start3A_177] : memref<10240x128xf32, #tpu.memory_space<vmem_shared>> -> memref<10240x128xf32, #tpu.memory_space<vmem_shared>>
      tpu.enqueue_indirect_dma source(%arg14 : memref<128x128xf32, #tpu.memory_space<vmem>>) target(%dma_start3A_178 : memref<10240x128xf32, #tpu.memory_space<vmem_shared>>) offsets(%dma_start3A_175 : memref<128xi32, #tpu.memory_space<vmem>>) semaphore(%run_scoped3A_173 : memref<!tpu.dma_semaphore, #tpu.memory_space<semaphore_mem>>)
      %dma_wait3A = arith.constant 0 : i32
      %dma_wait3A_179 = tpu.memref_slice %arg13[%run_scoped3A_89, %dma_wait3A] : memref<5x128xi32, #tpu.memory_space<vmem>> -> memref<1x128xi32, #tpu.memory_space<vmem>>
      %dma_wait3A_180 = tpu.memref_squeeze %dma_wait3A_179 : memref<1x128xi32, #tpu.memory_space<vmem>> -> memref<128xi32, #tpu.memory_space<vmem>>
      %dma_wait3A_181 = arith.constant 0 : i32
      %dma_wait3A_182 = arith.constant 0 : i32
      %dma_wait3A_183 = tpu.memref_slice %arg20[%dma_wait3A_181, %dma_wait3A_182] : memref<10240x128xf32, #tpu.memory_space<vmem_shared>> -> memref<10240x128xf32, #tpu.memory_space<vmem_shared>>
      tpu.wait_indirect_dma semaphore(%run_scoped3A_173 : memref<!tpu.dma_semaphore, #tpu.memory_space<semaphore_mem>>) src(%arg14 : memref<128x128xf32, #tpu.memory_space<vmem>>) dst(%dma_wait3A_183 : memref<10240x128xf32, #tpu.memory_space<vmem_shared>>)
      tpu.yield
    }) : () -> ()
    %run_scoped3A_90 = arith.constant 4 : i32
    "tpu.region"() ({
      %run_scoped3A_173 = tpu.sem_alloc : memref<!tpu.dma_semaphore, #tpu.memory_space<semaphore_mem>>
      %dma_start3A = arith.constant 0 : i32
      %dma_start3A_174 = tpu.memref_slice %arg13[%run_scoped3A_90, %dma_start3A] : memref<5x128xi32, #tpu.memory_space<vmem>> -> memref<1x128xi32, #tpu.memory_space<vmem>>
      %dma_start3A_175 = tpu.memref_squeeze %dma_start3A_174 : memref<1x128xi32, #tpu.memory_space<vmem>> -> memref<128xi32, #tpu.memory_space<vmem>>
      %dma_start3A_176 = arith.constant 0 : i32
      %dma_start3A_177 = arith.constant 0 : i32
      %dma_start3A_178 = tpu.memref_slice %arg20[%dma_start3A_176, %dma_start3A_177] : memref<10240x128xf32, #tpu.memory_space<vmem_shared>> -> memref<10240x128xf32, #tpu.memory_space<vmem_shared>>
      tpu.enqueue_indirect_dma source(%arg14 : memref<128x128xf32, #tpu.memory_space<vmem>>) target(%dma_start3A_178 : memref<10240x128xf32, #tpu.memory_space<vmem_shared>>) offsets(%dma_start3A_175 : memref<128xi32, #tpu.memory_space<vmem>>) semaphore(%run_scoped3A_173 : memref<!tpu.dma_semaphore, #tpu.memory_space<semaphore_mem>>)
      %dma_wait3A = arith.constant 0 : i32
      %dma_wait3A_179 = tpu.memref_slice %arg13[%run_scoped3A_90, %dma_wait3A] : memref<5x128xi32, #tpu.memory_space<vmem>> -> memref<1x128xi32, #tpu.memory_space<vmem>>
      %dma_wait3A_180 = tpu.memref_squeeze %dma_wait3A_179 : memref<1x128xi32, #tpu.memory_space<vmem>> -> memref<128xi32, #tpu.memory_space<vmem>>
      %dma_wait3A_181 = arith.constant 0 : i32
      %dma_wait3A_182 = arith.constant 0 : i32
      %dma_wait3A_183 = tpu.memref_slice %arg20[%dma_wait3A_181, %dma_wait3A_182] : memref<10240x128xf32, #tpu.memory_space<vmem_shared>> -> memref<10240x128xf32, #tpu.memory_space<vmem_shared>>
      tpu.wait_indirect_dma semaphore(%run_scoped3A_173 : memref<!tpu.dma_semaphore, #tpu.memory_space<semaphore_mem>>) src(%arg14 : memref<128x128xf32, #tpu.memory_space<vmem>>) dst(%dma_wait3A_183 : memref<10240x128xf32, #tpu.memory_space<vmem_shared>>)
      tpu.yield
    }) : () -> ()
    %scan3A_91 = arith.constant 0 : i32
    %scan3A_92 = arith.constant 128 : i32
    %scan3A_93 = arith.addi %scan3A_91, %scan3A_92 : i32
    %scan3A_94 = arith.constant 1 : i32
    scf.for %scan3A_173 = %scan3A_91 to %scan3A_93 step %scan3A_94  : i32 {
      %mul3A_174 = arith.constant 1 : i32
      %mul3A_175 = arith.muli %scan3A_173, %mul3A_174 : i32
      %add3A_176 = arith.constant 0 : i32
      %add3A_177 = arith.addi %add3A_176, %mul3A_175 : i32
      %broadcast_in_dim3A = arith.constant 1.000000e+00 : f32
      %broadcast_in_dim3A_178 = vector.broadcast %broadcast_in_dim3A : f32 to vector<16xf32>
      %swap3A = arith.index_cast %add3A_177 : i32 to index
      %swap3A_179 = arith.constant 0 : index
      %swap3A_180 = tpu.vector_load %arg14[%swap3A, %swap3A_179] {strides = array<i32>} : memref<128x128xf32, #tpu.memory_space<vmem>>, vector<1x16xf32>,
      %swap3A_181 = vector.shape_cast %swap3A_180 : vector<1x16xf32> to vector<16xf32>
      %swap3A_182 = vector.shape_cast %broadcast_in_dim3A_178 : vector<16xf32> to vector<1x16xf32>
      tpu.vector_store %arg14[%swap3A, %swap3A_179], %swap3A_182 {strides = array<i32>} : memref<128x128xf32, #tpu.memory_space<vmem>>, vector<1x16xf32>,
      %broadcast_in_dim3A_183 = arith.constant 1.000000e+00 : f32
      %broadcast_in_dim3A_184 = vector.broadcast %broadcast_in_dim3A_183 : f32 to vector<16xf32>
      %swap3A_185 = arith.index_cast %add3A_177 : i32 to index
      %swap3A_186 = arith.constant 16 : index
      %swap3A_187 = tpu.vector_load %arg14[%swap3A_185, %swap3A_186] {strides = array<i32>} : memref<128x128xf32, #tpu.memory_space<vmem>>, vector<1x16xf32>,
      %swap3A_188 = vector.shape_cast %swap3A_187 : vector<1x16xf32> to vector<16xf32>
      %swap3A_189 = vector.shape_cast %broadcast_in_dim3A_184 : vector<16xf32> to vector<1x16xf32>
      tpu.vector_store %arg14[%swap3A_185, %swap3A_186], %swap3A_189 {strides = array<i32>} : memref<128x128xf32, #tpu.memory_space<vmem>>, vector<1x16xf32>,
      %broadcast_in_dim3A_190 = arith.constant 1.000000e+00 : f32
      %broadcast_in_dim3A_191 = vector.broadcast %broadcast_in_dim3A_190 : f32 to vector<16xf32>
      %swap3A_192 = arith.index_cast %add3A_177 : i32 to index
      %swap3A_193 = arith.constant 32 : index
      %swap3A_194 = tpu.vector_load %arg14[%swap3A_192, %swap3A_193] {strides = array<i32>} : memref<128x128xf32, #tpu.memory_space<vmem>>, vector<1x16xf32>,
      %swap3A_195 = vector.shape_cast %swap3A_194 : vector<1x16xf32> to vector<16xf32>
      %swap3A_196 = vector.shape_cast %broadcast_in_dim3A_191 : vector<16xf32> to vector<1x16xf32>
      tpu.vector_store %arg14[%swap3A_192, %swap3A_193], %swap3A_196 {strides = array<i32>} : memref<128x128xf32, #tpu.memory_space<vmem>>, vector<1x16xf32>,
      %broadcast_in_dim3A_197 = arith.constant 1.000000e+00 : f32
      %broadcast_in_dim3A_198 = vector.broadcast %broadcast_in_dim3A_197 : f32 to vector<16xf32>
      %swap3A_199 = arith.index_cast %add3A_177 : i32 to index
      %swap3A_200 = arith.constant 48 : index
      %swap3A_201 = tpu.vector_load %arg14[%swap3A_199, %swap3A_200] {strides = array<i32>} : memref<128x128xf32, #tpu.memory_space<vmem>>, vector<1x16xf32>,
      %swap3A_202 = vector.shape_cast %swap3A_201 : vector<1x16xf32> to vector<16xf32>
      %swap3A_203 = vector.shape_cast %broadcast_in_dim3A_198 : vector<16xf32> to vector<1x16xf32>
      tpu.vector_store %arg14[%swap3A_199, %swap3A_200], %swap3A_203 {strides = array<i32>} : memref<128x128xf32, #tpu.memory_space<vmem>>, vector<1x16xf32>,
      %broadcast_in_dim3A_204 = arith.constant 1.000000e+00 : f32
      %broadcast_in_dim3A_205 = vector.broadcast %broadcast_in_dim3A_204 : f32 to vector<16xf32>
      %swap3A_206 = arith.index_cast %add3A_177 : i32 to index
      %swap3A_207 = arith.constant 64 : index
      %swap3A_208 = tpu.vector_load %arg14[%swap3A_206, %swap3A_207] {strides = array<i32>} : memref<128x128xf32, #tpu.memory_space<vmem>>, vector<1x16xf32>,
      %swap3A_209 = vector.shape_cast %swap3A_208 : vector<1x16xf32> to vector<16xf32>
      %swap3A_210 = vector.shape_cast %broadcast_in_dim3A_205 : vector<16xf32> to vector<1x16xf32>
      tpu.vector_store %arg14[%swap3A_206, %swap3A_207], %swap3A_210 {strides = array<i32>} : memref<128x128xf32, #tpu.memory_space<vmem>>, vector<1x16xf32>,
      %broadcast_in_dim3A_211 = arith.constant 1.000000e+00 : f32
      %broadcast_in_dim3A_212 = vector.broadcast %broadcast_in_dim3A_211 : f32 to vector<16xf32>
      %swap3A_213 = arith.index_cast %add3A_177 : i32 to index
      %swap3A_214 = arith.constant 80 : index
      %swap3A_215 = tpu.vector_load %arg14[%swap3A_213, %swap3A_214] {strides = array<i32>} : memref<128x128xf32, #tpu.memory_space<vmem>>, vector<1x16xf32>,
      %swap3A_216 = vector.shape_cast %swap3A_215 : vector<1x16xf32> to vector<16xf32>
      %swap3A_217 = vector.shape_cast %broadcast_in_dim3A_212 : vector<16xf32> to vector<1x16xf32>
      tpu.vector_store %arg14[%swap3A_213, %swap3A_214], %swap3A_217 {strides = array<i32>} : memref<128x128xf32, #tpu.memory_space<vmem>>, vector<1x16xf32>,
      %broadcast_in_dim3A_218 = arith.constant 1.000000e+00 : f32
      %broadcast_in_dim3A_219 = vector.broadcast %broadcast_in_dim3A_218 : f32 to vector<16xf32>
      %swap3A_220 = arith.index_cast %add3A_177 : i32 to index
      %swap3A_221 = arith.constant 96 : index
      %swap3A_222 = tpu.vector_load %arg14[%swap3A_220, %swap3A_221] {strides = array<i32>} : memref<128x128xf32, #tpu.memory_space<vmem>>, vector<1x16xf32>,
      %swap3A_223 = vector.shape_cast %swap3A_222 : vector<1x16xf32> to vector<16xf32>
      %swap3A_224 = vector.shape_cast %broadcast_in_dim3A_219 : vector<16xf32> to vector<1x16xf32>
      tpu.vector_store %arg14[%swap3A_220, %swap3A_221], %swap3A_224 {strides = array<i32>} : memref<128x128xf32, #tpu.memory_space<vmem>>, vector<1x16xf32>,
      %broadcast_in_dim3A_225 = arith.constant 1.000000e+00 : f32
      %broadcast_in_dim3A_226 = vector.broadcast %broadcast_in_dim3A_225 : f32 to vector<16xf32>
      %swap3A_227 = arith.index_cast %add3A_177 : i32 to index
      %swap3A_228 = arith.constant 112 : index
      %swap3A_229 = tpu.vector_load %arg14[%swap3A_227, %swap3A_228] {strides = array<i32>} : memref<128x128xf32, #tpu.memory_space<vmem>>, vector<1x16xf32>,
      %swap3A_230 = vector.shape_cast %swap3A_229 : vector<1x16xf32> to vector<16xf32>
      %swap3A_231 = vector.shape_cast %broadcast_in_dim3A_226 : vector<16xf32> to vector<1x16xf32>
      tpu.vector_store %arg14[%swap3A_227, %swap3A_228], %swap3A_231 {strides = array<i32>} : memref<128x128xf32, #tpu.memory_space<vmem>>, vector<1x16xf32>,
    }
    %scan3A_95 = arith.constant 128 : i32
    %barrier3A_96 = arith.constant 0 : index
    tpu.barrier barrier_id(%barrier3A_96)
    %scan3A_97 = arith.constant 0 : i32
    %scan3A_98 = arith.constant 5 : i32
    %scan3A_99 = arith.addi %scan3A_97, %scan3A_98 : i32
    %scan3A_100 = arith.constant 1 : i32
    scf.for %scan3A_173 = %scan3A_97 to %scan3A_99 step %scan3A_100  : i32 {
      %mul3A_174 = arith.constant 1 : i32
      %mul3A_175 = arith.muli %scan3A_173, %mul3A_174 : i32
      %add3A_176 = arith.constant 0 : i32
      %add3A_177 = arith.addi %add3A_176, %mul3A_175 : i32
      %mul3A_178 = arith.constant 5 : i32
      %mul3A_179 = arith.muli %arg0, %mul3A_178 : i32
      %add3A_180 = arith.addi %mul3A_179, %add3A_177 : i32
      "tpu.region"() ({
        %run_scoped3A_291 = tpu.sem_alloc : memref<!tpu.dma_semaphore, #tpu.memory_space<semaphore_mem>>
        %dma_start3A_292 = arith.constant 0 : i32
        %dma_start3A_293 = arith.constant 0 : i32
        %dma_start3A_294 = tpu.memref_slice %arg5[%arg1, %add3A_180, %dma_start3A_292, %dma_start3A_293] : memref<16x10x8x128xi32, #tpu.memory_space<hbm>> -> memref<1x1x8x128xi32, #tpu.memory_space<hbm>>
        %dma_start3A_295 = tpu.memref_squeeze %dma_start3A_294 : memref<1x1x8x128xi32, #tpu.memory_space<hbm>> -> memref<8x128xi32, #tpu.memory_space<hbm>>
        %dma_start3A_296 = arith.constant 0 : i32
        %dma_start3A_297 = arith.constant 0 : i32
        %dma_start3A_298 = tpu.memref_slice %arg5[%arg1, %add3A_180, %dma_start3A_296, %dma_start3A_297] : memref<16x10x8x128xi32, #tpu.memory_space<hbm>> -> memref<1x1x8x128xi32, #tpu.memory_space<hbm>>
        %dma_start3A_299 = tpu.memref_squeeze %dma_start3A_298 : memref<1x1x8x128xi32, #tpu.memory_space<hbm>> -> memref<8x128xi32, #tpu.memory_space<hbm>>
        tpu.enqueue_dma source(%dma_start3A_299 : memref<8x128xi32, #tpu.memory_space<hbm>>) target(%arg12 : memref<8x128xi32, #tpu.memory_space<vmem>>) target_semaphore(%run_scoped3A_291 : memref<!tpu.dma_semaphore, #tpu.memory_space<semaphore_mem>>)
        %dma_wait3A_300 = arith.constant 0 : i32
        %dma_wait3A_301 = arith.constant 0 : i32
        %dma_wait3A_302 = tpu.memref_slice %arg5[%arg1, %add3A_180, %dma_wait3A_300, %dma_wait3A_301] : memref<16x10x8x128xi32, #tpu.memory_space<hbm>> -> memref<1x1x8x128xi32, #tpu.memory_space<hbm>>
        %dma_wait3A_303 = tpu.memref_squeeze %dma_wait3A_302 : memref<1x1x8x128xi32, #tpu.memory_space<hbm>> -> memref<8x128xi32, #tpu.memory_space<hbm>>
        %dma_wait3A_304 = arith.constant 0 : i32
        %dma_wait3A_305 = arith.constant 0 : i32
        %dma_wait3A_306 = tpu.memref_slice %arg5[%arg1, %add3A_180, %dma_wait3A_304, %dma_wait3A_305] : memref<16x10x8x128xi32, #tpu.memory_space<hbm>> -> memref<1x1x8x128xi32, #tpu.memory_space<hbm>>
        %dma_wait3A_307 = tpu.memref_squeeze %dma_wait3A_306 : memref<1x1x8x128xi32, #tpu.memory_space<hbm>> -> memref<8x128xi32, #tpu.memory_space<hbm>>
        tpu.wait_dma2 semaphore(%run_scoped3A_291 : memref<!tpu.dma_semaphore, #tpu.memory_space<semaphore_mem>>) src(%dma_wait3A_307 : memref<8x128xi32, #tpu.memory_space<hbm>>) dst(%arg12 : memref<8x128xi32, #tpu.memory_space<vmem>>)
        tpu.yield
      }) : () -> ()
      %dma_start3A = arith.constant 0 : i32
      %dma_start3A_181 = arith.constant 0 : i32
      %dma_start3A_182 = tpu.memref_slice %arg12[%dma_start3A, %dma_start3A_181] : memref<8x128xi32, #tpu.memory_space<vmem>> -> memref<1x128xi32, #tpu.memory_space<vmem>>
      %dma_start3A_183 = tpu.memref_squeeze %dma_start3A_182 : memref<1x128xi32, #tpu.memory_space<vmem>> -> memref<128xi32, #tpu.memory_space<vmem>>
      %dma_start3A_184 = arith.constant 0 : i32
      %dma_start3A_185 = arith.constant 0 : i32
      %dma_start3A_186 = tpu.memref_slice %arg20[%dma_start3A_184, %dma_start3A_185] : memref<10240x128xf32, #tpu.memory_space<vmem_shared>> -> memref<10240x128xf32, #tpu.memory_space<vmem_shared>>
      tpu.enqueue_indirect_dma source(%arg14 : memref<128x128xf32, #tpu.memory_space<vmem>>) target(%dma_start3A_186 : memref<10240x128xf32, #tpu.memory_space<vmem_shared>>) offsets(%dma_start3A_183 : memref<128xi32, #tpu.memory_space<vmem>>) semaphore(%arg18 : memref<!tpu.dma_semaphore, #tpu.memory_space<semaphore_mem>>) {add = true}
      %dma_start3A_187 = arith.constant 1 : i32
      %dma_start3A_188 = arith.constant 0 : i32
      %dma_start3A_189 = tpu.memref_slice %arg12[%dma_start3A_187, %dma_start3A_188] : memref<8x128xi32, #tpu.memory_space<vmem>> -> memref<1x128xi32, #tpu.memory_space<vmem>>
      %dma_start3A_190 = tpu.memref_squeeze %dma_start3A_189 : memref<1x128xi32, #tpu.memory_space<vmem>> -> memref<128xi32, #tpu.memory_space<vmem>>
      %dma_start3A_191 = arith.constant 0 : i32
      %dma_start3A_192 = arith.constant 0 : i32
      %dma_start3A_193 = tpu.memref_slice %arg20[%dma_start3A_191, %dma_start3A_192] : memref<10240x128xf32, #tpu.memory_space<vmem_shared>> -> memref<10240x128xf32, #tpu.memory_space<vmem_shared>>
      tpu.enqueue_indirect_dma source(%arg14 : memref<128x128xf32, #tpu.memory_space<vmem>>) target(%dma_start3A_193 : memref<10240x128xf32, #tpu.memory_space<vmem_shared>>) offsets(%dma_start3A_190 : memref<128xi32, #tpu.memory_space<vmem>>) semaphore(%arg19 : memref<!tpu.dma_semaphore, #tpu.memory_space<semaphore_mem>>) {add = true}
      %dma_start3A_194 = arith.constant 2 : i32
      %dma_start3A_195 = arith.constant 0 : i32
      %dma_start3A_196 = tpu.memref_slice %arg12[%dma_start3A_194, %dma_start3A_195] : memref<8x128xi32, #tpu.memory_space<vmem>> -> memref<1x128xi32, #tpu.memory_space<vmem>>
      %dma_start3A_197 = tpu.memref_squeeze %dma_start3A_196 : memref<1x128xi32, #tpu.memory_space<vmem>> -> memref<128xi32, #tpu.memory_space<vmem>>
      %dma_start3A_198 = arith.constant 0 : i32
      %dma_start3A_199 = arith.constant 0 : i32
      %dma_start3A_200 = tpu.memref_slice %arg20[%dma_start3A_198, %dma_start3A_199] : memref<10240x128xf32, #tpu.memory_space<vmem_shared>> -> memref<10240x128xf32, #tpu.memory_space<vmem_shared>>
      tpu.enqueue_indirect_dma source(%arg14 : memref<128x128xf32, #tpu.memory_space<vmem>>) target(%dma_start3A_200 : memref<10240x128xf32, #tpu.memory_space<vmem_shared>>) offsets(%dma_start3A_197 : memref<128xi32, #tpu.memory_space<vmem>>) semaphore(%arg18 : memref<!tpu.dma_semaphore, #tpu.memory_space<semaphore_mem>>) {add = true}
      %dma_start3A_201 = arith.constant 3 : i32
      %dma_start3A_202 = arith.constant 0 : i32
      %dma_start3A_203 = tpu.memref_slice %arg12[%dma_start3A_201, %dma_start3A_202] : memref<8x128xi32, #tpu.memory_space<vmem>> -> memref<1x128xi32, #tpu.memory_space<vmem>>
      %dma_start3A_204 = tpu.memref_squeeze %dma_start3A_203 : memref<1x128xi32, #tpu.memory_space<vmem>> -> memref<128xi32, #tpu.memory_space<vmem>>
      %dma_start3A_205 = arith.constant 0 : i32
      %dma_start3A_206 = arith.constant 0 : i32
      %dma_start3A_207 = tpu.memref_slice %arg20[%dma_start3A_205, %dma_start3A_206] : memref<10240x128xf32, #tpu.memory_space<vmem_shared>> -> memref<10240x128xf32, #tpu.memory_space<vmem_shared>>
      tpu.enqueue_indirect_dma source(%arg14 : memref<128x128xf32, #tpu.memory_space<vmem>>) target(%dma_start3A_207 : memref<10240x128xf32, #tpu.memory_space<vmem_shared>>) offsets(%dma_start3A_204 : memref<128xi32, #tpu.memory_space<vmem>>) semaphore(%arg19 : memref<!tpu.dma_semaphore, #tpu.memory_space<semaphore_mem>>) {add = true}
      %dma_start3A_208 = arith.constant 4 : i32
      %dma_start3A_209 = arith.constant 0 : i32
      %dma_start3A_210 = tpu.memref_slice %arg12[%dma_start3A_208, %dma_start3A_209] : memref<8x128xi32, #tpu.memory_space<vmem>> -> memref<1x128xi32, #tpu.memory_space<vmem>>
      %dma_start3A_211 = tpu.memref_squeeze %dma_start3A_210 : memref<1x128xi32, #tpu.memory_space<vmem>> -> memref<128xi32, #tpu.memory_space<vmem>>
      %dma_start3A_212 = arith.constant 0 : i32
      %dma_start3A_213 = arith.constant 0 : i32
      %dma_start3A_214 = tpu.memref_slice %arg20[%dma_start3A_212, %dma_start3A_213] : memref<10240x128xf32, #tpu.memory_space<vmem_shared>> -> memref<10240x128xf32, #tpu.memory_space<vmem_shared>>
      tpu.enqueue_indirect_dma source(%arg14 : memref<128x128xf32, #tpu.memory_space<vmem>>) target(%dma_start3A_214 : memref<10240x128xf32, #tpu.memory_space<vmem_shared>>) offsets(%dma_start3A_211 : memref<128xi32, #tpu.memory_space<vmem>>) semaphore(%arg18 : memref<!tpu.dma_semaphore, #tpu.memory_space<semaphore_mem>>) {add = true}
      %dma_start3A_215 = arith.constant 5 : i32
      %dma_start3A_216 = arith.constant 0 : i32
      %dma_start3A_217 = tpu.memref_slice %arg12[%dma_start3A_215, %dma_start3A_216] : memref<8x128xi32, #tpu.memory_space<vmem>> -> memref<1x128xi32, #tpu.memory_space<vmem>>
      %dma_start3A_218 = tpu.memref_squeeze %dma_start3A_217 : memref<1x128xi32, #tpu.memory_space<vmem>> -> memref<128xi32, #tpu.memory_space<vmem>>
      %dma_start3A_219 = arith.constant 0 : i32
      %dma_start3A_220 = arith.constant 0 : i32
      %dma_start3A_221 = tpu.memref_slice %arg20[%dma_start3A_219, %dma_start3A_220] : memref<10240x128xf32, #tpu.memory_space<vmem_shared>> -> memref<10240x128xf32, #tpu.memory_space<vmem_shared>>
      tpu.enqueue_indirect_dma source(%arg14 : memref<128x128xf32, #tpu.memory_space<vmem>>) target(%dma_start3A_221 : memref<10240x128xf32, #tpu.memory_space<vmem_shared>>) offsets(%dma_start3A_218 : memref<128xi32, #tpu.memory_space<vmem>>) semaphore(%arg19 : memref<!tpu.dma_semaphore, #tpu.memory_space<semaphore_mem>>) {add = true}
      %dma_start3A_222 = arith.constant 6 : i32
      %dma_start3A_223 = arith.constant 0 : i32
      %dma_start3A_224 = tpu.memref_slice %arg12[%dma_start3A_222, %dma_start3A_223] : memref<8x128xi32, #tpu.memory_space<vmem>> -> memref<1x128xi32, #tpu.memory_space<vmem>>
      %dma_start3A_225 = tpu.memref_squeeze %dma_start3A_224 : memref<1x128xi32, #tpu.memory_space<vmem>> -> memref<128xi32, #tpu.memory_space<vmem>>
      %dma_start3A_226 = arith.constant 0 : i32
      %dma_start3A_227 = arith.constant 0 : i32
      %dma_start3A_228 = tpu.memref_slice %arg20[%dma_start3A_226, %dma_start3A_227] : memref<10240x128xf32, #tpu.memory_space<vmem_shared>> -> memref<10240x128xf32, #tpu.memory_space<vmem_shared>>
      tpu.enqueue_indirect_dma source(%arg14 : memref<128x128xf32, #tpu.memory_space<vmem>>) target(%dma_start3A_228 : memref<10240x128xf32, #tpu.memory_space<vmem_shared>>) offsets(%dma_start3A_225 : memref<128xi32, #tpu.memory_space<vmem>>) semaphore(%arg18 : memref<!tpu.dma_semaphore, #tpu.memory_space<semaphore_mem>>) {add = true}
      %dma_start3A_229 = arith.constant 7 : i32
      %dma_start3A_230 = arith.constant 0 : i32
      %dma_start3A_231 = tpu.memref_slice %arg12[%dma_start3A_229, %dma_start3A_230] : memref<8x128xi32, #tpu.memory_space<vmem>> -> memref<1x128xi32, #tpu.memory_space<vmem>>
      %dma_start3A_232 = tpu.memref_squeeze %dma_start3A_231 : memref<1x128xi32, #tpu.memory_space<vmem>> -> memref<128xi32, #tpu.memory_space<vmem>>
      %dma_start3A_233 = arith.constant 0 : i32
      %dma_start3A_234 = arith.constant 0 : i32
      %dma_start3A_235 = tpu.memref_slice %arg20[%dma_start3A_233, %dma_start3A_234] : memref<10240x128xf32, #tpu.memory_space<vmem_shared>> -> memref<10240x128xf32, #tpu.memory_space<vmem_shared>>
      tpu.enqueue_indirect_dma source(%arg14 : memref<128x128xf32, #tpu.memory_space<vmem>>) target(%dma_start3A_235 : memref<10240x128xf32, #tpu.memory_space<vmem_shared>>) offsets(%dma_start3A_232 : memref<128xi32, #tpu.memory_space<vmem>>) semaphore(%arg19 : memref<!tpu.dma_semaphore, #tpu.memory_space<semaphore_mem>>) {add = true}
      %dma_wait3A = arith.constant 0 : i32
      %dma_wait3A_236 = arith.constant 0 : i32
      %dma_wait3A_237 = tpu.memref_slice %arg12[%dma_wait3A, %dma_wait3A_236] : memref<8x128xi32, #tpu.memory_space<vmem>> -> memref<1x128xi32, #tpu.memory_space<vmem>>
      %dma_wait3A_238 = tpu.memref_squeeze %dma_wait3A_237 : memref<1x128xi32, #tpu.memory_space<vmem>> -> memref<128xi32, #tpu.memory_space<vmem>>
      %dma_wait3A_239 = arith.constant 0 : i32
      %dma_wait3A_240 = arith.constant 0 : i32
      %dma_wait3A_241 = tpu.memref_slice %arg20[%dma_wait3A_239, %dma_wait3A_240] : memref<10240x128xf32, #tpu.memory_space<vmem_shared>> -> memref<10240x128xf32, #tpu.memory_space<vmem_shared>>
      tpu.wait_indirect_dma semaphore(%arg18 : memref<!tpu.dma_semaphore, #tpu.memory_space<semaphore_mem>>) src(%arg14 : memref<128x128xf32, #tpu.memory_space<vmem>>) dst(%dma_wait3A_241 : memref<10240x128xf32, #tpu.memory_space<vmem_shared>>)
      %dma_wait3A_242 = arith.constant 1 : i32
      %dma_wait3A_243 = arith.constant 0 : i32
      %dma_wait3A_244 = tpu.memref_slice %arg12[%dma_wait3A_242, %dma_wait3A_243] : memref<8x128xi32, #tpu.memory_space<vmem>> -> memref<1x128xi32, #tpu.memory_space<vmem>>
      %dma_wait3A_245 = tpu.memref_squeeze %dma_wait3A_244 : memref<1x128xi32, #tpu.memory_space<vmem>> -> memref<128xi32, #tpu.memory_space<vmem>>
      %dma_wait3A_246 = arith.constant 0 : i32
      %dma_wait3A_247 = arith.constant 0 : i32
      %dma_wait3A_248 = tpu.memref_slice %arg20[%dma_wait3A_246, %dma_wait3A_247] : memref<10240x128xf32, #tpu.memory_space<vmem_shared>> -> memref<10240x128xf32, #tpu.memory_space<vmem_shared>>
      tpu.wait_indirect_dma semaphore(%arg19 : memref<!tpu.dma_semaphore, #tpu.memory_space<semaphore_mem>>) src(%arg14 : memref<128x128xf32, #tpu.memory_space<vmem>>) dst(%dma_wait3A_248 : memref<10240x128xf32, #tpu.memory_space<vmem_shared>>)
      %dma_wait3A_249 = arith.constant 2 : i32
      %dma_wait3A_250 = arith.constant 0 : i32
      %dma_wait3A_251 = tpu.memref_slice %arg12[%dma_wait3A_249, %dma_wait3A_250] : memref<8x128xi32, #tpu.memory_space<vmem>> -> memref<1x128xi32, #tpu.memory_space<vmem>>
      %dma_wait3A_252 = tpu.memref_squeeze %dma_wait3A_251 : memref<1x128xi32, #tpu.memory_space<vmem>> -> memref<128xi32, #tpu.memory_space<vmem>>
      %dma_wait3A_253 = arith.constant 0 : i32
      %dma_wait3A_254 = arith.constant 0 : i32
      %dma_wait3A_255 = tpu.memref_slice %arg20[%dma_wait3A_253, %dma_wait3A_254] : memref<10240x128xf32, #tpu.memory_space<vmem_shared>> -> memref<10240x128xf32, #tpu.memory_space<vmem_shared>>
      tpu.wait_indirect_dma semaphore(%arg18 : memref<!tpu.dma_semaphore, #tpu.memory_space<semaphore_mem>>) src(%arg14 : memref<128x128xf32, #tpu.memory_space<vmem>>) dst(%dma_wait3A_255 : memref<10240x128xf32, #tpu.memory_space<vmem_shared>>)
      %dma_wait3A_256 = arith.constant 3 : i32
      %dma_wait3A_257 = arith.constant 0 : i32
      %dma_wait3A_258 = tpu.memref_slice %arg12[%dma_wait3A_256, %dma_wait3A_257] : memref<8x128xi32, #tpu.memory_space<vmem>> -> memref<1x128xi32, #tpu.memory_space<vmem>>
      %dma_wait3A_259 = tpu.memref_squeeze %dma_wait3A_258 : memref<1x128xi32, #tpu.memory_space<vmem>> -> memref<128xi32, #tpu.memory_space<vmem>>
      %dma_wait3A_260 = arith.constant 0 : i32
      %dma_wait3A_261 = arith.constant 0 : i32
      %dma_wait3A_262 = tpu.memref_slice %arg20[%dma_wait3A_260, %dma_wait3A_261] : memref<10240x128xf32, #tpu.memory_space<vmem_shared>> -> memref<10240x128xf32, #tpu.memory_space<vmem_shared>>
      tpu.wait_indirect_dma semaphore(%arg19 : memref<!tpu.dma_semaphore, #tpu.memory_space<semaphore_mem>>) src(%arg14 : memref<128x128xf32, #tpu.memory_space<vmem>>) dst(%dma_wait3A_262 : memref<10240x128xf32, #tpu.memory_space<vmem_shared>>)
      %dma_wait3A_263 = arith.constant 4 : i32
      %dma_wait3A_264 = arith.constant 0 : i32
      %dma_wait3A_265 = tpu.memref_slice %arg12[%dma_wait3A_263, %dma_wait3A_264] : memref<8x128xi32, #tpu.memory_space<vmem>> -> memref<1x128xi32, #tpu.memory_space<vmem>>
      %dma_wait3A_266 = tpu.memref_squeeze %dma_wait3A_265 : memref<1x128xi32, #tpu.memory_space<vmem>> -> memref<128xi32, #tpu.memory_space<vmem>>
      %dma_wait3A_267 = arith.constant 0 : i32
      %dma_wait3A_268 = arith.constant 0 : i32
      %dma_wait3A_269 = tpu.memref_slice %arg20[%dma_wait3A_267, %dma_wait3A_268] : memref<10240x128xf32, #tpu.memory_space<vmem_shared>> -> memref<10240x128xf32, #tpu.memory_space<vmem_shared>>
      tpu.wait_indirect_dma semaphore(%arg18 : memref<!tpu.dma_semaphore, #tpu.memory_space<semaphore_mem>>) src(%arg14 : memref<128x128xf32, #tpu.memory_space<vmem>>) dst(%dma_wait3A_269 : memref<10240x128xf32, #tpu.memory_space<vmem_shared>>)
      %dma_wait3A_270 = arith.constant 5 : i32
      %dma_wait3A_271 = arith.constant 0 : i32
      %dma_wait3A_272 = tpu.memref_slice %arg12[%dma_wait3A_270, %dma_wait3A_271] : memref<8x128xi32, #tpu.memory_space<vmem>> -> memref<1x128xi32, #tpu.memory_space<vmem>>
      %dma_wait3A_273 = tpu.memref_squeeze %dma_wait3A_272 : memref<1x128xi32, #tpu.memory_space<vmem>> -> memref<128xi32, #tpu.memory_space<vmem>>
      %dma_wait3A_274 = arith.constant 0 : i32
      %dma_wait3A_275 = arith.constant 0 : i32
      %dma_wait3A_276 = tpu.memref_slice %arg20[%dma_wait3A_274, %dma_wait3A_275] : memref<10240x128xf32, #tpu.memory_space<vmem_shared>> -> memref<10240x128xf32, #tpu.memory_space<vmem_shared>>
      tpu.wait_indirect_dma semaphore(%arg19 : memref<!tpu.dma_semaphore, #tpu.memory_space<semaphore_mem>>) src(%arg14 : memref<128x128xf32, #tpu.memory_space<vmem>>) dst(%dma_wait3A_276 : memref<10240x128xf32, #tpu.memory_space<vmem_shared>>)
      %dma_wait3A_277 = arith.constant 6 : i32
      %dma_wait3A_278 = arith.constant 0 : i32
      %dma_wait3A_279 = tpu.memref_slice %arg12[%dma_wait3A_277, %dma_wait3A_278] : memref<8x128xi32, #tpu.memory_space<vmem>> -> memref<1x128xi32, #tpu.memory_space<vmem>>
      %dma_wait3A_280 = tpu.memref_squeeze %dma_wait3A_279 : memref<1x128xi32, #tpu.memory_space<vmem>> -> memref<128xi32, #tpu.memory_space<vmem>>
      %dma_wait3A_281 = arith.constant 0 : i32
      %dma_wait3A_282 = arith.constant 0 : i32
      %dma_wait3A_283 = tpu.memref_slice %arg20[%dma_wait3A_281, %dma_wait3A_282] : memref<10240x128xf32, #tpu.memory_space<vmem_shared>> -> memref<10240x128xf32, #tpu.memory_space<vmem_shared>>
      tpu.wait_indirect_dma semaphore(%arg18 : memref<!tpu.dma_semaphore, #tpu.memory_space<semaphore_mem>>) src(%arg14 : memref<128x128xf32, #tpu.memory_space<vmem>>) dst(%dma_wait3A_283 : memref<10240x128xf32, #tpu.memory_space<vmem_shared>>)
      %dma_wait3A_284 = arith.constant 7 : i32
      %dma_wait3A_285 = arith.constant 0 : i32
      %dma_wait3A_286 = tpu.memref_slice %arg12[%dma_wait3A_284, %dma_wait3A_285] : memref<8x128xi32, #tpu.memory_space<vmem>> -> memref<1x128xi32, #tpu.memory_space<vmem>>
      %dma_wait3A_287 = tpu.memref_squeeze %dma_wait3A_286 : memref<1x128xi32, #tpu.memory_space<vmem>> -> memref<128xi32, #tpu.memory_space<vmem>>
      %dma_wait3A_288 = arith.constant 0 : i32
      %dma_wait3A_289 = arith.constant 0 : i32
      %dma_wait3A_290 = tpu.memref_slice %arg20[%dma_wait3A_288, %dma_wait3A_289] : memref<10240x128xf32, #tpu.memory_space<vmem_shared>> -> memref<10240x128xf32, #tpu.memory_space<vmem_shared>>
      tpu.wait_indirect_dma semaphore(%arg19 : memref<!tpu.dma_semaphore, #tpu.memory_space<semaphore_mem>>) src(%arg14 : memref<128x128xf32, #tpu.memory_space<vmem>>) dst(%dma_wait3A_290 : memref<10240x128xf32, #tpu.memory_space<vmem_shared>>)
    }
    %scan3A_101 = arith.constant 5 : i32
    %barrier3A_102 = arith.constant 0 : index
    tpu.barrier barrier_id(%barrier3A_102)
    %add3A_103 = arith.constant 0 : i32
    %add3A_104 = arith.addi %mul3A_0, %add3A_103 : i32
    %multiple_of3A_105 = tpu.assume_multiple %add3A_104, 128 : i32
    %run_scoped3A_106 = arith.constant 0 : i32
    "tpu.region"() ({
      %run_scoped3A_173 = tpu.sem_alloc : memref<!tpu.dma_semaphore, #tpu.memory_space<semaphore_mem>>
      %dma_start3A = arith.constant 0 : i32
      %dma_start3A_174 = tpu.memref_slice %arg13[%run_scoped3A_106, %dma_start3A] : memref<5x128xi32, #tpu.memory_space<vmem>> -> memref<1x128xi32, #tpu.memory_space<vmem>>
      %dma_start3A_175 = tpu.memref_squeeze %dma_start3A_174 : memref<1x128xi32, #tpu.memory_space<vmem>> -> memref<128xi32, #tpu.memory_space<vmem>>
      %dma_start3A_176 = arith.constant 0 : i32
      %dma_start3A_177 = arith.constant 0 : i32
      %dma_start3A_178 = tpu.memref_slice %arg20[%dma_start3A_176, %dma_start3A_177] : memref<10240x128xf32, #tpu.memory_space<vmem_shared>> -> memref<10240x128xf32, #tpu.memory_space<vmem_shared>>
      tpu.enqueue_indirect_dma source(%dma_start3A_178 : memref<10240x128xf32, #tpu.memory_space<vmem_shared>>) target(%arg15 : memref<128x128xf32, #tpu.memory_space<vmem>>) offsets(%dma_start3A_175 : memref<128xi32, #tpu.memory_space<vmem>>) semaphore(%run_scoped3A_173 : memref<!tpu.dma_semaphore, #tpu.memory_space<semaphore_mem>>)
      %dma_wait3A = arith.constant 0 : i32
      %dma_wait3A_179 = tpu.memref_slice %arg13[%run_scoped3A_106, %dma_wait3A] : memref<5x128xi32, #tpu.memory_space<vmem>> -> memref<1x128xi32, #tpu.memory_space<vmem>>
      %dma_wait3A_180 = tpu.memref_squeeze %dma_wait3A_179 : memref<1x128xi32, #tpu.memory_space<vmem>> -> memref<128xi32, #tpu.memory_space<vmem>>
      %dma_wait3A_181 = arith.constant 0 : i32
      %dma_wait3A_182 = arith.constant 0 : i32
      %dma_wait3A_183 = tpu.memref_slice %arg20[%dma_wait3A_181, %dma_wait3A_182] : memref<10240x128xf32, #tpu.memory_space<vmem_shared>> -> memref<10240x128xf32, #tpu.memory_space<vmem_shared>>
      tpu.wait_indirect_dma semaphore(%run_scoped3A_173 : memref<!tpu.dma_semaphore, #tpu.memory_space<semaphore_mem>>) src(%dma_wait3A_183 : memref<10240x128xf32, #tpu.memory_space<vmem_shared>>) dst(%arg15 : memref<128x128xf32, #tpu.memory_space<vmem>>)
      tpu.yield
    }) : () -> ()
    %eq3A_107 = arith.constant 0 : i32
    %eq3A_108 = arith.cmpi eq, %arg0, %eq3A_107 : i32
    %convert_element_type3A_109 = arith.extui %eq3A_108 : i1 to i32
    %cond3A_110 = arith.constant 0 : i32
    %cond3A_111 = arith.cmpi ne, %convert_element_type3A_109, %cond3A_110 : i32
    scf.if %cond3A_111 {
      "tpu.region"() ({
        %run_scoped3A_173 = tpu.sem_alloc : memref<!tpu.dma_semaphore, #tpu.memory_space<semaphore_mem>>
        %dma_start3A = arith.constant 0 : i32
        %dma_start3A_174 = tpu.memref_slice %arg9[%multiple_of3A_105, %dma_start3A] : memref<10240x128xf32, #tpu.memory_space<hbm>> -> memref<128x128xf32, #tpu.memory_space<hbm>>
        %dma_start3A_175 = arith.constant 0 : i32
        %dma_start3A_176 = tpu.memref_slice %arg9[%multiple_of3A_105, %dma_start3A_175] : memref<10240x128xf32, #tpu.memory_space<hbm>> -> memref<128x128xf32, #tpu.memory_space<hbm>>
        tpu.enqueue_dma source(%arg15 : memref<128x128xf32, #tpu.memory_space<vmem>>) target(%dma_start3A_176 : memref<128x128xf32, #tpu.memory_space<hbm>>) target_semaphore(%run_scoped3A_173 : memref<!tpu.dma_semaphore, #tpu.memory_space<semaphore_mem>>)
        %dma_wait3A = arith.constant 0 : i32
        %dma_wait3A_177 = tpu.memref_slice %arg9[%multiple_of3A_105, %dma_wait3A] : memref<10240x128xf32, #tpu.memory_space<hbm>> -> memref<128x128xf32, #tpu.memory_space<hbm>>
        %dma_wait3A_178 = arith.constant 0 : i32
        %dma_wait3A_179 = tpu.memref_slice %arg9[%multiple_of3A_105, %dma_wait3A_178] : memref<10240x128xf32, #tpu.memory_space<hbm>> -> memref<128x128xf32, #tpu.memory_space<hbm>>
        tpu.wait_dma2 semaphore(%run_scoped3A_173 : memref<!tpu.dma_semaphore, #tpu.memory_space<semaphore_mem>>) src(%arg15 : memref<128x128xf32, #tpu.memory_space<vmem>>) dst(%dma_wait3A_179 : memref<128x128xf32, #tpu.memory_space<hbm>>)
        tpu.yield
      }) : () -> ()
    } else {
    }
    %eq3A_112 = arith.constant 1 : i32
    %eq3A_113 = arith.cmpi eq, %arg0, %eq3A_112 : i32
    %convert_element_type3A_114 = arith.extui %eq3A_113 : i1 to i32
    %cond3A_115 = arith.constant 0 : i32
    %cond3A_116 = arith.cmpi ne, %convert_element_type3A_114, %cond3A_115 : i32
    scf.if %cond3A_116 {
      "tpu.region"() ({
        %run_scoped3A_173 = tpu.sem_alloc : memref<!tpu.dma_semaphore, #tpu.memory_space<semaphore_mem>>
        %dma_start3A = arith.constant 0 : i32
        %dma_start3A_174 = tpu.memref_slice %arg10[%multiple_of3A_105, %dma_start3A] : memref<10240x128xf32, #tpu.memory_space<hbm>> -> memref<128x128xf32, #tpu.memory_space<hbm>>
        %dma_start3A_175 = arith.constant 0 : i32
        %dma_start3A_176 = tpu.memref_slice %arg10[%multiple_of3A_105, %dma_start3A_175] : memref<10240x128xf32, #tpu.memory_space<hbm>> -> memref<128x128xf32, #tpu.memory_space<hbm>>
        tpu.enqueue_dma source(%arg15 : memref<128x128xf32, #tpu.memory_space<vmem>>) target(%dma_start3A_176 : memref<128x128xf32, #tpu.memory_space<hbm>>) target_semaphore(%run_scoped3A_173 : memref<!tpu.dma_semaphore, #tpu.memory_space<semaphore_mem>>)
        %dma_wait3A = arith.constant 0 : i32
        %dma_wait3A_177 = tpu.memref_slice %arg10[%multiple_of3A_105, %dma_wait3A] : memref<10240x128xf32, #tpu.memory_space<hbm>> -> memref<128x128xf32, #tpu.memory_space<hbm>>
        %dma_wait3A_178 = arith.constant 0 : i32
        %dma_wait3A_179 = tpu.memref_slice %arg10[%multiple_of3A_105, %dma_wait3A_178] : memref<10240x128xf32, #tpu.memory_space<hbm>> -> memref<128x128xf32, #tpu.memory_space<hbm>>
        tpu.wait_dma2 semaphore(%run_scoped3A_173 : memref<!tpu.dma_semaphore, #tpu.memory_space<semaphore_mem>>) src(%arg15 : memref<128x128xf32, #tpu.memory_space<vmem>>) dst(%dma_wait3A_179 : memref<128x128xf32, #tpu.memory_space<hbm>>)
        tpu.yield
      }) : () -> ()
    } else {
    }
    %add3A_117 = arith.constant 128 : i32
    %add3A_118 = arith.addi %mul3A_0, %add3A_117 : i32
    %multiple_of3A_119 = tpu.assume_multiple %add3A_118, 128 : i32
    %run_scoped3A_120 = arith.constant 1 : i32
    "tpu.region"() ({
      %run_scoped3A_173 = tpu.sem_alloc : memref<!tpu.dma_semaphore, #tpu.memory_space<semaphore_mem>>
      %dma_start3A = arith.constant 0 : i32
      %dma_start3A_174 = tpu.memref_slice %arg13[%run_scoped3A_120, %dma_start3A] : memref<5x128xi32, #tpu.memory_space<vmem>> -> memref<1x128xi32, #tpu.memory_space<vmem>>
      %dma_start3A_175 = tpu.memref_squeeze %dma_start3A_174 : memref<1x128xi32, #tpu.memory_space<vmem>> -> memref<128xi32, #tpu.memory_space<vmem>>
      %dma_start3A_176 = arith.constant 0 : i32
      %dma_start3A_177 = arith.constant 0 : i32
      %dma_start3A_178 = tpu.memref_slice %arg20[%dma_start3A_176, %dma_start3A_177] : memref<10240x128xf32, #tpu.memory_space<vmem_shared>> -> memref<10240x128xf32, #tpu.memory_space<vmem_shared>>
      tpu.enqueue_indirect_dma source(%dma_start3A_178 : memref<10240x128xf32, #tpu.memory_space<vmem_shared>>) target(%arg15 : memref<128x128xf32, #tpu.memory_space<vmem>>) offsets(%dma_start3A_175 : memref<128xi32, #tpu.memory_space<vmem>>) semaphore(%run_scoped3A_173 : memref<!tpu.dma_semaphore, #tpu.memory_space<semaphore_mem>>)
      %dma_wait3A = arith.constant 0 : i32
      %dma_wait3A_179 = tpu.memref_slice %arg13[%run_scoped3A_120, %dma_wait3A] : memref<5x128xi32, #tpu.memory_space<vmem>> -> memref<1x128xi32, #tpu.memory_space<vmem>>
      %dma_wait3A_180 = tpu.memref_squeeze %dma_wait3A_179 : memref<1x128xi32, #tpu.memory_space<vmem>> -> memref<128xi32, #tpu.memory_space<vmem>>
      %dma_wait3A_181 = arith.constant 0 : i32
      %dma_wait3A_182 = arith.constant 0 : i32
      %dma_wait3A_183 = tpu.memref_slice %arg20[%dma_wait3A_181, %dma_wait3A_182] : memref<10240x128xf32, #tpu.memory_space<vmem_shared>> -> memref<10240x128xf32, #tpu.memory_space<vmem_shared>>
      tpu.wait_indirect_dma semaphore(%run_scoped3A_173 : memref<!tpu.dma_semaphore, #tpu.memory_space<semaphore_mem>>) src(%dma_wait3A_183 : memref<10240x128xf32, #tpu.memory_space<vmem_shared>>) dst(%arg15 : memref<128x128xf32, #tpu.memory_space<vmem>>)
      tpu.yield
    }) : () -> ()
    %eq3A_121 = arith.constant 0 : i32
    %eq3A_122 = arith.cmpi eq, %arg0, %eq3A_121 : i32
    %convert_element_type3A_123 = arith.extui %eq3A_122 : i1 to i32
    %cond3A_124 = arith.constant 0 : i32
    %cond3A_125 = arith.cmpi ne, %convert_element_type3A_123, %cond3A_124 : i32
    scf.if %cond3A_125 {
      "tpu.region"() ({
        %run_scoped3A_173 = tpu.sem_alloc : memref<!tpu.dma_semaphore, #tpu.memory_space<semaphore_mem>>
        %dma_start3A = arith.constant 0 : i32
        %dma_start3A_174 = tpu.memref_slice %arg9[%multiple_of3A_119, %dma_start3A] : memref<10240x128xf32, #tpu.memory_space<hbm>> -> memref<128x128xf32, #tpu.memory_space<hbm>>
        %dma_start3A_175 = arith.constant 0 : i32
        %dma_start3A_176 = tpu.memref_slice %arg9[%multiple_of3A_119, %dma_start3A_175] : memref<10240x128xf32, #tpu.memory_space<hbm>> -> memref<128x128xf32, #tpu.memory_space<hbm>>
        tpu.enqueue_dma source(%arg15 : memref<128x128xf32, #tpu.memory_space<vmem>>) target(%dma_start3A_176 : memref<128x128xf32, #tpu.memory_space<hbm>>) target_semaphore(%run_scoped3A_173 : memref<!tpu.dma_semaphore, #tpu.memory_space<semaphore_mem>>)
        %dma_wait3A = arith.constant 0 : i32
        %dma_wait3A_177 = tpu.memref_slice %arg9[%multiple_of3A_119, %dma_wait3A] : memref<10240x128xf32, #tpu.memory_space<hbm>> -> memref<128x128xf32, #tpu.memory_space<hbm>>
        %dma_wait3A_178 = arith.constant 0 : i32
        %dma_wait3A_179 = tpu.memref_slice %arg9[%multiple_of3A_119, %dma_wait3A_178] : memref<10240x128xf32, #tpu.memory_space<hbm>> -> memref<128x128xf32, #tpu.memory_space<hbm>>
        tpu.wait_dma2 semaphore(%run_scoped3A_173 : memref<!tpu.dma_semaphore, #tpu.memory_space<semaphore_mem>>) src(%arg15 : memref<128x128xf32, #tpu.memory_space<vmem>>) dst(%dma_wait3A_179 : memref<128x128xf32, #tpu.memory_space<hbm>>)
        tpu.yield
      }) : () -> ()
    } else {
    }
    %eq3A_126 = arith.constant 1 : i32
    %eq3A_127 = arith.cmpi eq, %arg0, %eq3A_126 : i32
    %convert_element_type3A_128 = arith.extui %eq3A_127 : i1 to i32
    %cond3A_129 = arith.constant 0 : i32
    %cond3A_130 = arith.cmpi ne, %convert_element_type3A_128, %cond3A_129 : i32
    scf.if %cond3A_130 {
      "tpu.region"() ({
        %run_scoped3A_173 = tpu.sem_alloc : memref<!tpu.dma_semaphore, #tpu.memory_space<semaphore_mem>>
        %dma_start3A = arith.constant 0 : i32
        %dma_start3A_174 = tpu.memref_slice %arg10[%multiple_of3A_119, %dma_start3A] : memref<10240x128xf32, #tpu.memory_space<hbm>> -> memref<128x128xf32, #tpu.memory_space<hbm>>
        %dma_start3A_175 = arith.constant 0 : i32
        %dma_start3A_176 = tpu.memref_slice %arg10[%multiple_of3A_119, %dma_start3A_175] : memref<10240x128xf32, #tpu.memory_space<hbm>> -> memref<128x128xf32, #tpu.memory_space<hbm>>
        tpu.enqueue_dma source(%arg15 : memref<128x128xf32, #tpu.memory_space<vmem>>) target(%dma_start3A_176 : memref<128x128xf32, #tpu.memory_space<hbm>>) target_semaphore(%run_scoped3A_173 : memref<!tpu.dma_semaphore, #tpu.memory_space<semaphore_mem>>)
        %dma_wait3A = arith.constant 0 : i32
        %dma_wait3A_177 = tpu.memref_slice %arg10[%multiple_of3A_119, %dma_wait3A] : memref<10240x128xf32, #tpu.memory_space<hbm>> -> memref<128x128xf32, #tpu.memory_space<hbm>>
        %dma_wait3A_178 = arith.constant 0 : i32
        %dma_wait3A_179 = tpu.memref_slice %arg10[%multiple_of3A_119, %dma_wait3A_178] : memref<10240x128xf32, #tpu.memory_space<hbm>> -> memref<128x128xf32, #tpu.memory_space<hbm>>
        tpu.wait_dma2 semaphore(%run_scoped3A_173 : memref<!tpu.dma_semaphore, #tpu.memory_space<semaphore_mem>>) src(%arg15 : memref<128x128xf32, #tpu.memory_space<vmem>>) dst(%dma_wait3A_179 : memref<128x128xf32, #tpu.memory_space<hbm>>)
        tpu.yield
      }) : () -> ()
    } else {
    }
    %add3A_131 = arith.constant 256 : i32
    %add3A_132 = arith.addi %mul3A_0, %add3A_131 : i32
    %multiple_of3A_133 = tpu.assume_multiple %add3A_132, 128 : i32
    %run_scoped3A_134 = arith.constant 2 : i32
    "tpu.region"() ({
      %run_scoped3A_173 = tpu.sem_alloc : memref<!tpu.dma_semaphore, #tpu.memory_space<semaphore_mem>>
      %dma_start3A = arith.constant 0 : i32
      %dma_start3A_174 = tpu.memref_slice %arg13[%run_scoped3A_134, %dma_start3A] : memref<5x128xi32, #tpu.memory_space<vmem>> -> memref<1x128xi32, #tpu.memory_space<vmem>>
      %dma_start3A_175 = tpu.memref_squeeze %dma_start3A_174 : memref<1x128xi32, #tpu.memory_space<vmem>> -> memref<128xi32, #tpu.memory_space<vmem>>
      %dma_start3A_176 = arith.constant 0 : i32
      %dma_start3A_177 = arith.constant 0 : i32
      %dma_start3A_178 = tpu.memref_slice %arg20[%dma_start3A_176, %dma_start3A_177] : memref<10240x128xf32, #tpu.memory_space<vmem_shared>> -> memref<10240x128xf32, #tpu.memory_space<vmem_shared>>
      tpu.enqueue_indirect_dma source(%dma_start3A_178 : memref<10240x128xf32, #tpu.memory_space<vmem_shared>>) target(%arg15 : memref<128x128xf32, #tpu.memory_space<vmem>>) offsets(%dma_start3A_175 : memref<128xi32, #tpu.memory_space<vmem>>) semaphore(%run_scoped3A_173 : memref<!tpu.dma_semaphore, #tpu.memory_space<semaphore_mem>>)
      %dma_wait3A = arith.constant 0 : i32
      %dma_wait3A_179 = tpu.memref_slice %arg13[%run_scoped3A_134, %dma_wait3A] : memref<5x128xi32, #tpu.memory_space<vmem>> -> memref<1x128xi32, #tpu.memory_space<vmem>>
      %dma_wait3A_180 = tpu.memref_squeeze %dma_wait3A_179 : memref<1x128xi32, #tpu.memory_space<vmem>> -> memref<128xi32, #tpu.memory_space<vmem>>
      %dma_wait3A_181 = arith.constant 0 : i32
      %dma_wait3A_182 = arith.constant 0 : i32
      %dma_wait3A_183 = tpu.memref_slice %arg20[%dma_wait3A_181, %dma_wait3A_182] : memref<10240x128xf32, #tpu.memory_space<vmem_shared>> -> memref<10240x128xf32, #tpu.memory_space<vmem_shared>>
      tpu.wait_indirect_dma semaphore(%run_scoped3A_173 : memref<!tpu.dma_semaphore, #tpu.memory_space<semaphore_mem>>) src(%dma_wait3A_183 : memref<10240x128xf32, #tpu.memory_space<vmem_shared>>) dst(%arg15 : memref<128x128xf32, #tpu.memory_space<vmem>>)
      tpu.yield
    }) : () -> ()
    %eq3A_135 = arith.constant 0 : i32
    %eq3A_136 = arith.cmpi eq, %arg0, %eq3A_135 : i32
    %convert_element_type3A_137 = arith.extui %eq3A_136 : i1 to i32
    %cond3A_138 = arith.constant 0 : i32
    %cond3A_139 = arith.cmpi ne, %convert_element_type3A_137, %cond3A_138 : i32
    scf.if %cond3A_139 {
      "tpu.region"() ({
        %run_scoped3A_173 = tpu.sem_alloc : memref<!tpu.dma_semaphore, #tpu.memory_space<semaphore_mem>>
        %dma_start3A = arith.constant 0 : i32
        %dma_start3A_174 = tpu.memref_slice %arg9[%multiple_of3A_133, %dma_start3A] : memref<10240x128xf32, #tpu.memory_space<hbm>> -> memref<128x128xf32, #tpu.memory_space<hbm>>
        %dma_start3A_175 = arith.constant 0 : i32
        %dma_start3A_176 = tpu.memref_slice %arg9[%multiple_of3A_133, %dma_start3A_175] : memref<10240x128xf32, #tpu.memory_space<hbm>> -> memref<128x128xf32, #tpu.memory_space<hbm>>
        tpu.enqueue_dma source(%arg15 : memref<128x128xf32, #tpu.memory_space<vmem>>) target(%dma_start3A_176 : memref<128x128xf32, #tpu.memory_space<hbm>>) target_semaphore(%run_scoped3A_173 : memref<!tpu.dma_semaphore, #tpu.memory_space<semaphore_mem>>)
        %dma_wait3A = arith.constant 0 : i32
        %dma_wait3A_177 = tpu.memref_slice %arg9[%multiple_of3A_133, %dma_wait3A] : memref<10240x128xf32, #tpu.memory_space<hbm>> -> memref<128x128xf32, #tpu.memory_space<hbm>>
        %dma_wait3A_178 = arith.constant 0 : i32
        %dma_wait3A_179 = tpu.memref_slice %arg9[%multiple_of3A_133, %dma_wait3A_178] : memref<10240x128xf32, #tpu.memory_space<hbm>> -> memref<128x128xf32, #tpu.memory_space<hbm>>
        tpu.wait_dma2 semaphore(%run_scoped3A_173 : memref<!tpu.dma_semaphore, #tpu.memory_space<semaphore_mem>>) src(%arg15 : memref<128x128xf32, #tpu.memory_space<vmem>>) dst(%dma_wait3A_179 : memref<128x128xf32, #tpu.memory_space<hbm>>)
        tpu.yield
      }) : () -> ()
    } else {
    }
    %eq3A_140 = arith.constant 1 : i32
    %eq3A_141 = arith.cmpi eq, %arg0, %eq3A_140 : i32
    %convert_element_type3A_142 = arith.extui %eq3A_141 : i1 to i32
    %cond3A_143 = arith.constant 0 : i32
    %cond3A_144 = arith.cmpi ne, %convert_element_type3A_142, %cond3A_143 : i32
    scf.if %cond3A_144 {
      "tpu.region"() ({
        %run_scoped3A_173 = tpu.sem_alloc : memref<!tpu.dma_semaphore, #tpu.memory_space<semaphore_mem>>
        %dma_start3A = arith.constant 0 : i32
        %dma_start3A_174 = tpu.memref_slice %arg10[%multiple_of3A_133, %dma_start3A] : memref<10240x128xf32, #tpu.memory_space<hbm>> -> memref<128x128xf32, #tpu.memory_space<hbm>>
        %dma_start3A_175 = arith.constant 0 : i32
        %dma_start3A_176 = tpu.memref_slice %arg10[%multiple_of3A_133, %dma_start3A_175] : memref<10240x128xf32, #tpu.memory_space<hbm>> -> memref<128x128xf32, #tpu.memory_space<hbm>>
        tpu.enqueue_dma source(%arg15 : memref<128x128xf32, #tpu.memory_space<vmem>>) target(%dma_start3A_176 : memref<128x128xf32, #tpu.memory_space<hbm>>) target_semaphore(%run_scoped3A_173 : memref<!tpu.dma_semaphore, #tpu.memory_space<semaphore_mem>>)
        %dma_wait3A = arith.constant 0 : i32
        %dma_wait3A_177 = tpu.memref_slice %arg10[%multiple_of3A_133, %dma_wait3A] : memref<10240x128xf32, #tpu.memory_space<hbm>> -> memref<128x128xf32, #tpu.memory_space<hbm>>
        %dma_wait3A_178 = arith.constant 0 : i32
        %dma_wait3A_179 = tpu.memref_slice %arg10[%multiple_of3A_133, %dma_wait3A_178] : memref<10240x128xf32, #tpu.memory_space<hbm>> -> memref<128x128xf32, #tpu.memory_space<hbm>>
        tpu.wait_dma2 semaphore(%run_scoped3A_173 : memref<!tpu.dma_semaphore, #tpu.memory_space<semaphore_mem>>) src(%arg15 : memref<128x128xf32, #tpu.memory_space<vmem>>) dst(%dma_wait3A_179 : memref<128x128xf32, #tpu.memory_space<hbm>>)
        tpu.yield
      }) : () -> ()
    } else {
    }
    %add3A_145 = arith.constant 384 : i32
    %add3A_146 = arith.addi %mul3A_0, %add3A_145 : i32
    %multiple_of3A_147 = tpu.assume_multiple %add3A_146, 128 : i32
    %run_scoped3A_148 = arith.constant 3 : i32
    "tpu.region"() ({
      %run_scoped3A_173 = tpu.sem_alloc : memref<!tpu.dma_semaphore, #tpu.memory_space<semaphore_mem>>
      %dma_start3A = arith.constant 0 : i32
      %dma_start3A_174 = tpu.memref_slice %arg13[%run_scoped3A_148, %dma_start3A] : memref<5x128xi32, #tpu.memory_space<vmem>> -> memref<1x128xi32, #tpu.memory_space<vmem>>
      %dma_start3A_175 = tpu.memref_squeeze %dma_start3A_174 : memref<1x128xi32, #tpu.memory_space<vmem>> -> memref<128xi32, #tpu.memory_space<vmem>>
      %dma_start3A_176 = arith.constant 0 : i32
      %dma_start3A_177 = arith.constant 0 : i32
      %dma_start3A_178 = tpu.memref_slice %arg20[%dma_start3A_176, %dma_start3A_177] : memref<10240x128xf32, #tpu.memory_space<vmem_shared>> -> memref<10240x128xf32, #tpu.memory_space<vmem_shared>>
      tpu.enqueue_indirect_dma source(%dma_start3A_178 : memref<10240x128xf32, #tpu.memory_space<vmem_shared>>) target(%arg15 : memref<128x128xf32, #tpu.memory_space<vmem>>) offsets(%dma_start3A_175 : memref<128xi32, #tpu.memory_space<vmem>>) semaphore(%run_scoped3A_173 : memref<!tpu.dma_semaphore, #tpu.memory_space<semaphore_mem>>)
      %dma_wait3A = arith.constant 0 : i32
      %dma_wait3A_179 = tpu.memref_slice %arg13[%run_scoped3A_148, %dma_wait3A] : memref<5x128xi32, #tpu.memory_space<vmem>> -> memref<1x128xi32, #tpu.memory_space<vmem>>
      %dma_wait3A_180 = tpu.memref_squeeze %dma_wait3A_179 : memref<1x128xi32, #tpu.memory_space<vmem>> -> memref<128xi32, #tpu.memory_space<vmem>>
      %dma_wait3A_181 = arith.constant 0 : i32
      %dma_wait3A_182 = arith.constant 0 : i32
      %dma_wait3A_183 = tpu.memref_slice %arg20[%dma_wait3A_181, %dma_wait3A_182] : memref<10240x128xf32, #tpu.memory_space<vmem_shared>> -> memref<10240x128xf32, #tpu.memory_space<vmem_shared>>
      tpu.wait_indirect_dma semaphore(%run_scoped3A_173 : memref<!tpu.dma_semaphore, #tpu.memory_space<semaphore_mem>>) src(%dma_wait3A_183 : memref<10240x128xf32, #tpu.memory_space<vmem_shared>>) dst(%arg15 : memref<128x128xf32, #tpu.memory_space<vmem>>)
      tpu.yield
    }) : () -> ()
    %eq3A_149 = arith.constant 0 : i32
    %eq3A_150 = arith.cmpi eq, %arg0, %eq3A_149 : i32
    %convert_element_type3A_151 = arith.extui %eq3A_150 : i1 to i32
    %cond3A_152 = arith.constant 0 : i32
    %cond3A_153 = arith.cmpi ne, %convert_element_type3A_151, %cond3A_152 : i32
    scf.if %cond3A_153 {
      "tpu.region"() ({
        %run_scoped3A_173 = tpu.sem_alloc : memref<!tpu.dma_semaphore, #tpu.memory_space<semaphore_mem>>
        %dma_start3A = arith.constant 0 : i32
        %dma_start3A_174 = tpu.memref_slice %arg9[%multiple_of3A_147, %dma_start3A] : memref<10240x128xf32, #tpu.memory_space<hbm>> -> memref<128x128xf32, #tpu.memory_space<hbm>>
        %dma_start3A_175 = arith.constant 0 : i32
        %dma_start3A_176 = tpu.memref_slice %arg9[%multiple_of3A_147, %dma_start3A_175] : memref<10240x128xf32, #tpu.memory_space<hbm>> -> memref<128x128xf32, #tpu.memory_space<hbm>>
        tpu.enqueue_dma source(%arg15 : memref<128x128xf32, #tpu.memory_space<vmem>>) target(%dma_start3A_176 : memref<128x128xf32, #tpu.memory_space<hbm>>) target_semaphore(%run_scoped3A_173 : memref<!tpu.dma_semaphore, #tpu.memory_space<semaphore_mem>>)
        %dma_wait3A = arith.constant 0 : i32
        %dma_wait3A_177 = tpu.memref_slice %arg9[%multiple_of3A_147, %dma_wait3A] : memref<10240x128xf32, #tpu.memory_space<hbm>> -> memref<128x128xf32, #tpu.memory_space<hbm>>
        %dma_wait3A_178 = arith.constant 0 : i32
        %dma_wait3A_179 = tpu.memref_slice %arg9[%multiple_of3A_147, %dma_wait3A_178] : memref<10240x128xf32, #tpu.memory_space<hbm>> -> memref<128x128xf32, #tpu.memory_space<hbm>>
        tpu.wait_dma2 semaphore(%run_scoped3A_173 : memref<!tpu.dma_semaphore, #tpu.memory_space<semaphore_mem>>) src(%arg15 : memref<128x128xf32, #tpu.memory_space<vmem>>) dst(%dma_wait3A_179 : memref<128x128xf32, #tpu.memory_space<hbm>>)
        tpu.yield
      }) : () -> ()
    } else {
    }
    %eq3A_154 = arith.constant 1 : i32
    %eq3A_155 = arith.cmpi eq, %arg0, %eq3A_154 : i32
    %convert_element_type3A_156 = arith.extui %eq3A_155 : i1 to i32
    %cond3A_157 = arith.constant 0 : i32
    %cond3A_158 = arith.cmpi ne, %convert_element_type3A_156, %cond3A_157 : i32
    scf.if %cond3A_158 {
      "tpu.region"() ({
        %run_scoped3A_173 = tpu.sem_alloc : memref<!tpu.dma_semaphore, #tpu.memory_space<semaphore_mem>>
        %dma_start3A = arith.constant 0 : i32
        %dma_start3A_174 = tpu.memref_slice %arg10[%multiple_of3A_147, %dma_start3A] : memref<10240x128xf32, #tpu.memory_space<hbm>> -> memref<128x128xf32, #tpu.memory_space<hbm>>
        %dma_start3A_175 = arith.constant 0 : i32
        %dma_start3A_176 = tpu.memref_slice %arg10[%multiple_of3A_147, %dma_start3A_175] : memref<10240x128xf32, #tpu.memory_space<hbm>> -> memref<128x128xf32, #tpu.memory_space<hbm>>
        tpu.enqueue_dma source(%arg15 : memref<128x128xf32, #tpu.memory_space<vmem>>) target(%dma_start3A_176 : memref<128x128xf32, #tpu.memory_space<hbm>>) target_semaphore(%run_scoped3A_173 : memref<!tpu.dma_semaphore, #tpu.memory_space<semaphore_mem>>)
        %dma_wait3A = arith.constant 0 : i32
        %dma_wait3A_177 = tpu.memref_slice %arg10[%multiple_of3A_147, %dma_wait3A] : memref<10240x128xf32, #tpu.memory_space<hbm>> -> memref<128x128xf32, #tpu.memory_space<hbm>>
        %dma_wait3A_178 = arith.constant 0 : i32
        %dma_wait3A_179 = tpu.memref_slice %arg10[%multiple_of3A_147, %dma_wait3A_178] : memref<10240x128xf32, #tpu.memory_space<hbm>> -> memref<128x128xf32, #tpu.memory_space<hbm>>
        tpu.wait_dma2 semaphore(%run_scoped3A_173 : memref<!tpu.dma_semaphore, #tpu.memory_space<semaphore_mem>>) src(%arg15 : memref<128x128xf32, #tpu.memory_space<vmem>>) dst(%dma_wait3A_179 : memref<128x128xf32, #tpu.memory_space<hbm>>)
        tpu.yield
      }) : () -> ()
    } else {
    }
    %add3A_159 = arith.constant 512 : i32
    %add3A_160 = arith.addi %mul3A_0, %add3A_159 : i32
    %multiple_of3A_161 = tpu.assume_multiple %add3A_160, 128 : i32
    %run_scoped3A_162 = arith.constant 4 : i32
    "tpu.region"() ({
      %run_scoped3A_173 = tpu.sem_alloc : memref<!tpu.dma_semaphore, #tpu.memory_space<semaphore_mem>>
      %dma_start3A = arith.constant 0 : i32
      %dma_start3A_174 = tpu.memref_slice %arg13[%run_scoped3A_162, %dma_start3A] : memref<5x128xi32, #tpu.memory_space<vmem>> -> memref<1x128xi32, #tpu.memory_space<vmem>>
      %dma_start3A_175 = tpu.memref_squeeze %dma_start3A_174 : memref<1x128xi32, #tpu.memory_space<vmem>> -> memref<128xi32, #tpu.memory_space<vmem>>
      %dma_start3A_176 = arith.constant 0 : i32
      %dma_start3A_177 = arith.constant 0 : i32
      %dma_start3A_178 = tpu.memref_slice %arg20[%dma_start3A_176, %dma_start3A_177] : memref<10240x128xf32, #tpu.memory_space<vmem_shared>> -> memref<10240x128xf32, #tpu.memory_space<vmem_shared>>
      tpu.enqueue_indirect_dma source(%dma_start3A_178 : memref<10240x128xf32, #tpu.memory_space<vmem_shared>>) target(%arg15 : memref<128x128xf32, #tpu.memory_space<vmem>>) offsets(%dma_start3A_175 : memref<128xi32, #tpu.memory_space<vmem>>) semaphore(%run_scoped3A_173 : memref<!tpu.dma_semaphore, #tpu.memory_space<semaphore_mem>>)
      %dma_wait3A = arith.constant 0 : i32
      %dma_wait3A_179 = tpu.memref_slice %arg13[%run_scoped3A_162, %dma_wait3A] : memref<5x128xi32, #tpu.memory_space<vmem>> -> memref<1x128xi32, #tpu.memory_space<vmem>>
      %dma_wait3A_180 = tpu.memref_squeeze %dma_wait3A_179 : memref<1x128xi32, #tpu.memory_space<vmem>> -> memref<128xi32, #tpu.memory_space<vmem>>
      %dma_wait3A_181 = arith.constant 0 : i32
      %dma_wait3A_182 = arith.constant 0 : i32
      %dma_wait3A_183 = tpu.memref_slice %arg20[%dma_wait3A_181, %dma_wait3A_182] : memref<10240x128xf32, #tpu.memory_space<vmem_shared>> -> memref<10240x128xf32, #tpu.memory_space<vmem_shared>>
      tpu.wait_indirect_dma semaphore(%run_scoped3A_173 : memref<!tpu.dma_semaphore, #tpu.memory_space<semaphore_mem>>) src(%dma_wait3A_183 : memref<10240x128xf32, #tpu.memory_space<vmem_shared>>) dst(%arg15 : memref<128x128xf32, #tpu.memory_space<vmem>>)
      tpu.yield
    }) : () -> ()
    %eq3A_163 = arith.constant 0 : i32
    %eq3A_164 = arith.cmpi eq, %arg0, %eq3A_163 : i32
    %convert_element_type3A_165 = arith.extui %eq3A_164 : i1 to i32
    %cond3A_166 = arith.constant 0 : i32
    %cond3A_167 = arith.cmpi ne, %convert_element_type3A_165, %cond3A_166 : i32
    scf.if %cond3A_167 {
      "tpu.region"() ({
        %run_scoped3A_173 = tpu.sem_alloc : memref<!tpu.dma_semaphore, #tpu.memory_space<semaphore_mem>>
        %dma_start3A = arith.constant 0 : i32
        %dma_start3A_174 = tpu.memref_slice %arg9[%multiple_of3A_161, %dma_start3A] : memref<10240x128xf32, #tpu.memory_space<hbm>> -> memref<128x128xf32, #tpu.memory_space<hbm>>
        %dma_start3A_175 = arith.constant 0 : i32
        %dma_start3A_176 = tpu.memref_slice %arg9[%multiple_of3A_161, %dma_start3A_175] : memref<10240x128xf32, #tpu.memory_space<hbm>> -> memref<128x128xf32, #tpu.memory_space<hbm>>
        tpu.enqueue_dma source(%arg15 : memref<128x128xf32, #tpu.memory_space<vmem>>) target(%dma_start3A_176 : memref<128x128xf32, #tpu.memory_space<hbm>>) target_semaphore(%run_scoped3A_173 : memref<!tpu.dma_semaphore, #tpu.memory_space<semaphore_mem>>)
        %dma_wait3A = arith.constant 0 : i32
        %dma_wait3A_177 = tpu.memref_slice %arg9[%multiple_of3A_161, %dma_wait3A] : memref<10240x128xf32, #tpu.memory_space<hbm>> -> memref<128x128xf32, #tpu.memory_space<hbm>>
        %dma_wait3A_178 = arith.constant 0 : i32
        %dma_wait3A_179 = tpu.memref_slice %arg9[%multiple_of3A_161, %dma_wait3A_178] : memref<10240x128xf32, #tpu.memory_space<hbm>> -> memref<128x128xf32, #tpu.memory_space<hbm>>
        tpu.wait_dma2 semaphore(%run_scoped3A_173 : memref<!tpu.dma_semaphore, #tpu.memory_space<semaphore_mem>>) src(%arg15 : memref<128x128xf32, #tpu.memory_space<vmem>>) dst(%dma_wait3A_179 : memref<128x128xf32, #tpu.memory_space<hbm>>)
        tpu.yield
      }) : () -> ()
    } else {
    }
    %eq3A_168 = arith.constant 1 : i32
    %eq3A_169 = arith.cmpi eq, %arg0, %eq3A_168 : i32
    %convert_element_type3A_170 = arith.extui %eq3A_169 : i1 to i32
    %cond3A_171 = arith.constant 0 : i32
    %cond3A_172 = arith.cmpi ne, %convert_element_type3A_170, %cond3A_171 : i32
    scf.if %cond3A_172 {
      "tpu.region"() ({
        %run_scoped3A_173 = tpu.sem_alloc : memref<!tpu.dma_semaphore, #tpu.memory_space<semaphore_mem>>
        %dma_start3A = arith.constant 0 : i32
        %dma_start3A_174 = tpu.memref_slice %arg10[%multiple_of3A_161, %dma_start3A] : memref<10240x128xf32, #tpu.memory_space<hbm>> -> memref<128x128xf32, #tpu.memory_space<hbm>>
        %dma_start3A_175 = arith.constant 0 : i32
        %dma_start3A_176 = tpu.memref_slice %arg10[%multiple_of3A_161, %dma_start3A_175] : memref<10240x128xf32, #tpu.memory_space<hbm>> -> memref<128x128xf32, #tpu.memory_space<hbm>>
        tpu.enqueue_dma source(%arg15 : memref<128x128xf32, #tpu.memory_space<vmem>>) target(%dma_start3A_176 : memref<128x128xf32, #tpu.memory_space<hbm>>) target_semaphore(%run_scoped3A_173 : memref<!tpu.dma_semaphore, #tpu.memory_space<semaphore_mem>>)
        %dma_wait3A = arith.constant 0 : i32
        %dma_wait3A_177 = tpu.memref_slice %arg10[%multiple_of3A_161, %dma_wait3A] : memref<10240x128xf32, #tpu.memory_space<hbm>> -> memref<128x128xf32, #tpu.memory_space<hbm>>
        %dma_wait3A_178 = arith.constant 0 : i32
        %dma_wait3A_179 = tpu.memref_slice %arg10[%multiple_of3A_161, %dma_wait3A_178] : memref<10240x128xf32, #tpu.memory_space<hbm>> -> memref<128x128xf32, #tpu.memory_space<hbm>>
        tpu.wait_dma2 semaphore(%run_scoped3A_173 : memref<!tpu.dma_semaphore, #tpu.memory_space<semaphore_mem>>) src(%arg15 : memref<128x128xf32, #tpu.memory_space<vmem>>) dst(%dma_wait3A_179 : memref<128x128xf32, #tpu.memory_space<hbm>>)
        tpu.yield
      }) : () -> ()
    } else {
    }
    return
  }
}

module attributes {stable_mosaic.version = 14 : i64} {
  func.func @_tc_body(%arg0: i32, %arg1: memref<256x256xf32, #tpu.memory_space<vmem>>, %arg2: memref<256x128xf32, #tpu.memory_space<vmem>>, %arg3: memref<256x128xf32, #tpu.memory_space<vmem>>, %arg4: memref<256x128xf32, #tpu.memory_space<vmem>>, %arg5: memref<256x128xf32, #tpu.memory_space<vmem>>, %arg6: memref<256x256xf32, #tpu.memory_space<vmem>>, %arg7: memref<512x256xf32, #tpu.memory_space<vmem>>, %arg8: memref<1x256xf32, #tpu.memory_space<vmem>>, %arg9: memref<256x256xf32, #tpu.memory_space<vmem>>) attributes {dimension_semantics = [#tpu.dimension_semantics<arbitrary>], iteration_bounds = array<i64: 40>, scalar_prefetch = 0 : i64, scratch_operands = 0 : i64, tpu.core_type = #tpu.core_type<tc>, window_params = [{transform_indices = @transform_0, window_bounds = array<i64: 256, 256>}, {transform_indices = @transform_1, window_bounds = array<i64: 256, 128>}, {transform_indices = @transform_2, window_bounds = array<i64: 256, 128>}, {transform_indices = @transform_3, window_bounds = array<i64: 256, 128>}, {transform_indices = @transform_4, window_bounds = array<i64: 256, 128>}, {pipeline_mode = #tpu.pipeline_mode<synchronous>, transform_indices = @transform_5, window_bounds = array<i64: 256, 256>}, {pipeline_mode = #tpu.pipeline_mode<synchronous>, transform_indices = @transform_6, window_bounds = array<i64: 512, 256>}, {pipeline_mode = #tpu.pipeline_mode<synchronous>, transform_indices = @transform_7, window_bounds = array<i64: 1, 256>}, {transform_indices = @transform_8, window_bounds = array<i64: 256, 256>}]} {
    %get3A = arith.constant 0 : index
    %get3A_0 = arith.constant 0 : index
    %get3A_1 = vector.load %arg4[%get3A, %get3A_0] : memref<256x128xf32, #tpu.memory_space<vmem>>, vector<256x1xf32>
    %get3A_2 = arith.constant 0 : index
    %get3A_3 = arith.constant 0 : index
    %get3A_4 = vector.load %arg5[%get3A_2, %get3A_3] : memref<256x128xf32, #tpu.memory_space<vmem>>, vector<256x1xf32>
    %add3A = arith.addf %get3A_1, %get3A_4 : vector<256x1xf32>
    %max3A = arith.constant 1.000000e+00 : f32
    %max3A_5 = vector.broadcast %max3A : f32 to vector<256x1xf32>
    %max3A_6 = arith.maximumf %add3A, %max3A_5 : vector<256x1xf32>
    %div3A = arith.constant 1.000000e+00 : f32
    %div3A_7 = vector.broadcast %div3A : f32 to vector<256x1xf32>
    %div3A_8 = arith.divf %div3A_7, %max3A_6 : vector<256x1xf32>
    %get3A_9 = arith.constant 0 : index
    %get3A_10 = arith.constant 0 : index
    %get3A_11 = vector.load %arg2[%get3A_9, %get3A_10] : memref<256x128xf32, #tpu.memory_space<vmem>>, vector<256x128xf32>
    %get3A_12 = arith.constant 0 : index
    %get3A_13 = arith.constant 0 : index
    %get3A_14 = vector.load %arg3[%get3A_12, %get3A_13] : memref<256x128xf32, #tpu.memory_space<vmem>>, vector<256x128xf32>
    %concatenate3A = tpu.concatenate %get3A_11, %get3A_14 in 1 : vector<256x128xf32>, vector<256x128xf32> -> vector<256x256xf32>
    %mul3A = vector.broadcast %div3A_8 : vector<256x1xf32> to vector<256x256xf32>
    %mul3A_15 = arith.mulf %concatenate3A, %mul3A : vector<256x256xf32>
    %get3A_16 = arith.constant 0 : index
    %get3A_17 = arith.constant 0 : index
    %get3A_18 = vector.load %arg6[%get3A_16, %get3A_17] : memref<256x256xf32, #tpu.memory_space<vmem>>, vector<256x256xf32>
    %dot_general3A = arith.constant dense<0.000000e+00> : vector<256x256xf32>
    %dot_general3A_19 = tpu.matmul %mul3A_15, %get3A_18, %dot_general3A {dimension_numbers = #tpu.dot_dimension_numbers<[1], [0], [0], [1], [0, 0, 1, 1], [], []>, transpose_lhs_hint = false} : vector<256x256xf32>, vector<256x256xf32>, vector<256x256xf32> -> vector<256x256xf32>
    %get3A_20 = arith.constant 0 : index
    %get3A_21 = arith.constant 0 : index
    %get3A_22 = vector.load %arg1[%get3A_20, %get3A_21] : memref<256x256xf32, #tpu.memory_space<vmem>>, vector<256x256xf32>
    %get3A_23 = arith.constant 0 : index
    %get3A_24 = arith.constant 0 : index
    %get3A_25 = vector.load %arg7[%get3A_23, %get3A_24] : memref<512x256xf32, #tpu.memory_space<vmem>>, vector<256x256xf32>
    %dot_general3A_26 = arith.constant dense<0.000000e+00> : vector<256x256xf32>
    %dot_general3A_27 = tpu.matmul %get3A_22, %get3A_25, %dot_general3A_26 {dimension_numbers = #tpu.dot_dimension_numbers<[1], [0], [0], [1], [0, 0, 1, 1], [], []>, transpose_lhs_hint = false} : vector<256x256xf32>, vector<256x256xf32>, vector<256x256xf32> -> vector<256x256xf32>
    %get3A_28 = arith.constant 256 : index
    %get3A_29 = arith.constant 0 : index
    %get3A_30 = vector.load %arg7[%get3A_28, %get3A_29] : memref<512x256xf32, #tpu.memory_space<vmem>>, vector<256x256xf32>
    %dot_general3A_31 = arith.constant dense<0.000000e+00> : vector<256x256xf32>
    %dot_general3A_32 = tpu.matmul %dot_general3A_19, %get3A_30, %dot_general3A_31 {dimension_numbers = #tpu.dot_dimension_numbers<[1], [0], [0], [1], [0, 0, 1, 1], [], []>, transpose_lhs_hint = false} : vector<256x256xf32>, vector<256x256xf32>, vector<256x256xf32> -> vector<256x256xf32>
    %add3A_33 = arith.addf %dot_general3A_27, %dot_general3A_32 : vector<256x256xf32>
    %mul3A_34 = arith.mulf %add3A_33, %add3A_33 : vector<256x256xf32>
    %reduce_sum3A = arith.constant dense<0.000000e+00> : vector<256xf32>
    %reduce_sum3A_35 = vector.multi_reduction <add>, %mul3A_34, %reduce_sum3A [1] : vector<256x256xf32> to vector<256xf32>
    %broadcast_in_dim3A = vector.shape_cast %reduce_sum3A_35 : vector<256xf32> to vector<256x1xf32>
    %sqrt3A = math.sqrt %broadcast_in_dim3A : vector<256x1xf32>
    %max3A_36 = arith.constant 1.000000e+00 : f32
    %max3A_37 = vector.broadcast %max3A_36 : f32 to vector<256x1xf32>
    %max3A_38 = arith.maximumf %sqrt3A, %max3A_37 : vector<256x1xf32>
    %div3A_39 = vector.broadcast %max3A_38 : vector<256x1xf32> to vector<256x256xf32>
    %div3A_40 = arith.divf %add3A_33, %div3A_39 : vector<256x256xf32>
    %get3A_41 = arith.constant 0 : index
    %get3A_42 = arith.constant 0 : index
    %get3A_43 = vector.load %arg8[%get3A_41, %get3A_42] : memref<1x256xf32, #tpu.memory_space<vmem>>, vector<1x256xf32>
    %add3A_44 = vector.broadcast %get3A_43 : vector<1x256xf32> to vector<256x256xf32>
    %add3A_45 = arith.addf %div3A_40, %add3A_44 : vector<256x256xf32>
    %swap3A = arith.constant 0 : index
    %swap3A_46 = arith.constant 0 : index
    %swap3A_47 = vector.load %arg9[%swap3A, %swap3A_46] : memref<256x256xf32, #tpu.memory_space<vmem>>, vector<256x256xf32>
    tpu.vector_store %arg9[%swap3A, %swap3A_46], %add3A_45 {strides = array<i32>} : memref<256x256xf32, #tpu.memory_space<vmem>>, vector<256x256xf32>,
    return
  }
  func.func @transform_0(%arg0: i32) -> (i32, i32) {
    %c0_i32 = arith.constant 0 : i32
    %c0_i32_0 = arith.constant 0 : i32
    return %arg0, %c0_i32 : i32, i32
  }
  func.func @transform_1(%arg0: i32) -> (i32, i32) {
    %c0_i32 = arith.constant 0 : i32
    %c0_i32_0 = arith.constant 0 : i32
    return %arg0, %c0_i32 : i32, i32
  }
  func.func @transform_2(%arg0: i32) -> (i32, i32) {
    %c0_i32 = arith.constant 0 : i32
    %c0_i32_0 = arith.constant 0 : i32
    return %arg0, %c0_i32 : i32, i32
  }
  func.func @transform_3(%arg0: i32) -> (i32, i32) {
    %c0_i32 = arith.constant 0 : i32
    %c0_i32_0 = arith.constant 0 : i32
    return %arg0, %c0_i32 : i32, i32
  }
  func.func @transform_4(%arg0: i32) -> (i32, i32) {
    %c0_i32 = arith.constant 0 : i32
    %c0_i32_0 = arith.constant 0 : i32
    return %arg0, %c0_i32 : i32, i32
  }
  func.func @transform_5(%arg0: i32) -> (i32, i32) {
    %c0_i32 = arith.constant 0 : i32
    %c0_i32_0 = arith.constant 0 : i32
    %c0_i32_1 = arith.constant 0 : i32
    return %c0_i32, %c0_i32_0 : i32, i32
  }
  func.func @transform_6(%arg0: i32) -> (i32, i32) {
    %c0_i32 = arith.constant 0 : i32
    %c0_i32_0 = arith.constant 0 : i32
    %c0_i32_1 = arith.constant 0 : i32
    return %c0_i32, %c0_i32_0 : i32, i32
  }
  func.func @transform_7(%arg0: i32) -> (i32, i32) {
    %c0_i32 = arith.constant 0 : i32
    %c0_i32_0 = arith.constant 0 : i32
    %c0_i32_1 = arith.constant 0 : i32
    return %c0_i32, %c0_i32_0 : i32, i32
  }
  func.func @transform_8(%arg0: i32) -> (i32, i32) {
    %c0_i32 = arith.constant 0 : i32
    %c0_i32_0 = arith.constant 0 : i32
    return %arg0, %c0_i32 : i32, i32
  }
}

</mosaic_0001>

<sc_bundles>
// kernel: kernel.4.cloned.1.call-start
scs
__scs_entry_jumppad:
0x0: {  	(pc) =	sbr.rel $0x88, $3  }
0x1: {  	(tag) =	ssettag $0x0;
	lr =	simm.s32 $0x1  }
0x2: {  	[smem:$0x3F9C] =	sst lr;
	_ =	strace $0xD0000000  }
0x3: {  	_ = 	snop  }
0x4: {  	_ = 	snop  }
0x5: {  	_ = 	snop  }
0x6: {  	_ = 	snop  }
0x7: {  	_ = 	snop  }
__scs_overlays_trampoline_lowered:
0x8: {  	[smem:$0x3FAB] =	sst s0  }
0x9: {  	[smem:$0x3FAC] =	sst s1  }
0xa: {  	[smem:$0x3FAD] =	sst s2  }
0xb: {  	[smem:$0x3FAE] =	sst s3  }
0xc: {  	[smem:$0x3FAF] =	sst s4  }
0xd: {  	[smem:$0x3FB0] =	sst s5  }
0xe: {  	[smem:$0x3FB1] =	sst s6  }
0xf: {  	[smem:$0x3FB2] =	sst s7  }
0x10: {  	[smem:$0x3FB3] =	sst s8  }
0x11: {  	[smem:$0x3FB4] =	sst s9;
	s0 =	simm.s32 @!p0 $0x0  }
0x12: {  	s1 =	sld [smem:$0x3F9A];
	s0 =	simm.s32 @p0 $0x1  }
0x13: {  	[smem:$0x3FB5] =	sst s0;
	s0 =	simm.s32 @!p1 $0x0  }
0x14: {  	s2 =	sld [smem:$0x3F99];
	s0 =	simm.s32 @p1 $0x1  }
0x15: {  	[smem:$0x3FB6] =	sst s0;
	s0 =	simm.s32 @!p2 $0x0  }
0x16: {  	s3 =	sld [smem:$0x3FDB];
	s0 =	simm.s32 @p2 $0x1  }
0x17: {  	s4 =	simm.s32 $0x1BF5;
	[smem:$0x3FB8] =	sst s0  }
0x18: {  	s0 =	sld [smem:$0x3F9B];
	_ =	swait.ge [sflag:s4], $0x0  }
0x19: {  	s7 =	sld [smem:$0x3F9C]  }
0x1a: {  	s8 =	sadd.s32 $0xFFFFE003, lr  }
0x1b: {  	s9 =	sadd.s32 $0xFFFFFEF7, lr;
	s5 =	simm.s32 $0xFFFFFFFF;
	p2 =	slt.u32 s8, $0xFFFFF086  }
0x1c: {  	p1 =	slt.u32 s9, $0xF7A;
	s5 =	simm.s32 @!p2 $0x0  }
0x1d: {  	s5 =	simm.s32 @p1 $0x1;
	p0 =	seq.s32 s7, s2  }
0x1e: {  	s7 =	smul.u32 @!p0 $0xF7A, s2;
	p2 =	seq.s32 @!p0 s5, $0x0  }
0x1f: {  	s9 =	smul.u32 $0xF7A, s1;
	s8 =	simm.s32 @!p0 $0x1BF5;
	p2 =	por !p2, p0  }
0x20: {  	[sflag:s8] =	ssyncset.s32 @!p0 $0xFFFFF086;
	s6 =	sadd.s32 @!p0 s3, s7;
	s7 =	simm.s32 @!p0 $0x108  }
0x21: {  	s3 =	sadd.s32 s3, s9;
	s6 =	sadd.s32 @!p0 $0x88, s6;
	s7 =	simm.s32 @p2 $0x1082  }
0x22: {  	[simem:s7], [sflag:s8] =	dma.local @!p0 [hbm:s6], $0xF7A  }
0x23: {  	s9 =	sor.u32 $0xD0000000, s2;
	s6 =	simm.s32 $0x108;
	_ =	swait.ge @!p0 [sflag:s8], $0x0  }
0x24: {  	s3 =	sadd.s32 $0x88, s3;
	s6 =	simm.s32 @!p1 $0x1082;
	[sflag:s4] =	ssyncset.s32 $0xFFFFF086  }
0x25: {  	[simem:s6], [sflag:s4] =	dma.local [hbm:s3], $0xF7A  }
0x26: {  	[smem:$0x3F9C] =	sst s1;
	(tag) =	ssettag s2;
	_ =	strace s9  }
0x27: {  	s1 =	sld [smem:$0x3FAC]  }
0x28: {  	s2 =	sld [smem:$0x3FAD]  }
0x29: {  	s4 =	sld [smem:$0x3FAF]  }
0x2a: {  	p0 =	seq.s32 s5, $0x0;
	s5 =	sld [smem:$0x3FB0]  }
0x2b: {  	s6 =	sld [smem:$0x3FB1]  }
0x2c: {  	s7 =	sld [smem:$0x3FB2]  }
0x2d: {  	s3 =	simm.s32 $0x108;
	s8 =	sld [smem:$0x3FB3]  }
0x2e: {  	s3 =	simm.s32 @!p0 $0x1082;
	s9 =	sld [smem:$0x3FB4]  }
0x2f: {  	lr =	sadd.s32 s0, s3;
	s0 =	sld [smem:$0x3FAB]  }
0x30: {  	s3 =	sld [smem:$0x3FAE]  }
0x31: {  	[smem:$0x3FB7] =	sst s10  }
0x32: {  	s10 =	sld [smem:$0x3FB5];
	_ =	sdelay $0x3  }
0x33: {  	p0 =	seq.s32 s10, $0x1;
	s10 =	sld [smem:$0x3FB7];
	_ =	sdelay $0x3  }
0x34: {  	[smem:$0x3FB7] =	sst s10  }
0x35: {  	s10 =	sld [smem:$0x3FB6];
	_ =	sdelay $0x3  }
0x36: {  	p1 =	seq.s32 s10, $0x1;
	s10 =	sld [smem:$0x3FB7];
	_ =	sdelay $0x3  }
0x37: {  	[smem:$0x3FB7] =	sst s10  }
0x38: {  	s10 =	sld [smem:$0x3FB8]  }
0x39: {  	_ = 	snop;
	(pc) =	sbr.ind lr, $3  }
0x3a: {  	_ = 	snop  }
0x3b: {  	_ = 	snop  }
0x3c: {  	p2 =	seq.s32 s10, $0x1;
	s10 =	sld [smem:$0x3FB7]  }
0x3d: {  	_ =	shalt  }
0x3e: {  	_ =	shalt  }
0x3f: {  	_ =	shalt  }
0x40: {  	_ =	shalt  }
0x41: {  	_ =	shalt  }
0x42: {  	_ =	shalt  }
0x43: {  	_ =	shalt  }
0x44: {  	_ =	shalt  }
0x45: {  	_ =	shalt  }
0x46: {  	_ =	shalt  }
0x47: {  	_ =	shalt  }
0x48: {  	_ =	shalt  }
0x49: {  	_ =	shalt  }
0x4a: {  	_ =	shalt  }
0x4b: {  	_ =	shalt  }
0x4c: {  	_ =	shalt  }
0x4d: {  	_ =	shalt  }
0x4e: {  	_ =	shalt  }
0x4f: {  	_ =	shalt  }
0x50: {  	_ =	shalt  }
0x51: {  	_ =	shalt  }
0x52: {  	_ =	shalt  }
0x53: {  	_ =	shalt  }
0x54: {  	_ =	shalt  }
0x55: {  	_ =	shalt  }
0x56: {  	_ =	shalt  }
0x57: {  	_ =	shalt  }
0x58: {  	_ =	shalt  }
0x59: {  	_ =	shalt  }
0x5a: {  	_ =	shalt  }
0x5b: {  	_ =	shalt  }
0x5c: {  	_ =	shalt  }
0x5d: {  	_ =	shalt  }
0x5e: {  	_ =	shalt  }
0x5f: {  	_ =	shalt  }
0x60: {  	_ =	shalt  }
0x61: {  	_ =	shalt  }
0x62: {  	_ =	shalt  }
0x63: {  	_ =	shalt  }
0x64: {  	_ =	shalt  }
0x65: {  	_ =	shalt  }
0x66: {  	_ =	shalt  }
0x67: {  	_ =	shalt  }
0x68: {  	_ =	shalt  }
0x69: {  	_ =	shalt  }
0x6a: {  	_ =	shalt  }
0x6b: {  	_ =	shalt  }
0x6c: {  	_ =	shalt  }
0x6d: {  	_ =	shalt  }
0x6e: {  	_ =	shalt  }
0x6f: {  	_ =	shalt  }
0x70: {  	_ =	shalt  }
0x71: {  	_ =	shalt  }
0x72: {  	_ =	shalt  }
0x73: {  	_ =	shalt  }
0x74: {  	_ =	shalt  }
0x75: {  	_ =	shalt  }
0x76: {  	_ =	shalt  }
0x77: {  	_ =	shalt  }
0x78: {  	_ =	shalt  }
0x79: {  	_ =	shalt  }
0x7a: {  	_ =	shalt  }
0x7b: {  	_ =	shalt  }
0x7c: {  	_ =	shalt  }
0x7d: {  	_ =	shalt  }
0x7e: {  	_ =	shalt  }
0x7f: {  	_ =	shalt  }
0x80: {  	_ =	shalt  }
0x81: {  	_ =	shalt  }
0x82: {  	_ =	shalt  }
0x83: {  	_ =	shalt  }
0x84: {  	_ =	shalt  }
0x85: {  	_ =	shalt  }
0x86: {  	_ =	shalt  }
0x87: {  	_ =	shalt  }
.Lfunc_end0:
.L_simem_size_0:
called_computation_lowered:
.L_overlay_start_0:
0x88: {  	s2 =	sld [smem:$0x3FD9]  }
0x89: {  	s3 =	sld [smem:$0x3FFE];
	_ =	sdelay $0x1  }
0x8a: {  	s1 =	srdreg.scid  }
0x8b: {  	s0 =	sand.u32 $0x1, s1  }
0x8c: {  	s17 =	sshll.u32 s0, $0xA;
	s2 =	sadd.s32 s3, s2  }
0x8d: {  	s2 =	sadd.s32 s2, s17  }
0x8e: {  	[smem:$0x3FC3] =	sst s2  }
0x8f: {  	_ = 	snop  }
0x90: {  	s2 =	sld [smem:$0x3FD0];
	(tm) =	ssettm $0x1  }
0x91: {  	s18 =	sld [smem:$0x3FFB];
	_ =	sdelay $0x3  }
0x92: {  	_ =	strace s18  }
0x93: {  	s3 =	sld [smem:$0x3FFC];
	_ =	sdelay $0x3  }
0x94: {  	_ =	strace s3  }
0x95: {  	s3 =	sld [smem:$0x3FFD];
	_ =	sdelay $0x3  }
0x96: {  	_ =	strace s3  }
0x97: {  	_ =	strace $0x8FFFFFFF  }
0x98: {  	s19 =	sld [smem:$0x3FDB];
	_ =	sdelay $0x1  }
0x99: {  	s4 =	simm.s32 $_scs_section_size  }
0x9a: {  	s5 =	simm.s32 $_size__tile_overlayer_lowered;
	s6 =	simm.s32 $_tile_overlayer_lowered  }
0x9b: {  	s22 =	simm.s32 $0x1BFF;
	s21 =	sshll.u32 s6, $0x1;
	s3 =	sadd.s32 s4, s19  }
0x9c: {  	s7 =	simm.s32 $0x0;
	s20 =	sshll.u32 s5, $0x1;
	s5 =	sadd.s32 s21, s3  }
0x9d: {  	[timem:s7], [sflag:s22] =	dma.local [hbm:s5], s20  }
0x9e: {  	_ =	swait.ge [sflag:s22], s20  }
0x9f: {  	s4 =	ssub.s32 $0x0, s20;
	[sflag:s22] =	ssyncset.done $0x0  }
0xa0: {  	[sflag:s22] =	ssyncadd.s32 s4;
	_ =	sdelay $0x1  }
0xa1: {  	s23 =	simm.s32 $0x1B8B  }
0xa2: {  	_ =	swait.ge [sflag:s23], $0x1  }
0xa3: {  	[sflag:s23] =	ssyncset.done $0x0  }
0xa4: {  	s25 =	simm.s32 $0x1B8E;
	s24 =	sld [smem:$0x3FFE];
	[sflag:s23] =	ssyncadd.s32 $0xFFFFFFFF  }
0xa5: {  	s26 =	simm.s32 $execute0_lowered;
	[smem:$0x3FD2] =	sst s25  }
0xa6: {  	s5 =	sshll.u32 s26, $0x1;
	_ =	strace $0x80000046;
	[dreg:$0x1] =	wrdreg $0xFFFFFFFF  }
0xa7: {  	s28 =	simm.s32 $_size_execute0_lowered;
	s3 =	sadd.s32 s3, s5;
	[dreg:$0x0] =	wrdreg $0x0  }
0xa8: {  	s5 =	sshll.u32 s28, $0x1;
	[dreg:$0x2] =	wrdreg s3  }
0xa9: {  	[dreg:$0x3] =	wrdreg s5  }
0xaa: {  	[dreg:$0x4] =	wrdreg $0xC0  }
0xab: {  	_ =	task [dreg:s7], $0x5FFFF  }
0xac: {  	[dreg:$0x1] =	wrdreg $0xFFFFFFFF  }
0xad: {  	[dreg:$0x0] =	wrdreg $0x60  }
0xae: {  	[dreg:$0x2] =	wrdreg s24  }
0xaf: {  	[dreg:$0x3] =	wrdreg s2  }
0xb0: {  	[dreg:$0x4] =	wrdreg $0x8C000  }
0xb1: {  	[dreg:$0x5] =	wrdreg $0x9  }
0xb2: {  	_ =	task.clear_ibuf [dreg:s7], $0x6FFFF;
	_ =	strace $0x90000046  }
0xb3: {  	s29 =	simm.s32 $0x9;
	_ =	strace $0x80000048  }
0xb4: {  	_ =	swait.ge [sflag:s29], $0x1  }
0xb5: {  	[sflag:s29] =	ssyncadd.s32 $0xFFFFFFFF  }
0xb6: {  	_ =	strace $0x90000048  }
0xb7: {  	_ =	sfence  }
0xb8: {  	s30 =	sld [smem:$0x0];
	_ =	sdelay $0x2  }
0xb9: {  	s31 =	sshll.u32 s1, $0xD;
	s1 =	sshrl.u32 s1, $0x2  }
0xba: {  	s3 =	sand.u32 $0x4000, s31;
	s1 =	sadd.s32 s1, s30  }
0xbb: {  	s0 =	sor.u32 s3, s0;
	s1 =	sshll.u32 s1, $0x11  }
0xbc: {  	s0 =	sor.u32 s1, s0  }
0xbd: {  	s0 =	sadd.s32 $0x8F2B, s0  }
0xbe: {  	[sflag:s0] =	ssyncadd.remote.s32 $0x1  }
0xbf: {  	_ =	sfence.sel $0xFFFF  }
0xc0: {  	[dreg:$0x0] =	wrdreg $0xFFFFFFFF;
	(pc) =	sbr.abs _section_cstart, $3  }
0xc1: {  	[dreg:$0x1] =	wrdreg $0xFFFFFFFF  }
0xc2: {  	_ =	task.clear_ibuf [dreg:s7], $0x2FFFF;
	_ =	strace $0x9FFFFFFF  }
0xc3: {  	(tm) =	ssettm $0x7FFFFFFF  }
tec
execute0_lowered:
.L_overlay_start_1:
0x0: {  	(tag) =	ssettag $0x1  }
0x1: {  	s0 =	rddreg [dreg:$0x0]  }
0x2: {  	s1 =	rddreg [dreg:$0x1]  }
0x3: {  	s2 =	rddreg [dreg:$0x2];
	s13 =	stileid.u32;
	s3 =	simm.s32 $0x0  }
0x4: {  	s6 =	srdreg.scid;
	s28 =	simm.s32 $0x400;
	s29 =	simm.s32 $0x1  }
0x5: {  	s30 =	simm.s32 $0x4C00;
	s31 =	simm.s32 $0x2;
	s4 =	smul.u32 $0x500, s13  }
0x6: {  	[smem:$0x7FF] =	sst s3;
	s7 =	sadd.s32 $0x55A00, s0;
	s8 =	sshll.u32 s13, $0x7  }
0x7: {  	s9 =	sand.u32 $0x1, s6;
	s11 =	sadd.s32 $0x82A00, s0;
	s13 =	smul.u32 $0x2800, s13  }
0x8: {  	s14 =	sadd.s32 $0xAAA00, s0;
	_ =	strace $0x80000047;
	s23 =	sadd.s32 s8, s0  }
0x9: {  	s8 =	sadd.s32 $0x5AA00, s0;
	s10 =	ssub.s32 $0x2, s9;
	p1 =	seq.s32 s9, $0x1  }
0xa: {  	p0 =	seq.s32 s9, $0x0;
	s20 =	smul.u32 $0x1400, s9;
	s9 =	simm.s32 $0x580  }
0xb: {  	s5 =	sadd.s32 s4, s0;
	s12 =	sshrl.u32 s10, $0x1;
	s6 =	sadd.s32 $0x1E00, s23  }
0xc: {  	s24 =	sadd.s32 $0x800, s13;
	s15 =	sadd.s32 $0x1000, s13;
	s16 =	sadd.s32 $0x1800, s13  }
0xd: {  	s17 =	sadd.s32 $0x2000, s13;
	s8 =	smov.u32 @p0 s1;
	s14 =	smov.u32 @p0 s11  }
0xe: {  	s11 =	simm.s32 $0x600;
	[dreg:$0x5] =	wrdreg s6;
	s26 =	sadd.s32 s8, s13  }
0xf: {  	s10 =	ssub.s32 s10, s12;
	s1 =	sadd.s32 s8, s24;
	[dreg:$0x7] =	wrdreg s26  }
0x10: {  	s6 =	simm.s32 $0x2600;
	s18 =	sadd.s32 s8, s16;
	[dreg:$0x8] =	wrdreg s1  }
0x11: {  	s19 =	sadd.s32 s8, s17;
	s21 =	sadd.s32 s14, s13;
	[dreg:$0xa] =	wrdreg s18  }
0x12: {  	s22 =	sadd.s32 s14, s24;
	s23 =	sadd.s32 s14, s15;
	[dreg:$0xb] =	wrdreg s19  }
0x13: {  	s24 =	sadd.s32 s14, s16;
	s12 =	simm.s32 $0x280;
	[dreg:$0xc] =	wrdreg s21  }
0x14: {  	s16 =	simm.s32 $0x380;
	s6 =	simm.s32 @!p1 $0x29800;
	[dreg:$0xd] =	wrdreg s22  }
0x15: {  	s25 =	smax.u32 s10, $0x1;
	s10 =	sadd.s32 s8, s15;
	[dreg:$0xe] =	wrdreg s23  }
0x16: {  	[dreg:$0xf] =	wrdreg s24;
	s26 =	sadd.s32 s14, s17;
	s17 =	sadd.s32 $0x50A00, s5  }
0x17: {  	s24 =	simm.s32 $0x800;
	s21 =	simm.s32 $0x80;
	s22 =	simm.s32 $0xC00  }
0x18: {  	s1 =	simm.s32 $0x3;
	s5 =	simm.s32 $0x500;
	s8 =	simm.s32 $0x180  }
0x19: {  	s14 =	simm.s32 $0x300;
	s15 =	simm.s32 $0x700;
	s23 =	simm.s32 $0x780  }
0x1a: {  	s19 =	simm.s32 $0x0;
	[dreg:$0x6] =	wrdreg s25;
	s6 =	sadd.s32 s6, s0  }
0x1b: {  	[dreg:$0x9] =	wrdreg s10;
	s25 =	sadd.s32 s4, s7;
	s0 =	sadd.s32 s20, s13  }
0x1c: {  	[dreg:$0x10] =	wrdreg s26;
	s20 =	simm.s32 $0x5;
	s10 =	simm.s32 $0x200  }
0x1d: {  	s13 =	simm.s32 $0x680;
	[dreg:$0x4] =	wrdreg s25;
	s0 =	sshrl.u32 s0, $0x3  }
0x1e: {  	v0 =	vimm.f32 $0.0e+00;
	v1 =	vimm.f32 $1.000000000e+00;
	s18 =	sadd.s32 s0, s7;
	s0 =	simm.s32 $0x480;
	s7 =	simm.s32 $0x4  }
.LBB2_1:
0x1f: {  	[dreg:$0x11] =	wrdreg s19;
	s25 =	simm.s32 $0x0;
	s26 =	simm.s32 $0x200  }
.LBB2_2:
0x20: {  	p0 =	sne.s32 s26, $0xFE00;
	[tilespmem:s25+$0xC70] =	vst v0  }
0x21: {  	[tilespmem:s25+$0xC00] =	vst v0  }
0x22: {  	[tilespmem:s25+$0xC10] =	vst v0  }
.Ltmp0:
0x23: {  	[tilespmem:s25+$0xC20] =	vst v0;
	(pc) =	sbr.rel @p0 .LBB2_2-.Ltmp0, $4  }
0x24: {  	[tilespmem:s25+$0xC30] =	vst v0  }
0x25: {  	[tilespmem:s25+$0xC40] =	vst v0  }
0x26: {  	[tilespmem:s25+$0xC50] =	vst v0  }
0x27: {  	[tilespmem:s25+$0xC60] =	vst v0;
	s25 =	sshra.s32 s26, $0x2;
	s26 =	sadd.s32 $0x200, s26  }
0x28: {  	[tilespmem:s25+$0xC70] =	vst v0  }
0x29: {  	[tilespmem:s25+$0xC00] =	vst v0  }
0x2a: {  	[tilespmem:s25+$0xC10] =	vst v0  }
0x2b: {  	[tilespmem:s25+$0xC20] =	vst v0  }
0x2c: {  	[tilespmem:s25+$0xC30] =	vst v0  }
0x2d: {  	[tilespmem:s25+$0xC40] =	vst v0  }
0x2e: {  	[tilespmem:s25+$0xC50] =	vst v0  }
0x2f: {  	[tilespmem:s25+$0xC60] =	vst v0;
	s19 =	simm.s32 $0x0;
	s4 =	rddreg [dreg:$0x5]  }
0x30: {  	[tilespmem:s24], [sflag:$0x5] =	stream.linear.gather [hbm4b:s4+s19], $0x280, $0x38;
	[tilespmem:$0x1CC00] =	vst v63  }
0x31: {  	_ =	swait.ge [sflag:s20], $0x280  }
0x32: {  	[sflag:s20] =	ssyncset.done $0x0  }
0x33: {  	[sflag:s20] =	ssyncadd.s32 $0xFFFFFD80  }
0x34: {  	[spmem:s2] =	stream.indirect.scatter [tilespmem:s22], [sflag:$0x5], $0x80, s24, s21, $0xb8;
	[tilespmem:$0x1CC00] =	vst v63  }
0x35: {  	_ =	swait.ge [sflag:s20], $0x4000  }
0x36: {  	[sflag:s20] =	ssyncset.done $0x0  }
0x37: {  	s24 =	simm.s32 $0x880;
	[sflag:s20] =	ssyncadd.s32 $0xFFFFC000  }
0x38: {  	[spmem:s2] =	stream.indirect.scatter [tilespmem:s22], [sflag:$0x5], $0x80, s24, s21, $0xb8;
	[tilespmem:$0x1CC00] =	vst v63  }
0x39: {  	_ =	swait.ge [sflag:s20], $0x4000  }
0x3a: {  	[sflag:s20] =	ssyncset.done $0x0  }
0x3b: {  	s25 =	simm.s32 $0x900;
	[sflag:s20] =	ssyncadd.s32 $0xFFFFC000  }
0x3c: {  	[spmem:s2] =	stream.indirect.scatter [tilespmem:s22], [sflag:$0x5], $0x80, s25, s21, $0xb8;
	[tilespmem:$0x1CC00] =	vst v63  }
0x3d: {  	_ =	swait.ge [sflag:s20], $0x4000  }
0x3e: {  	[sflag:s20] =	ssyncset.done $0x0  }
0x3f: {  	s26 =	simm.s32 $0x980;
	[sflag:s20] =	ssyncadd.s32 $0xFFFFC000  }
0x40: {  	[spmem:s2] =	stream.indirect.scatter [tilespmem:s22], [sflag:$0x5], $0x80, s26, s21, $0xb8;
	[tilespmem:$0x1CC00] =	vst v63  }
0x41: {  	_ =	swait.ge [sflag:s20], $0x4000  }
0x42: {  	[sflag:s20] =	ssyncset.done $0x0  }
0x43: {  	s19 =	simm.s32 $0xA00;
	[sflag:s20] =	ssyncadd.s32 $0xFFFFC000  }
0x44: {  	[spmem:s2] =	stream.indirect.scatter [tilespmem:s22], [sflag:$0x5], $0x80, s19, s21, $0xb8;
	[tilespmem:$0x1CC00] =	vst v63  }
0x45: {  	_ =	swait.ge [sflag:s20], $0x4000  }
0x46: {  	[sflag:s20] =	ssyncset.done $0x0  }
0x47: {  	[sflag:s20] =	ssyncadd.s32 $0xFFFFC000  }
0x48: {  	s24 =	sadd.s32 $0x0, s17;
	[bflag:$0x0] =	sbarrier.arrive $0xFFFF  }
0x49: {  	[tilespmem:s3], [sflag:$0x5] =	stream.linear.gather [hbm4b:s24+s3], $0x400, $0x38;
	[tilespmem:$0x1CC00] =	vst v63  }
0x4a: {  	_ =	swait.ge [sflag:s20], $0x400  }
0x4b: {  	s25 =	rddreg [dreg:$0x4];
	[sflag:s20] =	ssyncset.done $0x0  }
0x4c: {  	[sflag:s20] =	ssyncadd.s32 $0xFFFFFC00;
	s19 =	sadd.s32 $0x0, s25  }
0x4d: {  	[tilespmem:s28], [sflag:$0x5] =	stream.linear.gather [hbm4b:s19+s3], $0x400, $0x38;
	[tilespmem:$0x1CC00] =	vst v63  }
0x4e: {  	_ =	swait.ge [sflag:s20], $0x400  }
0x4f: {  	[sflag:s20] =	ssyncset.done $0x0  }
0x50: {  	[sflag:s20] =	ssyncadd.s32 $0xFFFFFC00  }
0x51: {  	[tilespmem:s22], [sflag:$0x1] =	stream.indirect.gather [hbm4b:s6+s21], $0x80, s3, s21, $0xb8;
	[tilespmem:$0x1CC00] =	vst v63  }
0x52: {  	_ =	swait.ge [sflag:s29], $0x4000  }
0x53: {  	[sflag:s29] =	ssyncset.done $0x0  }
0x54: {  	[sflag:s29] =	ssyncadd.s32 $0xFFFFC000  }
0x55: {  	[spmem:s2] =	stream.indirect.scatter.add.f32 [tilespmem:s22], [sflag:$0x3], $0x80, s28, s21, $0xb8;
	[tilespmem:$0x1CC00] =	vst v63  }
0x56: {  	_ = 	snop  }
0x57: {  	[tilespmem:s30], [sflag:$0x2] =	stream.indirect.gather [hbm4b:s6+s21], $0x80, s21, s21, $0xb8;
	[tilespmem:$0x1CC00] =	vst v63  }
0x58: {  	_ =	swait.ge [sflag:s31], $0x4000  }
0x59: {  	[sflag:s31] =	ssyncset.done $0x0  }
0x5a: {  	[sflag:s31] =	ssyncadd.s32 $0xFFFFC000  }
0x5b: {  	[spmem:s2] =	stream.indirect.scatter.add.f32 [tilespmem:s30], [sflag:$0x4], $0x80, s0, s21, $0xb8;
	[tilespmem:$0x1CC00] =	vst v63  }
0x5c: {  	_ =	swait.ge [sflag:s1], $0x4000  }
0x5d: {  	[sflag:s1] =	ssyncset.done $0x0  }
0x5e: {  	s26 =	simm.s32 $0x100;
	[sflag:s1] =	ssyncadd.s32 $0xFFFFC000  }
0x5f: {  	[tilespmem:s22], [sflag:$0x1] =	stream.indirect.gather [hbm4b:s6+s21], $0x80, s26, s21, $0xb8;
	[tilespmem:$0x1CC00] =	vst v63  }
0x60: {  	_ =	swait.ge [sflag:s29], $0x4000  }
0x61: {  	[sflag:s29] =	ssyncset.done $0x0  }
0x62: {  	[sflag:s29] =	ssyncadd.s32 $0xFFFFC000  }
0x63: {  	[spmem:s2] =	stream.indirect.scatter.add.f32 [tilespmem:s22], [sflag:$0x3], $0x80, s5, s21, $0xb8;
	[tilespmem:$0x1CC00] =	vst v63  }
0x64: {  	_ =	swait.ge [sflag:s7], $0x4000  }
0x65: {  	[sflag:s7] =	ssyncset.done $0x0  }
0x66: {  	[sflag:s7] =	ssyncadd.s32 $0xFFFFC000  }
0x67: {  	[tilespmem:s30], [sflag:$0x2] =	stream.indirect.gather [hbm4b:s6+s21], $0x80, s8, s21, $0xb8;
	[tilespmem:$0x1CC00] =	vst v63  }
0x68: {  	_ =	swait.ge [sflag:s31], $0x4000  }
0x69: {  	[sflag:s31] =	ssyncset.done $0x0  }
0x6a: {  	[sflag:s31] =	ssyncadd.s32 $0xFFFFC000  }
0x6b: {  	[spmem:s2] =	stream.indirect.scatter.add.f32 [tilespmem:s30], [sflag:$0x4], $0x80, s9, s21, $0xb8;
	[tilespmem:$0x1CC00] =	vst v63  }
0x6c: {  	_ =	swait.ge [sflag:s1], $0x4000  }
0x6d: {  	[sflag:s1] =	ssyncset.done $0x0  }
0x6e: {  	[sflag:s1] =	ssyncadd.s32 $0xFFFFC000  }
0x6f: {  	[tilespmem:s22], [sflag:$0x1] =	stream.indirect.gather [hbm4b:s6+s21], $0x80, s10, s21, $0xb8;
	[tilespmem:$0x1CC00] =	vst v63  }
0x70: {  	_ =	swait.ge [sflag:s29], $0x4000  }
0x71: {  	[sflag:s29] =	ssyncset.done $0x0  }
0x72: {  	[sflag:s29] =	ssyncadd.s32 $0xFFFFC000  }
0x73: {  	[spmem:s2] =	stream.indirect.scatter.add.f32 [tilespmem:s22], [sflag:$0x3], $0x80, s11, s21, $0xb8;
	[tilespmem:$0x1CC00] =	vst v63  }
0x74: {  	_ =	swait.ge [sflag:s7], $0x4000  }
0x75: {  	[sflag:s7] =	ssyncset.done $0x0  }
0x76: {  	[sflag:s7] =	ssyncadd.s32 $0xFFFFC000  }
0x77: {  	[tilespmem:s30], [sflag:$0x2] =	stream.indirect.gather [hbm4b:s6+s21], $0x80, s12, s21, $0xb8;
	[tilespmem:$0x1CC00] =	vst v63  }
0x78: {  	_ =	swait.ge [sflag:s31], $0x4000  }
0x79: {  	[sflag:s31] =	ssyncset.done $0x0  }
0x7a: {  	[sflag:s31] =	ssyncadd.s32 $0xFFFFC000  }
0x7b: {  	[spmem:s2] =	stream.indirect.scatter.add.f32 [tilespmem:s30], [sflag:$0x4], $0x80, s13, s21, $0xb8;
	[tilespmem:$0x1CC00] =	vst v63  }
0x7c: {  	_ =	swait.ge [sflag:s1], $0x4000  }
0x7d: {  	[sflag:s1] =	ssyncset.done $0x0  }
0x7e: {  	[sflag:s1] =	ssyncadd.s32 $0xFFFFC000  }
0x7f: {  	[tilespmem:s22], [sflag:$0x1] =	stream.indirect.gather [hbm4b:s6+s21], $0x80, s14, s21, $0xb8;
	[tilespmem:$0x1CC00] =	vst v63  }
0x80: {  	_ =	swait.ge [sflag:s29], $0x4000  }
0x81: {  	[sflag:s29] =	ssyncset.done $0x0  }
0x82: {  	[sflag:s29] =	ssyncadd.s32 $0xFFFFC000  }
0x83: {  	[spmem:s2] =	stream.indirect.scatter.add.f32 [tilespmem:s22], [sflag:$0x3], $0x80, s15, s21, $0xb8;
	[tilespmem:$0x1CC00] =	vst v63  }
0x84: {  	_ =	swait.ge [sflag:s7], $0x4000  }
0x85: {  	[sflag:s7] =	ssyncset.done $0x0  }
0x86: {  	[sflag:s7] =	ssyncadd.s32 $0xFFFFC000  }
0x87: {  	[tilespmem:s30], [sflag:$0x2] =	stream.indirect.gather [hbm4b:s6+s21], $0x80, s16, s21, $0xb8;
	[tilespmem:$0x1CC00] =	vst v63  }
0x88: {  	_ =	swait.ge [sflag:s31], $0x4000  }
0x89: {  	[sflag:s31] =	ssyncset.done $0x0  }
0x8a: {  	[sflag:s31] =	ssyncadd.s32 $0xFFFFC000  }
0x8b: {  	[spmem:s2] =	stream.indirect.scatter.add.f32 [tilespmem:s30], [sflag:$0x4], $0x80, s23, s21, $0xb8;
	[tilespmem:$0x1CC00] =	vst v63  }
0x8c: {  	_ =	swait.ge [sflag:s1], $0x4000  }
0x8d: {  	[sflag:s1] =	ssyncset.done $0x0  }
0x8e: {  	[sflag:s1] =	ssyncadd.s32 $0xFFFFC000  }
0x8f: {  	_ =	swait.ge [sflag:s7], $0x4000  }
0x90: {  	s25 =	simm.s32 $0x80;
	s26 =	simm.s32 $0x100;
	[sflag:s7] =	ssyncset.done $0x0  }
.LBB2_4:
0x91: {  	s24 =	sadd.s32 s25, s17;
	[sflag:s7] =	ssyncadd.s32 $0xFFFFC000  }
0x92: {  	[tilespmem:s3], [sflag:$0x5] =	stream.linear.gather [hbm4b:s24+s3], $0x400, $0x38;
	[tilespmem:$0x1CC00] =	vst v63  }
0x93: {  	s4 =	smov.u32 s26;
	s19 =	sadd.s32 $0x80, s26;
	_ =	swait.ge [sflag:s20], $0x400  }
0x94: {  	p0 =	sne.s32 s26, $0x480;
	s26 =	rddreg [dreg:$0x4];
	[sflag:s20] =	ssyncset.done $0x0  }
0x95: {  	[sflag:s20] =	ssyncadd.s32 $0xFFFFFC00;
	s24 =	sadd.s32 s25, s26  }
0x96: {  	[tilespmem:s28], [sflag:$0x5] =	stream.linear.gather [hbm4b:s24+s3], $0x400, $0x38;
	[tilespmem:$0x1CC00] =	vst v63  }
0x97: {  	_ =	swait.ge [sflag:s20], $0x400  }
0x98: {  	[sflag:s20] =	ssyncset.done $0x0  }
0x99: {  	[sflag:s20] =	ssyncadd.s32 $0xFFFFFC00  }
0x9a: {  	[tilespmem:s22], [sflag:$0x1] =	stream.indirect.gather [hbm4b:s6+s21], $0x80, s3, s21, $0xb8;
	[tilespmem:$0x1CC00] =	vst v63  }
0x9b: {  	_ =	swait.ge [sflag:s29], $0x4000  }
0x9c: {  	[sflag:s29] =	ssyncset.done $0x0  }
0x9d: {  	[sflag:s29] =	ssyncadd.s32 $0xFFFFC000  }
0x9e: {  	[spmem:s2] =	stream.indirect.scatter.add.f32 [tilespmem:s22], [sflag:$0x3], $0x80, s28, s21, $0xb8;
	[tilespmem:$0x1CC00] =	vst v63  }
0x9f: {  	_ = 	snop  }
0xa0: {  	[tilespmem:s30], [sflag:$0x2] =	stream.indirect.gather [hbm4b:s6+s21], $0x80, s21, s21, $0xb8;
	[tilespmem:$0x1CC00] =	vst v63  }
0xa1: {  	_ =	swait.ge [sflag:s31], $0x4000  }
0xa2: {  	[sflag:s31] =	ssyncset.done $0x0  }
0xa3: {  	[sflag:s31] =	ssyncadd.s32 $0xFFFFC000  }
0xa4: {  	[spmem:s2] =	stream.indirect.scatter.add.f32 [tilespmem:s30], [sflag:$0x4], $0x80, s0, s21, $0xb8;
	[tilespmem:$0x1CC00] =	vst v63  }
0xa5: {  	_ =	swait.ge [sflag:s1], $0x4000  }
0xa6: {  	[sflag:s1] =	ssyncset.done $0x0  }
0xa7: {  	s24 =	simm.s32 $0x100;
	[sflag:s1] =	ssyncadd.s32 $0xFFFFC000  }
0xa8: {  	[tilespmem:s22], [sflag:$0x1] =	stream.indirect.gather [hbm4b:s6+s21], $0x80, s24, s21, $0xb8;
	[tilespmem:$0x1CC00] =	vst v63  }
0xa9: {  	_ =	swait.ge [sflag:s29], $0x4000  }
0xaa: {  	[sflag:s29] =	ssyncset.done $0x0  }
0xab: {  	[sflag:s29] =	ssyncadd.s32 $0xFFFFC000  }
0xac: {  	[spmem:s2] =	stream.indirect.scatter.add.f32 [tilespmem:s22], [sflag:$0x3], $0x80, s5, s21, $0xb8;
	[tilespmem:$0x1CC00] =	vst v63  }
0xad: {  	_ =	swait.ge [sflag:s7], $0x4000  }
0xae: {  	[sflag:s7] =	ssyncset.done $0x0  }
0xaf: {  	[sflag:s7] =	ssyncadd.s32 $0xFFFFC000  }
0xb0: {  	[tilespmem:s30], [sflag:$0x2] =	stream.indirect.gather [hbm4b:s6+s21], $0x80, s8, s21, $0xb8;
	[tilespmem:$0x1CC00] =	vst v63  }
0xb1: {  	_ =	swait.ge [sflag:s31], $0x4000  }
0xb2: {  	[sflag:s31] =	ssyncset.done $0x0  }
0xb3: {  	[sflag:s31] =	ssyncadd.s32 $0xFFFFC000  }
0xb4: {  	[spmem:s2] =	stream.indirect.scatter.add.f32 [tilespmem:s30], [sflag:$0x4], $0x80, s9, s21, $0xb8;
	[tilespmem:$0x1CC00] =	vst v63  }
0xb5: {  	_ =	swait.ge [sflag:s1], $0x4000  }
0xb6: {  	[sflag:s1] =	ssyncset.done $0x0  }
0xb7: {  	[sflag:s1] =	ssyncadd.s32 $0xFFFFC000  }
0xb8: {  	[tilespmem:s22], [sflag:$0x1] =	stream.indirect.gather [hbm4b:s6+s21], $0x80, s10, s21, $0xb8;
	[tilespmem:$0x1CC00] =	vst v63  }
0xb9: {  	_ =	swait.ge [sflag:s29], $0x4000  }
0xba: {  	[sflag:s29] =	ssyncset.done $0x0  }
0xbb: {  	[sflag:s29] =	ssyncadd.s32 $0xFFFFC000  }
0xbc: {  	[spmem:s2] =	stream.indirect.scatter.add.f32 [tilespmem:s22], [sflag:$0x3], $0x80, s11, s21, $0xb8;
	[tilespmem:$0x1CC00] =	vst v63  }
0xbd: {  	_ =	swait.ge [sflag:s7], $0x4000  }
0xbe: {  	[sflag:s7] =	ssyncset.done $0x0  }
0xbf: {  	[sflag:s7] =	ssyncadd.s32 $0xFFFFC000  }
0xc0: {  	[tilespmem:s30], [sflag:$0x2] =	stream.indirect.gather [hbm4b:s6+s21], $0x80, s12, s21, $0xb8;
	[tilespmem:$0x1CC00] =	vst v63  }
0xc1: {  	_ =	swait.ge [sflag:s31], $0x4000  }
0xc2: {  	[sflag:s31] =	ssyncset.done $0x0  }
0xc3: {  	[sflag:s31] =	ssyncadd.s32 $0xFFFFC000  }
0xc4: {  	[spmem:s2] =	stream.indirect.scatter.add.f32 [tilespmem:s30], [sflag:$0x4], $0x80, s13, s21, $0xb8;
	[tilespmem:$0x1CC00] =	vst v63  }
0xc5: {  	_ =	swait.ge [sflag:s1], $0x4000  }
0xc6: {  	[sflag:s1] =	ssyncset.done $0x0  }
0xc7: {  	[sflag:s1] =	ssyncadd.s32 $0xFFFFC000  }
0xc8: {  	[tilespmem:s22], [sflag:$0x1] =	stream.indirect.gather [hbm4b:s6+s21], $0x80, s14, s21, $0xb8;
	[tilespmem:$0x1CC00] =	vst v63  }
0xc9: {  	_ =	swait.ge [sflag:s29], $0x4000  }
0xca: {  	[sflag:s29] =	ssyncset.done $0x0  }
0xcb: {  	[sflag:s29] =	ssyncadd.s32 $0xFFFFC000  }
0xcc: {  	[spmem:s2] =	stream.indirect.scatter.add.f32 [tilespmem:s22], [sflag:$0x3], $0x80, s15, s21, $0xb8;
	[tilespmem:$0x1CC00] =	vst v63  }
0xcd: {  	_ =	swait.ge [sflag:s7], $0x4000  }
0xce: {  	[sflag:s7] =	ssyncset.done $0x0  }
0xcf: {  	[sflag:s7] =	ssyncadd.s32 $0xFFFFC000  }
0xd0: {  	[tilespmem:s30], [sflag:$0x2] =	stream.indirect.gather [hbm4b:s6+s21], $0x80, s16, s21, $0xb8;
	[tilespmem:$0x1CC00] =	vst v63  }
0xd1: {  	_ =	swait.ge [sflag:s31], $0x4000  }
0xd2: {  	[sflag:s31] =	ssyncset.done $0x0  }
0xd3: {  	[sflag:s31] =	ssyncadd.s32 $0xFFFFC000  }
0xd4: {  	[spmem:s2] =	stream.indirect.scatter.add.f32 [tilespmem:s30], [sflag:$0x4], $0x80, s23, s21, $0xb8;
	[tilespmem:$0x1CC00] =	vst v63  }
.Ltmp1:
0xd5: {  	_ =	swait.ge [sflag:s1], $0x4000;
	(pc) =	sbr.rel @p0 .LBB2_4-.Ltmp1, $4  }
0xd6: {  	[sflag:s1] =	ssyncset.done $0x0  }
0xd7: {  	[sflag:s1] =	ssyncadd.s32 $0xFFFFC000  }
0xd8: {  	_ =	swait.ge [sflag:s7], $0x4000  }
0xd9: {  	s25 =	smov.u32 s4;
	s26 =	smov.u32 s19;
	[sflag:s7] =	ssyncset.done $0x0  }
0xda: {  	s4 =	sadd.s32 s25, s17;
	[sflag:s7] =	ssyncadd.s32 $0xFFFFC000  }
0xdb: {  	[tilespmem:s3], [sflag:$0x5] =	stream.linear.gather [hbm4b:s4+s3], $0x400, $0x38;
	[tilespmem:$0x1CC00] =	vst v63  }
0xdc: {  	_ =	swait.ge [sflag:s20], $0x400  }
0xdd: {  	s19 =	rddreg [dreg:$0x4];
	[sflag:s20] =	ssyncset.done $0x0  }
0xde: {  	[sflag:s20] =	ssyncadd.s32 $0xFFFFFC00;
	s4 =	sadd.s32 s25, s19  }
0xdf: {  	[tilespmem:s28], [sflag:$0x5] =	stream.linear.gather [hbm4b:s4+s3], $0x400, $0x38;
	[tilespmem:$0x1CC00] =	vst v63  }
0xe0: {  	_ =	swait.ge [sflag:s20], $0x400  }
0xe1: {  	[sflag:s20] =	ssyncset.done $0x0  }
0xe2: {  	[sflag:s20] =	ssyncadd.s32 $0xFFFFFC00  }
0xe3: {  	[tilespmem:s22], [sflag:$0x1] =	stream.indirect.gather [hbm4b:s6+s21], $0x80, s3, s21, $0xb8;
	[tilespmem:$0x1CC00] =	vst v63  }
0xe4: {  	_ =	swait.ge [sflag:s29], $0x4000  }
0xe5: {  	[sflag:s29] =	ssyncset.done $0x0  }
0xe6: {  	[sflag:s29] =	ssyncadd.s32 $0xFFFFC000  }
0xe7: {  	[spmem:s2] =	stream.indirect.scatter.add.f32 [tilespmem:s22], [sflag:$0x3], $0x80, s28, s21, $0xb8;
	[tilespmem:$0x1CC00] =	vst v63  }
0xe8: {  	_ = 	snop  }
0xe9: {  	[tilespmem:s30], [sflag:$0x2] =	stream.indirect.gather [hbm4b:s6+s21], $0x80, s21, s21, $0xb8;
	[tilespmem:$0x1CC00] =	vst v63  }
0xea: {  	_ =	swait.ge [sflag:s31], $0x4000  }
0xeb: {  	[sflag:s31] =	ssyncset.done $0x0  }
0xec: {  	[sflag:s31] =	ssyncadd.s32 $0xFFFFC000  }
0xed: {  	[spmem:s2] =	stream.indirect.scatter.add.f32 [tilespmem:s30], [sflag:$0x4], $0x80, s0, s21, $0xb8;
	[tilespmem:$0x1CC00] =	vst v63  }
0xee: {  	_ =	swait.ge [sflag:s1], $0x4000  }
0xef: {  	[sflag:s1] =	ssyncset.done $0x0  }
0xf0: {  	[sflag:s1] =	ssyncadd.s32 $0xFFFFC000  }
0xf1: {  	[tilespmem:s22], [sflag:$0x1] =	stream.indirect.gather [hbm4b:s6+s21], $0x80, s24, s21, $0xb8;
	[tilespmem:$0x1CC00] =	vst v63  }
0xf2: {  	_ =	swait.ge [sflag:s29], $0x4000  }
0xf3: {  	[sflag:s29] =	ssyncset.done $0x0  }
0xf4: {  	[sflag:s29] =	ssyncadd.s32 $0xFFFFC000  }
0xf5: {  	[spmem:s2] =	stream.indirect.scatter.add.f32 [tilespmem:s22], [sflag:$0x3], $0x80, s5, s21, $0xb8;
	[tilespmem:$0x1CC00] =	vst v63  }
0xf6: {  	_ =	swait.ge [sflag:s7], $0x4000  }
0xf7: {  	[sflag:s7] =	ssyncset.done $0x0  }
0xf8: {  	[sflag:s7] =	ssyncadd.s32 $0xFFFFC000  }
0xf9: {  	[tilespmem:s30], [sflag:$0x2] =	stream.indirect.gather [hbm4b:s6+s21], $0x80, s8, s21, $0xb8;
	[tilespmem:$0x1CC00] =	vst v63  }
0xfa: {  	_ =	swait.ge [sflag:s31], $0x4000  }
0xfb: {  	[sflag:s31] =	ssyncset.done $0x0  }
0xfc: {  	[sflag:s31] =	ssyncadd.s32 $0xFFFFC000  }
0xfd: {  	[spmem:s2] =	stream.indirect.scatter.add.f32 [tilespmem:s30], [sflag:$0x4], $0x80, s9, s21, $0xb8;
	[tilespmem:$0x1CC00] =	vst v63  }
0xfe: {  	_ =	swait.ge [sflag:s1], $0x4000  }
0xff: {  	[sflag:s1] =	ssyncset.done $0x0  }
0x100: {  	[sflag:s1] =	ssyncadd.s32 $0xFFFFC000  }
0x101: {  	[tilespmem:s22], [sflag:$0x1] =	stream.indirect.gather [hbm4b:s6+s21], $0x80, s10, s21, $0xb8;
	[tilespmem:$0x1CC00] =	vst v63  }
0x102: {  	_ =	swait.ge [sflag:s29], $0x4000  }
0x103: {  	[sflag:s29] =	ssyncset.done $0x0  }
0x104: {  	[sflag:s29] =	ssyncadd.s32 $0xFFFFC000  }
0x105: {  	[spmem:s2] =	stream.indirect.scatter.add.f32 [tilespmem:s22], [sflag:$0x3], $0x80, s11, s21, $0xb8;
	[tilespmem:$0x1CC00] =	vst v63  }
0x106: {  	_ =	swait.ge [sflag:s7], $0x4000  }
0x107: {  	[sflag:s7] =	ssyncset.done $0x0  }
0x108: {  	[sflag:s7] =	ssyncadd.s32 $0xFFFFC000  }
0x109: {  	[tilespmem:s30], [sflag:$0x2] =	stream.indirect.gather [hbm4b:s6+s21], $0x80, s12, s21, $0xb8;
	[tilespmem:$0x1CC00] =	vst v63  }
0x10a: {  	_ =	swait.ge [sflag:s31], $0x4000  }
0x10b: {  	[sflag:s31] =	ssyncset.done $0x0  }
0x10c: {  	[sflag:s31] =	ssyncadd.s32 $0xFFFFC000  }
0x10d: {  	[spmem:s2] =	stream.indirect.scatter.add.f32 [tilespmem:s30], [sflag:$0x4], $0x80, s13, s21, $0xb8;
	[tilespmem:$0x1CC00] =	vst v63  }
0x10e: {  	_ =	swait.ge [sflag:s1], $0x4000  }
0x10f: {  	[sflag:s1] =	ssyncset.done $0x0  }
0x110: {  	[sflag:s1] =	ssyncadd.s32 $0xFFFFC000  }
0x111: {  	[tilespmem:s22], [sflag:$0x1] =	stream.indirect.gather [hbm4b:s6+s21], $0x80, s14, s21, $0xb8;
	[tilespmem:$0x1CC00] =	vst v63  }
0x112: {  	_ =	swait.ge [sflag:s29], $0x4000  }
0x113: {  	[sflag:s29] =	ssyncset.done $0x0  }
0x114: {  	[sflag:s29] =	ssyncadd.s32 $0xFFFFC000  }
0x115: {  	[spmem:s2] =	stream.indirect.scatter.add.f32 [tilespmem:s22], [sflag:$0x3], $0x80, s15, s21, $0xb8;
	[tilespmem:$0x1CC00] =	vst v63  }
0x116: {  	_ =	swait.ge [sflag:s7], $0x4000  }
0x117: {  	[sflag:s7] =	ssyncset.done $0x0  }
0x118: {  	[sflag:s7] =	ssyncadd.s32 $0xFFFFC000  }
0x119: {  	[tilespmem:s30], [sflag:$0x2] =	stream.indirect.gather [hbm4b:s6+s21], $0x80, s16, s21, $0xb8;
	[tilespmem:$0x1CC00] =	vst v63  }
0x11a: {  	_ =	swait.ge [sflag:s31], $0x4000  }
0x11b: {  	[sflag:s31] =	ssyncset.done $0x0  }
0x11c: {  	[sflag:s31] =	ssyncadd.s32 $0xFFFFC000  }
0x11d: {  	[spmem:s2] =	stream.indirect.scatter.add.f32 [tilespmem:s30], [sflag:$0x4], $0x80, s23, s21, $0xb8;
	[tilespmem:$0x1CC00] =	vst v63  }
0x11e: {  	_ =	swait.ge [sflag:s1], $0x4000  }
0x11f: {  	[sflag:s1] =	ssyncset.done $0x0  }
0x120: {  	[sflag:s1] =	ssyncadd.s32 $0xFFFFC000  }
0x121: {  	_ =	swait.ge [sflag:s7], $0x4000  }
0x122: {  	[sflag:s7] =	ssyncset.done $0x0  }
0x123: {  	[sflag:s7] =	ssyncadd.s32 $0xFFFFC000  }
0x124: {  	s24 =	simm.s32 $0x800;
	[bflag:$0x0] =	sbarrier.arrive $0xFFFF  }
0x125: {  	[tilespmem:s22], [sflag:$0x5] =	stream.indirect.gather [spmem:s2], $0x80, s24, s21, $0xb8;
	[tilespmem:$0x1CC00] =	vst v63  }
0x126: {  	_ =	swait.ge [sflag:s20], $0x4000  }
0x127: {  	[sflag:s20] =	ssyncset.done $0x0  }
0x128: {  	s4 =	simm.s32 $0x0;
	s19 =	rddreg [dreg:$0x7];
	[sflag:s20] =	ssyncadd.s32 $0xFFFFC000  }
0x129: {  	[hbm4b:s19+s4] =	stream.linear.scatter [tilespmem:s22], [sflag:$0x5], $0x4000, $0x38;
	[tilespmem:$0x1CC00] =	vst v63  }
0x12a: {  	_ =	swait.ge [sflag:s20], $0x4000  }
0x12b: {  	[sflag:s20] =	ssyncset.done $0x0  }
0x12c: {  	s25 =	simm.s32 $0x880;
	[sflag:s20] =	ssyncadd.s32 $0xFFFFC000  }
0x12d: {  	[tilespmem:s22], [sflag:$0x5] =	stream.indirect.gather [spmem:s2], $0x80, s25, s21, $0xb8;
	[tilespmem:$0x1CC00] =	vst v63  }
0x12e: {  	_ =	swait.ge [sflag:s20], $0x4000  }
0x12f: {  	[sflag:s20] =	ssyncset.done $0x0  }
0x130: {  	s26 =	rddreg [dreg:$0x8];
	[sflag:s20] =	ssyncadd.s32 $0xFFFFC000  }
0x131: {  	[hbm4b:s26+s4] =	stream.linear.scatter [tilespmem:s22], [sflag:$0x5], $0x4000, $0x38;
	[tilespmem:$0x1CC00] =	vst v63  }
0x132: {  	_ =	swait.ge [sflag:s20], $0x4000  }
0x133: {  	[sflag:s20] =	ssyncset.done $0x0  }
0x134: {  	s25 =	simm.s32 $0x900;
	[sflag:s20] =	ssyncadd.s32 $0xFFFFC000  }
0x135: {  	[tilespmem:s22], [sflag:$0x5] =	stream.indirect.gather [spmem:s2], $0x80, s25, s21, $0xb8;
	[tilespmem:$0x1CC00] =	vst v63  }
0x136: {  	_ =	swait.ge [sflag:s20], $0x4000  }
0x137: {  	[sflag:s20] =	ssyncset.done $0x0  }
0x138: {  	s26 =	rddreg [dreg:$0x9];
	[sflag:s20] =	ssyncadd.s32 $0xFFFFC000  }
0x139: {  	[hbm4b:s26+s4] =	stream.linear.scatter [tilespmem:s22], [sflag:$0x5], $0x4000, $0x38;
	[tilespmem:$0x1CC00] =	vst v63  }
0x13a: {  	_ =	swait.ge [sflag:s20], $0x4000  }
0x13b: {  	[sflag:s20] =	ssyncset.done $0x0  }
0x13c: {  	s25 =	simm.s32 $0x980;
	[sflag:s20] =	ssyncadd.s32 $0xFFFFC000  }
0x13d: {  	[tilespmem:s22], [sflag:$0x5] =	stream.indirect.gather [spmem:s2], $0x80, s25, s21, $0xb8;
	[tilespmem:$0x1CC00] =	vst v63  }
0x13e: {  	_ =	swait.ge [sflag:s20], $0x4000  }
0x13f: {  	[sflag:s20] =	ssyncset.done $0x0  }
0x140: {  	s26 =	rddreg [dreg:$0xa];
	[sflag:s20] =	ssyncadd.s32 $0xFFFFC000  }
0x141: {  	[hbm4b:s26+s4] =	stream.linear.scatter [tilespmem:s22], [sflag:$0x5], $0x4000, $0x38;
	[tilespmem:$0x1CC00] =	vst v63  }
0x142: {  	_ =	swait.ge [sflag:s20], $0x4000  }
0x143: {  	[sflag:s20] =	ssyncset.done $0x0  }
0x144: {  	s25 =	simm.s32 $0xA00;
	[sflag:s20] =	ssyncadd.s32 $0xFFFFC000  }
0x145: {  	[tilespmem:s22], [sflag:$0x5] =	stream.indirect.gather [spmem:s2], $0x80, s25, s21, $0xb8;
	[tilespmem:$0x1CC00] =	vst v63  }
0x146: {  	_ =	swait.ge [sflag:s20], $0x4000  }
0x147: {  	[sflag:s20] =	ssyncset.done $0x0  }
0x148: {  	s26 =	rddreg [dreg:$0xb];
	[sflag:s20] =	ssyncadd.s32 $0xFFFFC000  }
0x149: {  	[hbm4b:s26+s4] =	stream.linear.scatter [tilespmem:s22], [sflag:$0x5], $0x4000, $0x38;
	[tilespmem:$0x1CC00] =	vst v63  }
0x14a: {  	_ =	swait.ge [sflag:s20], $0x4000  }
0x14b: {  	[sflag:s20] =	ssyncset.done $0x0  }
0x14c: {  	s25 =	simm.s32 $0x0;
	s26 =	simm.s32 $0x200;
	[sflag:s20] =	ssyncadd.s32 $0xFFFFC000  }
.LBB2_6:
0x14d: {  	p0 =	sne.s32 s26, $0xFE00;
	[tilespmem:s25+$0xC70] =	vst v0  }
0x14e: {  	[tilespmem:s25+$0xC00] =	vst v0  }
0x14f: {  	[tilespmem:s25+$0xC10] =	vst v0  }
.Ltmp2:
0x150: {  	[tilespmem:s25+$0xC20] =	vst v0;
	(pc) =	sbr.rel @p0 .LBB2_6-.Ltmp2, $4  }
0x151: {  	[tilespmem:s25+$0xC30] =	vst v0  }
0x152: {  	[tilespmem:s25+$0xC40] =	vst v0  }
0x153: {  	[tilespmem:s25+$0xC50] =	vst v0  }
0x154: {  	[tilespmem:s25+$0xC60] =	vst v0;
	s25 =	sshra.s32 s26, $0x2;
	s26 =	sadd.s32 $0x200, s26  }
0x155: {  	[tilespmem:s25+$0xC70] =	vst v0  }
0x156: {  	[tilespmem:s25+$0xC00] =	vst v0  }
0x157: {  	[tilespmem:s25+$0xC10] =	vst v0  }
0x158: {  	[tilespmem:s25+$0xC20] =	vst v0  }
0x159: {  	[tilespmem:s25+$0xC30] =	vst v0  }
0x15a: {  	[tilespmem:s25+$0xC40] =	vst v0  }
0x15b: {  	[tilespmem:s25+$0xC50] =	vst v0  }
0x15c: {  	[tilespmem:s25+$0xC60] =	vst v0  }
0x15d: {  	[bflag:$0x0] =	sbarrier.arrive $0xFFFF  }
0x15e: {  	[spmem:s2] =	stream.indirect.scatter [tilespmem:s22], [sflag:$0x5], $0x80, s24, s21, $0xb8;
	[tilespmem:$0x1CC00] =	vst v63  }
0x15f: {  	_ =	swait.ge [sflag:s20], $0x4000  }
0x160: {  	[sflag:s20] =	ssyncset.done $0x0  }
0x161: {  	s4 =	simm.s32 $0x880;
	[sflag:s20] =	ssyncadd.s32 $0xFFFFC000  }
0x162: {  	[spmem:s2] =	stream.indirect.scatter [tilespmem:s22], [sflag:$0x5], $0x80, s4, s21, $0xb8;
	[tilespmem:$0x1CC00] =	vst v63  }
0x163: {  	_ =	swait.ge [sflag:s20], $0x4000  }
0x164: {  	[sflag:s20] =	ssyncset.done $0x0  }
0x165: {  	s19 =	simm.s32 $0x900;
	[sflag:s20] =	ssyncadd.s32 $0xFFFFC000  }
0x166: {  	[spmem:s2] =	stream.indirect.scatter [tilespmem:s22], [sflag:$0x5], $0x80, s19, s21, $0xb8;
	[tilespmem:$0x1CC00] =	vst v63  }
0x167: {  	_ =	swait.ge [sflag:s20], $0x4000  }
0x168: {  	[sflag:s20] =	ssyncset.done $0x0  }
0x169: {  	s25 =	simm.s32 $0x980;
	[sflag:s20] =	ssyncadd.s32 $0xFFFFC000  }
0x16a: {  	[spmem:s2] =	stream.indirect.scatter [tilespmem:s22], [sflag:$0x5], $0x80, s25, s21, $0xb8;
	[tilespmem:$0x1CC00] =	vst v63  }
0x16b: {  	_ =	swait.ge [sflag:s20], $0x4000  }
0x16c: {  	[sflag:s20] =	ssyncset.done $0x0  }
0x16d: {  	s26 =	simm.s32 $0xA00;
	[sflag:s20] =	ssyncadd.s32 $0xFFFFC000  }
0x16e: {  	[spmem:s2] =	stream.indirect.scatter [tilespmem:s22], [sflag:$0x5], $0x80, s26, s21, $0xb8;
	[tilespmem:$0x1CC00] =	vst v63  }
0x16f: {  	_ =	swait.ge [sflag:s20], $0x4000  }
0x170: {  	[sflag:s20] =	ssyncset.done $0x0  }
0x171: {  	s25 =	simm.s32 $0x0;
	s26 =	simm.s32 $0x200;
	[sflag:s20] =	ssyncadd.s32 $0xFFFFC000  }
.LBB2_8:
0x172: {  	p0 =	sne.s32 s26, $0xFE00;
	[tilespmem:s25+$0xC70] =	vst v1  }
0x173: {  	[tilespmem:s25+$0xC00] =	vst v1  }
0x174: {  	[tilespmem:s25+$0xC10] =	vst v1  }
.Ltmp3:
0x175: {  	[tilespmem:s25+$0xC20] =	vst v1;
	(pc) =	sbr.rel @p0 .LBB2_8-.Ltmp3, $4  }
0x176: {  	[tilespmem:s25+$0xC30] =	vst v1  }
0x177: {  	[tilespmem:s25+$0xC40] =	vst v1  }
0x178: {  	[tilespmem:s25+$0xC50] =	vst v1  }
0x179: {  	[tilespmem:s25+$0xC60] =	vst v1;
	s25 =	sshra.s32 s26, $0x2;
	s26 =	sadd.s32 $0x200, s26  }
0x17a: {  	[tilespmem:s25+$0xC70] =	vst v1  }
0x17b: {  	[tilespmem:s25+$0xC00] =	vst v1  }
0x17c: {  	[tilespmem:s25+$0xC10] =	vst v1  }
0x17d: {  	[tilespmem:s25+$0xC20] =	vst v1  }
0x17e: {  	[tilespmem:s25+$0xC30] =	vst v1  }
0x17f: {  	[tilespmem:s25+$0xC40] =	vst v1  }
0x180: {  	[tilespmem:s25+$0xC50] =	vst v1  }
0x181: {  	[tilespmem:s25+$0xC60] =	vst v1  }
0x182: {  	s4 =	sadd.s32 $0x0, s18;
	[bflag:$0x0] =	sbarrier.arrive $0xFFFF  }
0x183: {  	[tilespmem:s28], [sflag:$0x5] =	stream.linear.gather [hbm4b:s4+s3], $0x400, $0x38;
	[tilespmem:$0x1CC00] =	vst v63  }
0x184: {  	_ =	swait.ge [sflag:s20], $0x400  }
0x185: {  	[sflag:s20] =	ssyncset.done $0x0  }
0x186: {  	[sflag:s20] =	ssyncadd.s32 $0xFFFFFC00  }
0x187: {  	[spmem:s2] =	stream.indirect.scatter.add.f32 [tilespmem:s22], [sflag:$0x3], $0x80, s28, s21, $0xb8;
	[tilespmem:$0x1CC00] =	vst v63  }
0x188: {  	_ = 	snop  }
0x189: {  	[spmem:s2] =	stream.indirect.scatter.add.f32 [tilespmem:s22], [sflag:$0x4], $0x80, s0, s21, $0xb8;
	[tilespmem:$0x1CC00] =	vst v63  }
0x18a: {  	_ = 	snop  }
0x18b: {  	[spmem:s2] =	stream.indirect.scatter.add.f32 [tilespmem:s22], [sflag:$0x3], $0x80, s5, s21, $0xb8;
	[tilespmem:$0x1CC00] =	vst v63  }
0x18c: {  	_ = 	snop  }
0x18d: {  	[spmem:s2] =	stream.indirect.scatter.add.f32 [tilespmem:s22], [sflag:$0x4], $0x80, s9, s21, $0xb8;
	[tilespmem:$0x1CC00] =	vst v63  }
0x18e: {  	_ = 	snop  }
0x18f: {  	[spmem:s2] =	stream.indirect.scatter.add.f32 [tilespmem:s22], [sflag:$0x3], $0x80, s11, s21, $0xb8;
	[tilespmem:$0x1CC00] =	vst v63  }
0x190: {  	_ = 	snop  }
0x191: {  	[spmem:s2] =	stream.indirect.scatter.add.f32 [tilespmem:s22], [sflag:$0x4], $0x80, s13, s21, $0xb8;
	[tilespmem:$0x1CC00] =	vst v63  }
0x192: {  	_ = 	snop  }
0x193: {  	[spmem:s2] =	stream.indirect.scatter.add.f32 [tilespmem:s22], [sflag:$0x3], $0x80, s15, s21, $0xb8;
	[tilespmem:$0x1CC00] =	vst v63  }
0x194: {  	_ = 	snop  }
0x195: {  	[spmem:s2] =	stream.indirect.scatter.add.f32 [tilespmem:s22], [sflag:$0x4], $0x80, s23, s21, $0xb8;
	[tilespmem:$0x1CC00] =	vst v63  }
0x196: {  	_ =	swait.ge [sflag:s1], $0x4000  }
0x197: {  	[sflag:s1] =	ssyncset.done $0x0  }
0x198: {  	[sflag:s1] =	ssyncadd.s32 $0xFFFFC000  }
0x199: {  	_ =	swait.ge [sflag:s7], $0x4000  }
0x19a: {  	[sflag:s7] =	ssyncset.done $0x0  }
0x19b: {  	[sflag:s7] =	ssyncadd.s32 $0xFFFFC000  }
0x19c: {  	_ =	swait.ge [sflag:s1], $0x4000  }
0x19d: {  	[sflag:s1] =	ssyncset.done $0x0  }
0x19e: {  	[sflag:s1] =	ssyncadd.s32 $0xFFFFC000  }
0x19f: {  	_ =	swait.ge [sflag:s7], $0x4000  }
0x1a0: {  	[sflag:s7] =	ssyncset.done $0x0  }
0x1a1: {  	[sflag:s7] =	ssyncadd.s32 $0xFFFFC000  }
0x1a2: {  	_ =	swait.ge [sflag:s1], $0x4000  }
0x1a3: {  	[sflag:s1] =	ssyncset.done $0x0  }
0x1a4: {  	[sflag:s1] =	ssyncadd.s32 $0xFFFFC000  }
0x1a5: {  	_ =	swait.ge [sflag:s7], $0x4000  }
0x1a6: {  	[sflag:s7] =	ssyncset.done $0x0  }
0x1a7: {  	[sflag:s7] =	ssyncadd.s32 $0xFFFFC000  }
0x1a8: {  	_ =	swait.ge [sflag:s1], $0x4000  }
0x1a9: {  	[sflag:s1] =	ssyncset.done $0x0  }
0x1aa: {  	[sflag:s1] =	ssyncadd.s32 $0xFFFFC000  }
0x1ab: {  	_ =	swait.ge [sflag:s7], $0x4000  }
0x1ac: {  	s25 =	simm.s32 $0x80;
	s19 =	simm.s32 $0x100;
	[sflag:s7] =	ssyncset.done $0x0  }
.LBB2_10:
0x1ad: {  	s4 =	sadd.s32 s25, s18  }
0x1ae: {  	[sflag:s7] =	ssyncadd.s32 $0xFFFFC000;
	s25 =	smov.u32 s19;
	s26 =	sadd.s32 $0x80, s19  }
0x1af: {  	[tilespmem:s28], [sflag:$0x5] =	stream.linear.gather [hbm4b:s4+s3], $0x400, $0x38;
	[tilespmem:$0x1CC00] =	vst v63  }
0x1b0: {  	p0 =	sne.s32 s19, $0x200;
	_ =	swait.ge [sflag:s20], $0x400  }
0x1b1: {  	[sflag:s20] =	ssyncset.done $0x0  }
0x1b2: {  	[sflag:s20] =	ssyncadd.s32 $0xFFFFFC00  }
0x1b3: {  	[spmem:s2] =	stream.indirect.scatter.add.f32 [tilespmem:s22], [sflag:$0x3], $0x80, s28, s21, $0xb8;
	[tilespmem:$0x1CC00] =	vst v63  }
0x1b4: {  	_ = 	snop  }
0x1b5: {  	[spmem:s2] =	stream.indirect.scatter.add.f32 [tilespmem:s22], [sflag:$0x4], $0x80, s0, s21, $0xb8;
	[tilespmem:$0x1CC00] =	vst v63  }
0x1b6: {  	_ = 	snop  }
0x1b7: {  	[spmem:s2] =	stream.indirect.scatter.add.f32 [tilespmem:s22], [sflag:$0x3], $0x80, s5, s21, $0xb8;
	[tilespmem:$0x1CC00] =	vst v63  }
0x1b8: {  	_ = 	snop  }
0x1b9: {  	[spmem:s2] =	stream.indirect.scatter.add.f32 [tilespmem:s22], [sflag:$0x4], $0x80, s9, s21, $0xb8;
	[tilespmem:$0x1CC00] =	vst v63  }
0x1ba: {  	_ = 	snop  }
0x1bb: {  	[spmem:s2] =	stream.indirect.scatter.add.f32 [tilespmem:s22], [sflag:$0x3], $0x80, s11, s21, $0xb8;
	[tilespmem:$0x1CC00] =	vst v63  }
0x1bc: {  	_ = 	snop  }
0x1bd: {  	[spmem:s2] =	stream.indirect.scatter.add.f32 [tilespmem:s22], [sflag:$0x4], $0x80, s13, s21, $0xb8;
	[tilespmem:$0x1CC00] =	vst v63  }
0x1be: {  	_ = 	snop  }
0x1bf: {  	[spmem:s2] =	stream.indirect.scatter.add.f32 [tilespmem:s22], [sflag:$0x3], $0x80, s15, s21, $0xb8;
	[tilespmem:$0x1CC00] =	vst v63  }
0x1c0: {  	_ = 	snop  }
0x1c1: {  	[spmem:s2] =	stream.indirect.scatter.add.f32 [tilespmem:s22], [sflag:$0x4], $0x80, s23, s21, $0xb8;
	[tilespmem:$0x1CC00] =	vst v63  }
0x1c2: {  	_ =	swait.ge [sflag:s1], $0x4000  }
0x1c3: {  	[sflag:s1] =	ssyncset.done $0x0  }
0x1c4: {  	[sflag:s1] =	ssyncadd.s32 $0xFFFFC000  }
0x1c5: {  	_ =	swait.ge [sflag:s7], $0x4000  }
0x1c6: {  	[sflag:s7] =	ssyncset.done $0x0  }
0x1c7: {  	[sflag:s7] =	ssyncadd.s32 $0xFFFFC000  }
0x1c8: {  	_ =	swait.ge [sflag:s1], $0x4000  }
0x1c9: {  	[sflag:s1] =	ssyncset.done $0x0  }
0x1ca: {  	[sflag:s1] =	ssyncadd.s32 $0xFFFFC000  }
0x1cb: {  	_ =	swait.ge [sflag:s7], $0x4000  }
0x1cc: {  	[sflag:s7] =	ssyncset.done $0x0  }
0x1cd: {  	[sflag:s7] =	ssyncadd.s32 $0xFFFFC000  }
0x1ce: {  	_ =	swait.ge [sflag:s1], $0x4000  }
0x1cf: {  	[sflag:s1] =	ssyncset.done $0x0  }
0x1d0: {  	[sflag:s1] =	ssyncadd.s32 $0xFFFFC000  }
0x1d1: {  	_ =	swait.ge [sflag:s7], $0x4000  }
0x1d2: {  	[sflag:s7] =	ssyncset.done $0x0  }
0x1d3: {  	[sflag:s7] =	ssyncadd.s32 $0xFFFFC000  }
.Ltmp4:
0x1d4: {  	_ =	swait.ge [sflag:s1], $0x4000;
	(pc) =	sbr.rel @p0 .LBB2_10-.Ltmp4, $4  }
0x1d5: {  	[sflag:s1] =	ssyncset.done $0x0  }
0x1d6: {  	[sflag:s1] =	ssyncadd.s32 $0xFFFFC000  }
0x1d7: {  	_ =	swait.ge [sflag:s7], $0x4000  }
0x1d8: {  	s19 =	smov.u32 s26;
	[sflag:s7] =	ssyncset.done $0x0  }
0x1d9: {  	s4 =	sadd.s32 s25, s18;
	[sflag:s7] =	ssyncadd.s32 $0xFFFFC000  }
0x1da: {  	[tilespmem:s28], [sflag:$0x5] =	stream.linear.gather [hbm4b:s4+s3], $0x400, $0x38;
	[tilespmem:$0x1CC00] =	vst v63  }
0x1db: {  	_ =	swait.ge [sflag:s20], $0x400  }
0x1dc: {  	[sflag:s20] =	ssyncset.done $0x0  }
0x1dd: {  	[sflag:s20] =	ssyncadd.s32 $0xFFFFFC00  }
0x1de: {  	[spmem:s2] =	stream.indirect.scatter.add.f32 [tilespmem:s22], [sflag:$0x3], $0x80, s28, s21, $0xb8;
	[tilespmem:$0x1CC00] =	vst v63  }
0x1df: {  	_ = 	snop  }
0x1e0: {  	[spmem:s2] =	stream.indirect.scatter.add.f32 [tilespmem:s22], [sflag:$0x4], $0x80, s0, s21, $0xb8;
	[tilespmem:$0x1CC00] =	vst v63  }
0x1e1: {  	_ = 	snop  }
0x1e2: {  	[spmem:s2] =	stream.indirect.scatter.add.f32 [tilespmem:s22], [sflag:$0x3], $0x80, s5, s21, $0xb8;
	[tilespmem:$0x1CC00] =	vst v63  }
0x1e3: {  	_ = 	snop  }
0x1e4: {  	[spmem:s2] =	stream.indirect.scatter.add.f32 [tilespmem:s22], [sflag:$0x4], $0x80, s9, s21, $0xb8;
	[tilespmem:$0x1CC00] =	vst v63  }
0x1e5: {  	_ = 	snop  }
0x1e6: {  	[spmem:s2] =	stream.indirect.scatter.add.f32 [tilespmem:s22], [sflag:$0x3], $0x80, s11, s21, $0xb8;
	[tilespmem:$0x1CC00] =	vst v63  }
0x1e7: {  	_ = 	snop  }
0x1e8: {  	[spmem:s2] =	stream.indirect.scatter.add.f32 [tilespmem:s22], [sflag:$0x4], $0x80, s13, s21, $0xb8;
	[tilespmem:$0x1CC00] =	vst v63  }
0x1e9: {  	_ = 	snop  }
0x1ea: {  	[spmem:s2] =	stream.indirect.scatter.add.f32 [tilespmem:s22], [sflag:$0x3], $0x80, s15, s21, $0xb8;
	[tilespmem:$0x1CC00] =	vst v63  }
0x1eb: {  	_ = 	snop  }
0x1ec: {  	[spmem:s2] =	stream.indirect.scatter.add.f32 [tilespmem:s22], [sflag:$0x4], $0x80, s23, s21, $0xb8;
	[tilespmem:$0x1CC00] =	vst v63  }
0x1ed: {  	_ =	swait.ge [sflag:s1], $0x4000  }
0x1ee: {  	[sflag:s1] =	ssyncset.done $0x0  }
0x1ef: {  	[sflag:s1] =	ssyncadd.s32 $0xFFFFC000  }
0x1f0: {  	_ =	swait.ge [sflag:s7], $0x4000  }
0x1f1: {  	[sflag:s7] =	ssyncset.done $0x0  }
0x1f2: {  	[sflag:s7] =	ssyncadd.s32 $0xFFFFC000  }
0x1f3: {  	_ =	swait.ge [sflag:s1], $0x4000  }
0x1f4: {  	[sflag:s1] =	ssyncset.done $0x0  }
0x1f5: {  	[sflag:s1] =	ssyncadd.s32 $0xFFFFC000  }
0x1f6: {  	_ =	swait.ge [sflag:s7], $0x4000  }
0x1f7: {  	[sflag:s7] =	ssyncset.done $0x0  }
0x1f8: {  	[sflag:s7] =	ssyncadd.s32 $0xFFFFC000  }
0x1f9: {  	_ =	swait.ge [sflag:s1], $0x4000  }
0x1fa: {  	[sflag:s1] =	ssyncset.done $0x0  }
0x1fb: {  	[sflag:s1] =	ssyncadd.s32 $0xFFFFC000  }
0x1fc: {  	_ =	swait.ge [sflag:s7], $0x4000  }
0x1fd: {  	[sflag:s7] =	ssyncset.done $0x0  }
0x1fe: {  	[sflag:s7] =	ssyncadd.s32 $0xFFFFC000  }
0x1ff: {  	_ =	swait.ge [sflag:s1], $0x4000  }
0x200: {  	[sflag:s1] =	ssyncset.done $0x0  }
0x201: {  	[sflag:s1] =	ssyncadd.s32 $0xFFFFC000  }
0x202: {  	_ =	swait.ge [sflag:s7], $0x4000  }
0x203: {  	[sflag:s7] =	ssyncset.done $0x0  }
0x204: {  	[sflag:s7] =	ssyncadd.s32 $0xFFFFC000  }
0x205: {  	[bflag:$0x0] =	sbarrier.arrive $0xFFFF  }
0x206: {  	[tilespmem:s30], [sflag:$0x5] =	stream.indirect.gather [spmem:s2], $0x80, s24, s21, $0xb8;
	[tilespmem:$0x1CC00] =	vst v63  }
0x207: {  	_ =	swait.ge [sflag:s20], $0x4000  }
0x208: {  	[sflag:s20] =	ssyncset.done $0x0  }
0x209: {  	s26 =	rddreg [dreg:$0xc];
	[sflag:s20] =	ssyncadd.s32 $0xFFFFC000  }
0x20a: {  	[hbm4b:s26+s3] =	stream.linear.scatter [tilespmem:s30], [sflag:$0x5], $0x4000, $0x38;
	[tilespmem:$0x1CC00] =	vst v63  }
0x20b: {  	_ =	swait.ge [sflag:s20], $0x4000  }
0x20c: {  	[sflag:s20] =	ssyncset.done $0x0  }
0x20d: {  	s19 =	simm.s32 $0x880;
	[sflag:s20] =	ssyncadd.s32 $0xFFFFC000  }
0x20e: {  	[tilespmem:s30], [sflag:$0x5] =	stream.indirect.gather [spmem:s2], $0x80, s19, s21, $0xb8;
	[tilespmem:$0x1CC00] =	vst v63  }
0x20f: {  	_ =	swait.ge [sflag:s20], $0x4000  }
0x210: {  	[sflag:s20] =	ssyncset.done $0x0  }
0x211: {  	s25 =	rddreg [dreg:$0xd];
	[sflag:s20] =	ssyncadd.s32 $0xFFFFC000  }
0x212: {  	[hbm4b:s25+s3] =	stream.linear.scatter [tilespmem:s30], [sflag:$0x5], $0x4000, $0x38;
	[tilespmem:$0x1CC00] =	vst v63  }
0x213: {  	_ =	swait.ge [sflag:s20], $0x4000  }
0x214: {  	[sflag:s20] =	ssyncset.done $0x0  }
0x215: {  	s26 =	simm.s32 $0x900;
	[sflag:s20] =	ssyncadd.s32 $0xFFFFC000  }
0x216: {  	[tilespmem:s30], [sflag:$0x5] =	stream.indirect.gather [spmem:s2], $0x80, s26, s21, $0xb8;
	[tilespmem:$0x1CC00] =	vst v63  }
0x217: {  	_ =	swait.ge [sflag:s20], $0x4000  }
0x218: {  	[sflag:s20] =	ssyncset.done $0x0  }
0x219: {  	s19 =	rddreg [dreg:$0xe];
	[sflag:s20] =	ssyncadd.s32 $0xFFFFC000  }
0x21a: {  	[hbm4b:s19+s3] =	stream.linear.scatter [tilespmem:s30], [sflag:$0x5], $0x4000, $0x38;
	[tilespmem:$0x1CC00] =	vst v63  }
0x21b: {  	_ =	swait.ge [sflag:s20], $0x4000  }
0x21c: {  	[sflag:s20] =	ssyncset.done $0x0  }
0x21d: {  	s25 =	simm.s32 $0x980;
	[sflag:s20] =	ssyncadd.s32 $0xFFFFC000  }
0x21e: {  	[tilespmem:s30], [sflag:$0x5] =	stream.indirect.gather [spmem:s2], $0x80, s25, s21, $0xb8;
	[tilespmem:$0x1CC00] =	vst v63  }
0x21f: {  	_ =	swait.ge [sflag:s20], $0x4000  }
0x220: {  	[sflag:s20] =	ssyncset.done $0x0  }
0x221: {  	s26 =	rddreg [dreg:$0xf];
	[sflag:s20] =	ssyncadd.s32 $0xFFFFC000  }
0x222: {  	[hbm4b:s26+s3] =	stream.linear.scatter [tilespmem:s30], [sflag:$0x5], $0x4000, $0x38;
	[tilespmem:$0x1CC00] =	vst v63  }
0x223: {  	_ =	swait.ge [sflag:s20], $0x4000  }
0x224: {  	[sflag:s20] =	ssyncset.done $0x0  }
0x225: {  	s19 =	simm.s32 $0xA00;
	[sflag:s20] =	ssyncadd.s32 $0xFFFFC000  }
0x226: {  	[tilespmem:s30], [sflag:$0x5] =	stream.indirect.gather [spmem:s2], $0x80, s19, s21, $0xb8;
	[tilespmem:$0x1CC00] =	vst v63  }
0x227: {  	_ =	swait.ge [sflag:s20], $0x4000  }
0x228: {  	[sflag:s20] =	ssyncset.done $0x0  }
0x229: {  	s25 =	rddreg [dreg:$0x10];
	[sflag:s20] =	ssyncadd.s32 $0xFFFFC000  }
0x22a: {  	[hbm4b:s25+s3] =	stream.linear.scatter [tilespmem:s30], [sflag:$0x5], $0x4000, $0x38;
	[tilespmem:$0x1CC00] =	vst v63  }
0x22b: {  	_ =	swait.ge [sflag:s20], $0x4000  }
0x22c: {  	s19 =	rddreg [dreg:$0x11]  }
0x22d: {  	s26 =	rddreg [dreg:$0x6];
	s19 =	sadd.s32 $0x1, s19  }
0x22e: {  	p0 =	sne.s32 s19, s26  }
.Ltmp5:
0x22f: {  	_ = 	snop;
	(pc) =	sbr.rel @p0 .LBB2_1-.Ltmp5, $3  }
0x230: {  	_ =	sdelay $0x1  }
0x231: {  	[sflag:s20] =	ssyncset.done $0x0  }
0x232: {  	[sflag:s20] =	ssyncadd.s32 $0xFFFFC000  }
0x233: {  	_ =	sfence.sel $0x180000  }
0x234: {  	[bflag:$0x0] =	sbarrier.arrive $0xFFFF  }
0x235: {  	_ =	strace $0x90000047  }
0x236: {  	s0 =	stileid.u32;
	[bflag:$0x2] =	sbarrier.arrive $0xFFFF  }
0x237: {  	p0 =	sne.s32 s0, $0x0;
	s0 =	rddreg [dreg:$0x3]  }
0x238: {  	s0 =	sadd.s32 @!p0 $0x100000, s0  }
0x239: {  	[sflag:s0] =	ssyncadd.tile.s32 @!p0 $0x1;
	_ =	shalt  }
.Lfunc_end2:
_tile_overlayer_lowered:
.L_overlay_start_2:
0x23a: {  	(tag) =	ssettag $0x2  }
0x23b: {  	s0 =	rddreg [dreg:$0x0];
	s2 =	stileid.u32  }
0x23c: {  	s1 =	rddreg [dreg:$0x1];
	p0 =	sne.s32 s2, $0x0  }
0x23d: {  	s3 =	rddreg [dreg:$0x2];
	[bflag:$0x3] =	sbarrier.arrive $0xFFFF;
	s2 =	simm.s32 @!p0 $0x1C05  }
0x23e: {  	[timem:s3], [sflag:s2] =	dma.local @!p0 [hbm:s0], s1  }
0x23f: {  	s0 =	simm.s32 @!p0 $0x5  }
0x240: {  	_ =	swait.ge @!p0 [sflag:s0], s1  }
0x241: {  	s1 =	ssub.s32 @!p0 $0x0, s1;
	[sflag:s0] =	ssyncset.done @!p0 $0x0  }
0x242: {  	[sflag:s0] =	ssyncadd.s32 @!p0 s1  }
0x243: {  	[bflag:$0x3] =	sbarrier.arrive $0xFFFF  }
0x244: {  	_ =	shalt  }

</sc_bundles>
